<compile_context>
chip_gen: v7x
topology: tpu7x:2x2x1
jax: 0.10.2.dev20260603
libtpu: 0.0.44.dev20260713+nightly
codegen_flags: <defaults>
</compile_context>

<pallas_src>
import jax
import jax.numpy as jnp
from jax import lax
from jax.experimental import pallas as pl
from jax.experimental.pallas import tpu as pltpu
from jax.experimental.pallas import tpu_sc as plsc

_B = 16384
_D = 128
_NC = 2
_NS = 16
_NW = _NC * _NS
_PER_W = _B // _NW
_C = 16
_NSUB = _PER_W // _C
_WT = 5.0


def _body(E_re, E_im, E2_re, E2_im, Rp3, Tp2,
          sv, rv, ov, tv, out,
          idx_s, idx_r, idx_o, idx_t, erows, rrows, trows, out_v, sems):
  cid = lax.axis_index("c")
  sid = lax.axis_index("s")
  wid = sid * _NC + cid
  base = wid * _PER_W

  pltpu.sync_copy(sv.at[pl.ds(base, _PER_W)], idx_s)
  pltpu.sync_copy(rv.at[pl.ds(base, _PER_W)], idx_r)
  pltpu.sync_copy(ov.at[pl.ds(base, _PER_W)], idx_o)
  pltpu.sync_copy(tv.at[pl.ds(base, _PER_W)], idx_t)

  egathers = (
      (E_re, idx_s), (E_im, idx_s),
      (E_re, idx_o), (E_im, idx_o),
      (E2_re, idx_s), (E2_im, idx_s),
      (E2_re, idx_o), (E2_im, idx_o),
  )
  sgathers = (
      (Rp3, idx_r, rrows),
      (Tp2, idx_t, trows),
  )

  lanes = lax.iota(jnp.int32, 16)

  def fire(sub, b):
    sl = pl.ds(sub * _C, _C)
    for k, (tbl, idxf) in enumerate(egathers):
      pltpu.async_copy(tbl.at[idxf.at[sl]], erows.at[b, k], sems.at[b])
    for tbl, idxf, dst in sgathers:
      pltpu.async_copy(tbl.at[idxf.at[sl]], dst.at[b], sems.at[b])

  def wait(sub, b):
    sl = pl.ds(sub * _C, _C)
    for k, (tbl, idxf) in enumerate(egathers):
      pltpu.make_async_copy(tbl.at[idxf.at[sl]], erows.at[b, k],
                            sems.at[b]).wait()
    for tbl, idxf, dst in sgathers:
      pltpu.make_async_copy(tbl.at[idxf.at[sl]], dst.at[b],
                            sems.at[b]).wait()

  def compute(sub, b):
    def dbody(d, accs):
      a0, a1 = accs
      col = jnp.bitwise_and(d + lanes, _D - 1)

      def lde(k):
        return plsc.load_gather(erows.at[b, k], [lanes, col])

      def lds(ref, coloff):
        xi = plsc.load_gather(ref.at[b], [lanes, col + coloff])
        xb = plsc.bitcast(xi, jnp.bfloat16)
        return plsc.unpack(xb, format=plsc.PackFormat.INTERLEAVED)

      esr, esi = lde(0), lde(1)
      eor, eoi = lde(2), lde(3)
      e2sr, e2si = lde(4), lde(5)
      e2or, e2oi = lde(6), lde(7)
      rrr, rri = lds(rrows, 0)
      rsr, rsi = lds(rrows, _D)
      ror, roi = lds(rrows, 2 * _D)
      tsr, tsi = lds(trows, 0)
      tor, toi = lds(trows, _D)
      bre = esr * rrr - esi * rri
      bim = esr * rri + esi * rrr
      term = bre * eor + bim * eoi
      sre = esr * rsr - esi * rsi
      sim = esr * rsi + esi * rsr
      srt = sre * tsr + sim * tsi
      ore = eor * ror - eoi * roi
      oim = eor * roi + eoi * ror
      ort = ore * tor + oim * toi
      tre = e2sr * tsr - e2si * tsi
      tim = e2sr * tsi + e2si * tsr
      sot = tre * e2or + tim * e2oi
      return (a0 + (term + srt), a1 + (ort + _WT * sot))

    z = jnp.zeros((16,), jnp.float32)
    a0, a1 = lax.fori_loop(0, _D, dbody, (z, z), unroll=2)
    out_v[pl.ds(sub * _C, _C)] = a0 + a1

  fire(0, 0)

  def pipe(it, carry):
    sub0 = it * 2
    fire(sub0 + 1, 1)
    wait(sub0, 0)
    compute(sub0, 0)

    @pl.when(sub0 + 2 < _NSUB)
    def _():
      fire(sub0 + 2, 0)

    wait(sub0 + 1, 1)
    compute(sub0 + 1, 1)
    return carry

  lax.fori_loop(0, _NSUB // 2, pipe, 0)
  pltpu.sync_copy(out_v, out.at[pl.ds(base, _PER_W)])


_mesh = plsc.VectorSubcoreMesh(core_axis_name="c", subcore_axis_name="s",
                               num_cores=_NC, num_subcores=_NS)

_score = pl.kernel(
    _body,
    out_type=jax.ShapeDtypeStruct((_B,), jnp.float32),
    mesh=_mesh,
    scratch_types=[
        pltpu.VMEM((_PER_W,), jnp.int32),
        pltpu.VMEM((_PER_W,), jnp.int32),
        pltpu.VMEM((_PER_W,), jnp.int32),
        pltpu.VMEM((_PER_W,), jnp.int32),
        pltpu.VMEM((2, 8, _C, _D), jnp.float32),
        pltpu.VMEM((2, _C, 3 * _D), jnp.int32),
        pltpu.VMEM((2, _C, 2 * _D), jnp.int32),
        pltpu.VMEM((_PER_W,), jnp.float32),
        pltpu.SemaphoreType.DMA((2,)),
    ],
    compiler_params=pltpu.CompilerParams(needs_layout_passes=False),
)


def _pack_bf16_pair(re, im):
  n = re.shape[0]
  both = jnp.stack([re.astype(jnp.bfloat16), im.astype(jnp.bfloat16)],
                   axis=-1)
  return lax.bitcast_convert_type(both, jnp.int32).reshape(n, _D)


@jax.jit
def kernel(E_re, E_im, E2_re, E2_im, R_re, R_im, Rs_re, Rs_im, Ro_re, Ro_im,
           Ts_re, Ts_im, To_re, To_im, s, r, o, t):
  rp3 = jnp.concatenate(
      [_pack_bf16_pair(R_re, R_im),
       _pack_bf16_pair(_WT * Rs_re, _WT * Rs_im),
       _pack_bf16_pair(_WT * Ro_re, _WT * Ro_im)], axis=1)
  tp2 = jnp.concatenate(
      [_pack_bf16_pair(Ts_re, Ts_im),
       _pack_bf16_pair(To_re, To_im)], axis=1)
  return _score(E_re, E_im, E2_re, E2_im, rp3, tp2,
                s.astype(jnp.int32), r.astype(jnp.int32),
                o.astype(jnp.int32), t.astype(jnp.int32))

# --- scband reference (transcript-rebuilt; emitter-appended) ---
"""Pipeline reference for scband-time-plex-62491774157109 (READ-ONLY COPY).

The authoritative reference and input builder live on the scoring server;
editing this copy changes nothing except your own understanding.
"""

import jax, jax.numpy as jnp
import numpy as np

NE = 100000   # nentity
NR = 231      # nrelation + 1
NT = 365      # number of time bins
D = 128       # embedding_dim
B = 16384     # batch
SRT_WT = 5.0
ORT_WT = 5.0
SOT_WT = 5.0


def setup_inputs(seed: int = 0) -> dict:
    key = jax.random.key(seed)
    ks = jax.random.split(key, 18)
    def tbl(k, n):
        return jax.random.normal(k, (n, D), dtype=jnp.float32) * 0.1
    inp = {}
    inp['E_re'] = tbl(ks[0], NE)
    inp['E_im'] = tbl(ks[1], NE)
    inp['E2_re'] = tbl(ks[2], NE)
    inp['E2_im'] = tbl(ks[3], NE)
    inp['R_re'] = tbl(ks[4], NR)
    inp['R_im'] = tbl(ks[5], NR)
    inp['Rs_re'] = tbl(ks[6], NR)
    inp['Rs_im'] = tbl(ks[7], NR)
    inp['Ro_re'] = tbl(ks[8], NR)
    inp['Ro_im'] = tbl(ks[9], NR)
    inp['Ts_re'] = tbl(ks[10], NT)
    inp['Ts_im'] = tbl(ks[11], NT)
    inp['To_re'] = tbl(ks[12], NT)
    inp['To_im'] = tbl(ks[13], NT)
    inp['s'] = jax.random.randint(ks[14], (B,), 0, NE, dtype=jnp.int64) if jax.config.jax_enable_x64 else jax.random.randint(ks[14], (B,), 0, NE, dtype=jnp.int32)
    inp['r'] = jax.random.randint(ks[15], (B,), 0, 230, dtype=jnp.int32)
    inp['o'] = jax.random.randint(ks[16], (B,), 0, NE, dtype=jnp.int32)
    inp['t'] = jax.random.randint(ks[17], (B,), 0, NT, dtype=jnp.int32)
    return inp


def complex_score(ar, ai, br, bi, cr, ci):
    # Re( <a, b, conj(c)> ) summed over embedding dim
    return jnp.sum((ar * br - ai * bi) * cr + (ar * bi + ai * br) * ci, axis=-1)


def reference(E_re, E_im, E2_re, E2_im, R_re, R_im, Rs_re, Rs_im, Ro_re, Ro_im,
              Ts_re, Ts_im, To_re, To_im, s, r, o, t):
    # embedding gathers (SparseCore-friendly)
    es_re = jnp.take(E_re, s, axis=0); es_im = jnp.take(E_im, s, axis=0)
    eo_re = jnp.take(E_re, o, axis=0); eo_im = jnp.take(E_im, o, axis=0)
    e2s_re = jnp.take(E2_re, s, axis=0); e2s_im = jnp.take(E2_im, s, axis=0)
    e2o_re = jnp.take(E2_re, o, axis=0); e2o_im = jnp.take(E2_im, o, axis=0)
    rr_re = jnp.take(R_re, r, axis=0); rr_im = jnp.take(R_im, r, axis=0)
    rs_re = jnp.take(Rs_re, r, axis=0); rs_im = jnp.take(Rs_im, r, axis=0)
    ro_re = jnp.take(Ro_re, r, axis=0); ro_im = jnp.take(Ro_im, r, axis=0)
    ts_re = jnp.take(Ts_re, t, axis=0); ts_im = jnp.take(Ts_im, t, axis=0)
    to_re = jnp.take(To_re, t, axis=0); to_im = jnp.take(To_im, t, axis=0)
    # TimePlex base scoring: ComplEx(s,r,o) + weighted temporal factors
    base = complex_score(es_re, es_im, rr_re, rr_im, eo_re, eo_im)
    srt = complex_score(es_re, es_im, rs_re, rs_im, ts_re, ts_im)
    ort = complex_score(eo_re, eo_im, ro_re, ro_im, to_re, to_im)
    sot = complex_score(e2s_re, e2s_im, ts_re, ts_im, e2o_re, e2o_im)
    return base + SRT_WT * srt + ORT_WT * ort + SOT_WT * sot


if False:  # reference __main__ guard neutralized (emitter)
    out = reference(**setup_inputs())
    print(out.shape, out.dtype)

if __name__ == "__main__":
    import jax
    _d = setup_inputs()
    print(jax.jit(kernel)(*tuple(_d.values())))

</pallas_src>

<mosaic_0001>
#map = affine_map<(d0, d1) -> (0, 0)>
#map1 = affine_map<(d0, d1) -> (0)>
module attributes {stable_mosaic.version = 14 : i64} {
  func.func @_body(%arg0: i32, %arg1: i32, %arg2: memref<100000x128xf32, #tpu.memory_space<hbm>>, %arg3: memref<100000x128xf32, #tpu.memory_space<hbm>>, %arg4: memref<100000x128xf32, #tpu.memory_space<hbm>>, %arg5: memref<100000x128xf32, #tpu.memory_space<hbm>>, %arg6: memref<231x384xi32, #tpu.memory_space<hbm>>, %arg7: memref<365x256xi32, #tpu.memory_space<hbm>>, %arg8: memref<16384xi32, #tpu.memory_space<hbm>>, %arg9: memref<16384xi32, #tpu.memory_space<hbm>>, %arg10: memref<16384xi32, #tpu.memory_space<hbm>>, %arg11: memref<16384xi32, #tpu.memory_space<hbm>>, %arg12: memref<16384xf32, #tpu.memory_space<hbm>>, %arg13: memref<512xi32, #tpu.memory_space<vmem>>, %arg14: memref<512xi32, #tpu.memory_space<vmem>>, %arg15: memref<512xi32, #tpu.memory_space<vmem>>, %arg16: memref<512xi32, #tpu.memory_space<vmem>>, %arg17: memref<2x8x16x128xf32, #tpu.memory_space<vmem>>, %arg18: memref<2x16x384xi32, #tpu.memory_space<vmem>>, %arg19: memref<2x16x256xi32, #tpu.memory_space<vmem>>, %arg20: memref<512xf32, #tpu.memory_space<vmem>>, %arg21: memref<2x!tpu.dma_semaphore, #tpu.memory_space<semaphore_mem>>) attributes {dimension_semantics = [#tpu.dimension_semantics<core_parallel>, #tpu.dimension_semantics<subcore_parallel>], iteration_bounds = array<i64: 2, 16>, scalar_prefetch = 0 : i64, scratch_operands = 9 : i64, tpu.core_type = #tpu.core_type<sc_vector_subcore>, window_params = [{transform_indices = #map}, {transform_indices = #map}, {transform_indices = #map}, {transform_indices = #map}, {transform_indices = #map}, {transform_indices = #map}, {transform_indices = #map1}, {transform_indices = #map1}, {transform_indices = #map1}, {transform_indices = #map1}, {transform_indices = #map1}]} {
    %mul3A = arith.constant 2 : i32
    %mul3A_0 = arith.muli %arg1, %mul3A : i32
    %add3A = arith.addi %mul3A_0, %arg0 : i32
    %mul3A_1 = arith.constant 512 : i32
    %mul3A_2 = arith.muli %add3A, %mul3A_1 : i32
    "tpu.region"() ({
      %run_scoped3A = tpu.sem_alloc : memref<!tpu.dma_semaphore, #tpu.memory_space<semaphore_mem>>
      %dma_start3A_145 = tpu.memref_slice %arg8[%mul3A_2] : memref<16384xi32, #tpu.memory_space<hbm>> -> memref<512xi32, #tpu.memory_space<hbm>>
      %dma_start3A_146 = tpu.memref_slice %arg8[%mul3A_2] : memref<16384xi32, #tpu.memory_space<hbm>> -> memref<512xi32, #tpu.memory_space<hbm>>
      tpu.enqueue_dma source(%dma_start3A_146 : memref<512xi32, #tpu.memory_space<hbm>>) target(%arg13 : memref<512xi32, #tpu.memory_space<vmem>>) target_semaphore(%run_scoped3A : memref<!tpu.dma_semaphore, #tpu.memory_space<semaphore_mem>>)
      %dma_wait3A = tpu.memref_slice %arg8[%mul3A_2] : memref<16384xi32, #tpu.memory_space<hbm>> -> memref<512xi32, #tpu.memory_space<hbm>>
      %dma_wait3A_147 = tpu.memref_slice %arg8[%mul3A_2] : memref<16384xi32, #tpu.memory_space<hbm>> -> memref<512xi32, #tpu.memory_space<hbm>>
      tpu.wait_dma2 semaphore(%run_scoped3A : memref<!tpu.dma_semaphore, #tpu.memory_space<semaphore_mem>>) src(%dma_wait3A_147 : memref<512xi32, #tpu.memory_space<hbm>>) dst(%arg13 : memref<512xi32, #tpu.memory_space<vmem>>)
      tpu.yield
    }) : () -> ()
    "tpu.region"() ({
      %run_scoped3A = tpu.sem_alloc : memref<!tpu.dma_semaphore, #tpu.memory_space<semaphore_mem>>
      %dma_start3A_145 = tpu.memref_slice %arg9[%mul3A_2] : memref<16384xi32, #tpu.memory_space<hbm>> -> memref<512xi32, #tpu.memory_space<hbm>>
      %dma_start3A_146 = tpu.memref_slice %arg9[%mul3A_2] : memref<16384xi32, #tpu.memory_space<hbm>> -> memref<512xi32, #tpu.memory_space<hbm>>
      tpu.enqueue_dma source(%dma_start3A_146 : memref<512xi32, #tpu.memory_space<hbm>>) target(%arg14 : memref<512xi32, #tpu.memory_space<vmem>>) target_semaphore(%run_scoped3A : memref<!tpu.dma_semaphore, #tpu.memory_space<semaphore_mem>>)
      %dma_wait3A = tpu.memref_slice %arg9[%mul3A_2] : memref<16384xi32, #tpu.memory_space<hbm>> -> memref<512xi32, #tpu.memory_space<hbm>>
      %dma_wait3A_147 = tpu.memref_slice %arg9[%mul3A_2] : memref<16384xi32, #tpu.memory_space<hbm>> -> memref<512xi32, #tpu.memory_space<hbm>>
      tpu.wait_dma2 semaphore(%run_scoped3A : memref<!tpu.dma_semaphore, #tpu.memory_space<semaphore_mem>>) src(%dma_wait3A_147 : memref<512xi32, #tpu.memory_space<hbm>>) dst(%arg14 : memref<512xi32, #tpu.memory_space<vmem>>)
      tpu.yield
    }) : () -> ()
    "tpu.region"() ({
      %run_scoped3A = tpu.sem_alloc : memref<!tpu.dma_semaphore, #tpu.memory_space<semaphore_mem>>
      %dma_start3A_145 = tpu.memref_slice %arg10[%mul3A_2] : memref<16384xi32, #tpu.memory_space<hbm>> -> memref<512xi32, #tpu.memory_space<hbm>>
      %dma_start3A_146 = tpu.memref_slice %arg10[%mul3A_2] : memref<16384xi32, #tpu.memory_space<hbm>> -> memref<512xi32, #tpu.memory_space<hbm>>
      tpu.enqueue_dma source(%dma_start3A_146 : memref<512xi32, #tpu.memory_space<hbm>>) target(%arg15 : memref<512xi32, #tpu.memory_space<vmem>>) target_semaphore(%run_scoped3A : memref<!tpu.dma_semaphore, #tpu.memory_space<semaphore_mem>>)
      %dma_wait3A = tpu.memref_slice %arg10[%mul3A_2] : memref<16384xi32, #tpu.memory_space<hbm>> -> memref<512xi32, #tpu.memory_space<hbm>>
      %dma_wait3A_147 = tpu.memref_slice %arg10[%mul3A_2] : memref<16384xi32, #tpu.memory_space<hbm>> -> memref<512xi32, #tpu.memory_space<hbm>>
      tpu.wait_dma2 semaphore(%run_scoped3A : memref<!tpu.dma_semaphore, #tpu.memory_space<semaphore_mem>>) src(%dma_wait3A_147 : memref<512xi32, #tpu.memory_space<hbm>>) dst(%arg15 : memref<512xi32, #tpu.memory_space<vmem>>)
      tpu.yield
    }) : () -> ()
    "tpu.region"() ({
      %run_scoped3A = tpu.sem_alloc : memref<!tpu.dma_semaphore, #tpu.memory_space<semaphore_mem>>
      %dma_start3A_145 = tpu.memref_slice %arg11[%mul3A_2] : memref<16384xi32, #tpu.memory_space<hbm>> -> memref<512xi32, #tpu.memory_space<hbm>>
      %dma_start3A_146 = tpu.memref_slice %arg11[%mul3A_2] : memref<16384xi32, #tpu.memory_space<hbm>> -> memref<512xi32, #tpu.memory_space<hbm>>
      tpu.enqueue_dma source(%dma_start3A_146 : memref<512xi32, #tpu.memory_space<hbm>>) target(%arg16 : memref<512xi32, #tpu.memory_space<vmem>>) target_semaphore(%run_scoped3A : memref<!tpu.dma_semaphore, #tpu.memory_space<semaphore_mem>>)
      %dma_wait3A = tpu.memref_slice %arg11[%mul3A_2] : memref<16384xi32, #tpu.memory_space<hbm>> -> memref<512xi32, #tpu.memory_space<hbm>>
      %dma_wait3A_147 = tpu.memref_slice %arg11[%mul3A_2] : memref<16384xi32, #tpu.memory_space<hbm>> -> memref<512xi32, #tpu.memory_space<hbm>>
      tpu.wait_dma2 semaphore(%run_scoped3A : memref<!tpu.dma_semaphore, #tpu.memory_space<semaphore_mem>>) src(%dma_wait3A_147 : memref<512xi32, #tpu.memory_space<hbm>>) dst(%arg16 : memref<512xi32, #tpu.memory_space<vmem>>)
      tpu.yield
    }) : () -> ()
    %iota3A = tpu.iota {dimensions = array<i32: 0>} : vector<16xi32>
    %dma_start3A = arith.constant 0 : i32
    %dma_start3A_3 = arith.constant 0 : i32
    %dma_start3A_4 = arith.constant 0 : i32
    %dma_start3A_5 = arith.constant 0 : i32
    %dma_start3A_6 = arith.constant 0 : i32
    %dma_start3A_7 = tpu.memref_slice %arg17[%dma_start3A, %dma_start3A_3, %dma_start3A_5, %dma_start3A_6] : memref<2x8x16x128xf32, #tpu.memory_space<vmem>> -> memref<1x1x16x128xf32, #tpu.memory_space<vmem>>
    %dma_start3A_8 = tpu.memref_squeeze %dma_start3A_7 : memref<1x1x16x128xf32, #tpu.memory_space<vmem>> -> memref<16x128xf32, #tpu.memory_space<vmem>>
    %dma_start3A_9 = arith.constant 0 : i32
    %dma_start3A_10 = tpu.memref_slice %arg13[%dma_start3A_9] : memref<512xi32, #tpu.memory_space<vmem>> -> memref<16xi32, #tpu.memory_space<vmem>>
    %dma_start3A_11 = arith.constant 0 : i32
    %dma_start3A_12 = arith.constant 0 : i32
    %dma_start3A_13 = tpu.memref_slice %arg2[%dma_start3A_11, %dma_start3A_12] : memref<100000x128xf32, #tpu.memory_space<hbm>> -> memref<100000x128xf32, #tpu.memory_space<hbm>>
    %dma_start3A_14 = tpu.memref_slice %arg21[%dma_start3A_4] : memref<2x!tpu.dma_semaphore, #tpu.memory_space<semaphore_mem>> -> memref<1x!tpu.dma_semaphore, #tpu.memory_space<semaphore_mem>>
    %dma_start3A_15 = tpu.memref_squeeze %dma_start3A_14 : memref<1x!tpu.dma_semaphore, #tpu.memory_space<semaphore_mem>> -> memref<!tpu.dma_semaphore, #tpu.memory_space<semaphore_mem>>
    tpu.enqueue_indirect_dma source(%dma_start3A_13 : memref<100000x128xf32, #tpu.memory_space<hbm>>) target(%dma_start3A_8 : memref<16x128xf32, #tpu.memory_space<vmem>>) offsets(%dma_start3A_10 : memref<16xi32, #tpu.memory_space<vmem>>) semaphore(%dma_start3A_15 : memref<!tpu.dma_semaphore, #tpu.memory_space<semaphore_mem>>)
    %dma_start3A_16 = arith.constant 0 : i32
    %dma_start3A_17 = arith.constant 1 : i32
    %dma_start3A_18 = arith.constant 0 : i32
    %dma_start3A_19 = arith.constant 0 : i32
    %dma_start3A_20 = arith.constant 0 : i32
    %dma_start3A_21 = tpu.memref_slice %arg17[%dma_start3A_16, %dma_start3A_17, %dma_start3A_19, %dma_start3A_20] : memref<2x8x16x128xf32, #tpu.memory_space<vmem>> -> memref<1x1x16x128xf32, #tpu.memory_space<vmem>>
    %dma_start3A_22 = tpu.memref_squeeze %dma_start3A_21 : memref<1x1x16x128xf32, #tpu.memory_space<vmem>> -> memref<16x128xf32, #tpu.memory_space<vmem>>
    %dma_start3A_23 = arith.constant 0 : i32
    %dma_start3A_24 = tpu.memref_slice %arg13[%dma_start3A_23] : memref<512xi32, #tpu.memory_space<vmem>> -> memref<16xi32, #tpu.memory_space<vmem>>
    %dma_start3A_25 = arith.constant 0 : i32
    %dma_start3A_26 = arith.constant 0 : i32
    %dma_start3A_27 = tpu.memref_slice %arg3[%dma_start3A_25, %dma_start3A_26] : memref<100000x128xf32, #tpu.memory_space<hbm>> -> memref<100000x128xf32, #tpu.memory_space<hbm>>
    %dma_start3A_28 = tpu.memref_slice %arg21[%dma_start3A_18] : memref<2x!tpu.dma_semaphore, #tpu.memory_space<semaphore_mem>> -> memref<1x!tpu.dma_semaphore, #tpu.memory_space<semaphore_mem>>
    %dma_start3A_29 = tpu.memref_squeeze %dma_start3A_28 : memref<1x!tpu.dma_semaphore, #tpu.memory_space<semaphore_mem>> -> memref<!tpu.dma_semaphore, #tpu.memory_space<semaphore_mem>>
    tpu.enqueue_indirect_dma source(%dma_start3A_27 : memref<100000x128xf32, #tpu.memory_space<hbm>>) target(%dma_start3A_22 : memref<16x128xf32, #tpu.memory_space<vmem>>) offsets(%dma_start3A_24 : memref<16xi32, #tpu.memory_space<vmem>>) semaphore(%dma_start3A_29 : memref<!tpu.dma_semaphore, #tpu.memory_space<semaphore_mem>>)
    %dma_start3A_30 = arith.constant 0 : i32
    %dma_start3A_31 = arith.constant 2 : i32
    %dma_start3A_32 = arith.constant 0 : i32
    %dma_start3A_33 = arith.constant 0 : i32
    %dma_start3A_34 = arith.constant 0 : i32
    %dma_start3A_35 = tpu.memref_slice %arg17[%dma_start3A_30, %dma_start3A_31, %dma_start3A_33, %dma_start3A_34] : memref<2x8x16x128xf32, #tpu.memory_space<vmem>> -> memref<1x1x16x128xf32, #tpu.memory_space<vmem>>
    %dma_start3A_36 = tpu.memref_squeeze %dma_start3A_35 : memref<1x1x16x128xf32, #tpu.memory_space<vmem>> -> memref<16x128xf32, #tpu.memory_space<vmem>>
    %dma_start3A_37 = arith.constant 0 : i32
    %dma_start3A_38 = tpu.memref_slice %arg15[%dma_start3A_37] : memref<512xi32, #tpu.memory_space<vmem>> -> memref<16xi32, #tpu.memory_space<vmem>>
    %dma_start3A_39 = arith.constant 0 : i32
    %dma_start3A_40 = arith.constant 0 : i32
    %dma_start3A_41 = tpu.memref_slice %arg2[%dma_start3A_39, %dma_start3A_40] : memref<100000x128xf32, #tpu.memory_space<hbm>> -> memref<100000x128xf32, #tpu.memory_space<hbm>>
    %dma_start3A_42 = tpu.memref_slice %arg21[%dma_start3A_32] : memref<2x!tpu.dma_semaphore, #tpu.memory_space<semaphore_mem>> -> memref<1x!tpu.dma_semaphore, #tpu.memory_space<semaphore_mem>>
    %dma_start3A_43 = tpu.memref_squeeze %dma_start3A_42 : memref<1x!tpu.dma_semaphore, #tpu.memory_space<semaphore_mem>> -> memref<!tpu.dma_semaphore, #tpu.memory_space<semaphore_mem>>
    tpu.enqueue_indirect_dma source(%dma_start3A_41 : memref<100000x128xf32, #tpu.memory_space<hbm>>) target(%dma_start3A_36 : memref<16x128xf32, #tpu.memory_space<vmem>>) offsets(%dma_start3A_38 : memref<16xi32, #tpu.memory_space<vmem>>) semaphore(%dma_start3A_43 : memref<!tpu.dma_semaphore, #tpu.memory_space<semaphore_mem>>)
    %dma_start3A_44 = arith.constant 0 : i32
    %dma_start3A_45 = arith.constant 3 : i32
    %dma_start3A_46 = arith.constant 0 : i32
    %dma_start3A_47 = arith.constant 0 : i32
    %dma_start3A_48 = arith.constant 0 : i32
    %dma_start3A_49 = tpu.memref_slice %arg17[%dma_start3A_44, %dma_start3A_45, %dma_start3A_47, %dma_start3A_48] : memref<2x8x16x128xf32, #tpu.memory_space<vmem>> -> memref<1x1x16x128xf32, #tpu.memory_space<vmem>>
    %dma_start3A_50 = tpu.memref_squeeze %dma_start3A_49 : memref<1x1x16x128xf32, #tpu.memory_space<vmem>> -> memref<16x128xf32, #tpu.memory_space<vmem>>
    %dma_start3A_51 = arith.constant 0 : i32
    %dma_start3A_52 = tpu.memref_slice %arg15[%dma_start3A_51] : memref<512xi32, #tpu.memory_space<vmem>> -> memref<16xi32, #tpu.memory_space<vmem>>
    %dma_start3A_53 = arith.constant 0 : i32
    %dma_start3A_54 = arith.constant 0 : i32
    %dma_start3A_55 = tpu.memref_slice %arg3[%dma_start3A_53, %dma_start3A_54] : memref<100000x128xf32, #tpu.memory_space<hbm>> -> memref<100000x128xf32, #tpu.memory_space<hbm>>
    %dma_start3A_56 = tpu.memref_slice %arg21[%dma_start3A_46] : memref<2x!tpu.dma_semaphore, #tpu.memory_space<semaphore_mem>> -> memref<1x!tpu.dma_semaphore, #tpu.memory_space<semaphore_mem>>
    %dma_start3A_57 = tpu.memref_squeeze %dma_start3A_56 : memref<1x!tpu.dma_semaphore, #tpu.memory_space<semaphore_mem>> -> memref<!tpu.dma_semaphore, #tpu.memory_space<semaphore_mem>>
    tpu.enqueue_indirect_dma source(%dma_start3A_55 : memref<100000x128xf32, #tpu.memory_space<hbm>>) target(%dma_start3A_50 : memref<16x128xf32, #tpu.memory_space<vmem>>) offsets(%dma_start3A_52 : memref<16xi32, #tpu.memory_space<vmem>>) semaphore(%dma_start3A_57 : memref<!tpu.dma_semaphore, #tpu.memory_space<semaphore_mem>>)
    %dma_start3A_58 = arith.constant 0 : i32
    %dma_start3A_59 = arith.constant 4 : i32
    %dma_start3A_60 = arith.constant 0 : i32
    %dma_start3A_61 = arith.constant 0 : i32
    %dma_start3A_62 = arith.constant 0 : i32
    %dma_start3A_63 = tpu.memref_slice %arg17[%dma_start3A_58, %dma_start3A_59, %dma_start3A_61, %dma_start3A_62] : memref<2x8x16x128xf32, #tpu.memory_space<vmem>> -> memref<1x1x16x128xf32, #tpu.memory_space<vmem>>
    %dma_start3A_64 = tpu.memref_squeeze %dma_start3A_63 : memref<1x1x16x128xf32, #tpu.memory_space<vmem>> -> memref<16x128xf32, #tpu.memory_space<vmem>>
    %dma_start3A_65 = arith.constant 0 : i32
    %dma_start3A_66 = tpu.memref_slice %arg13[%dma_start3A_65] : memref<512xi32, #tpu.memory_space<vmem>> -> memref<16xi32, #tpu.memory_space<vmem>>
    %dma_start3A_67 = arith.constant 0 : i32
    %dma_start3A_68 = arith.constant 0 : i32
    %dma_start3A_69 = tpu.memref_slice %arg4[%dma_start3A_67, %dma_start3A_68] : memref<100000x128xf32, #tpu.memory_space<hbm>> -> memref<100000x128xf32, #tpu.memory_space<hbm>>
    %dma_start3A_70 = tpu.memref_slice %arg21[%dma_start3A_60] : memref<2x!tpu.dma_semaphore, #tpu.memory_space<semaphore_mem>> -> memref<1x!tpu.dma_semaphore, #tpu.memory_space<semaphore_mem>>
    %dma_start3A_71 = tpu.memref_squeeze %dma_start3A_70 : memref<1x!tpu.dma_semaphore, #tpu.memory_space<semaphore_mem>> -> memref<!tpu.dma_semaphore, #tpu.memory_space<semaphore_mem>>
    tpu.enqueue_indirect_dma source(%dma_start3A_69 : memref<100000x128xf32, #tpu.memory_space<hbm>>) target(%dma_start3A_64 : memref<16x128xf32, #tpu.memory_space<vmem>>) offsets(%dma_start3A_66 : memref<16xi32, #tpu.memory_space<vmem>>) semaphore(%dma_start3A_71 : memref<!tpu.dma_semaphore, #tpu.memory_space<semaphore_mem>>)
    %dma_start3A_72 = arith.constant 0 : i32
    %dma_start3A_73 = arith.constant 5 : i32
    %dma_start3A_74 = arith.constant 0 : i32
    %dma_start3A_75 = arith.constant 0 : i32
    %dma_start3A_76 = arith.constant 0 : i32
    %dma_start3A_77 = tpu.memref_slice %arg17[%dma_start3A_72, %dma_start3A_73, %dma_start3A_75, %dma_start3A_76] : memref<2x8x16x128xf32, #tpu.memory_space<vmem>> -> memref<1x1x16x128xf32, #tpu.memory_space<vmem>>
    %dma_start3A_78 = tpu.memref_squeeze %dma_start3A_77 : memref<1x1x16x128xf32, #tpu.memory_space<vmem>> -> memref<16x128xf32, #tpu.memory_space<vmem>>
    %dma_start3A_79 = arith.constant 0 : i32
    %dma_start3A_80 = tpu.memref_slice %arg13[%dma_start3A_79] : memref<512xi32, #tpu.memory_space<vmem>> -> memref<16xi32, #tpu.memory_space<vmem>>
    %dma_start3A_81 = arith.constant 0 : i32
    %dma_start3A_82 = arith.constant 0 : i32
    %dma_start3A_83 = tpu.memref_slice %arg5[%dma_start3A_81, %dma_start3A_82] : memref<100000x128xf32, #tpu.memory_space<hbm>> -> memref<100000x128xf32, #tpu.memory_space<hbm>>
    %dma_start3A_84 = tpu.memref_slice %arg21[%dma_start3A_74] : memref<2x!tpu.dma_semaphore, #tpu.memory_space<semaphore_mem>> -> memref<1x!tpu.dma_semaphore, #tpu.memory_space<semaphore_mem>>
    %dma_start3A_85 = tpu.memref_squeeze %dma_start3A_84 : memref<1x!tpu.dma_semaphore, #tpu.memory_space<semaphore_mem>> -> memref<!tpu.dma_semaphore, #tpu.memory_space<semaphore_mem>>
    tpu.enqueue_indirect_dma source(%dma_start3A_83 : memref<100000x128xf32, #tpu.memory_space<hbm>>) target(%dma_start3A_78 : memref<16x128xf32, #tpu.memory_space<vmem>>) offsets(%dma_start3A_80 : memref<16xi32, #tpu.memory_space<vmem>>) semaphore(%dma_start3A_85 : memref<!tpu.dma_semaphore, #tpu.memory_space<semaphore_mem>>)
    %dma_start3A_86 = arith.constant 0 : i32
    %dma_start3A_87 = arith.constant 6 : i32
    %dma_start3A_88 = arith.constant 0 : i32
    %dma_start3A_89 = arith.constant 0 : i32
    %dma_start3A_90 = arith.constant 0 : i32
    %dma_start3A_91 = tpu.memref_slice %arg17[%dma_start3A_86, %dma_start3A_87, %dma_start3A_89, %dma_start3A_90] : memref<2x8x16x128xf32, #tpu.memory_space<vmem>> -> memref<1x1x16x128xf32, #tpu.memory_space<vmem>>
    %dma_start3A_92 = tpu.memref_squeeze %dma_start3A_91 : memref<1x1x16x128xf32, #tpu.memory_space<vmem>> -> memref<16x128xf32, #tpu.memory_space<vmem>>
    %dma_start3A_93 = arith.constant 0 : i32
    %dma_start3A_94 = tpu.memref_slice %arg15[%dma_start3A_93] : memref<512xi32, #tpu.memory_space<vmem>> -> memref<16xi32, #tpu.memory_space<vmem>>
    %dma_start3A_95 = arith.constant 0 : i32
    %dma_start3A_96 = arith.constant 0 : i32
    %dma_start3A_97 = tpu.memref_slice %arg4[%dma_start3A_95, %dma_start3A_96] : memref<100000x128xf32, #tpu.memory_space<hbm>> -> memref<100000x128xf32, #tpu.memory_space<hbm>>
    %dma_start3A_98 = tpu.memref_slice %arg21[%dma_start3A_88] : memref<2x!tpu.dma_semaphore, #tpu.memory_space<semaphore_mem>> -> memref<1x!tpu.dma_semaphore, #tpu.memory_space<semaphore_mem>>
    %dma_start3A_99 = tpu.memref_squeeze %dma_start3A_98 : memref<1x!tpu.dma_semaphore, #tpu.memory_space<semaphore_mem>> -> memref<!tpu.dma_semaphore, #tpu.memory_space<semaphore_mem>>
    tpu.enqueue_indirect_dma source(%dma_start3A_97 : memref<100000x128xf32, #tpu.memory_space<hbm>>) target(%dma_start3A_92 : memref<16x128xf32, #tpu.memory_space<vmem>>) offsets(%dma_start3A_94 : memref<16xi32, #tpu.memory_space<vmem>>) semaphore(%dma_start3A_99 : memref<!tpu.dma_semaphore, #tpu.memory_space<semaphore_mem>>)
    %dma_start3A_100 = arith.constant 0 : i32
    %dma_start3A_101 = arith.constant 7 : i32
    %dma_start3A_102 = arith.constant 0 : i32
    %dma_start3A_103 = arith.constant 0 : i32
    %dma_start3A_104 = arith.constant 0 : i32
    %dma_start3A_105 = tpu.memref_slice %arg17[%dma_start3A_100, %dma_start3A_101, %dma_start3A_103, %dma_start3A_104] : memref<2x8x16x128xf32, #tpu.memory_space<vmem>> -> memref<1x1x16x128xf32, #tpu.memory_space<vmem>>
    %dma_start3A_106 = tpu.memref_squeeze %dma_start3A_105 : memref<1x1x16x128xf32, #tpu.memory_space<vmem>> -> memref<16x128xf32, #tpu.memory_space<vmem>>
    %dma_start3A_107 = arith.constant 0 : i32
    %dma_start3A_108 = tpu.memref_slice %arg15[%dma_start3A_107] : memref<512xi32, #tpu.memory_space<vmem>> -> memref<16xi32, #tpu.memory_space<vmem>>
    %dma_start3A_109 = arith.constant 0 : i32
    %dma_start3A_110 = arith.constant 0 : i32
    %dma_start3A_111 = tpu.memref_slice %arg5[%dma_start3A_109, %dma_start3A_110] : memref<100000x128xf32, #tpu.memory_space<hbm>> -> memref<100000x128xf32, #tpu.memory_space<hbm>>
    %dma_start3A_112 = tpu.memref_slice %arg21[%dma_start3A_102] : memref<2x!tpu.dma_semaphore, #tpu.memory_space<semaphore_mem>> -> memref<1x!tpu.dma_semaphore, #tpu.memory_space<semaphore_mem>>
    %dma_start3A_113 = tpu.memref_squeeze %dma_start3A_112 : memref<1x!tpu.dma_semaphore, #tpu.memory_space<semaphore_mem>> -> memref<!tpu.dma_semaphore, #tpu.memory_space<semaphore_mem>>
    tpu.enqueue_indirect_dma source(%dma_start3A_111 : memref<100000x128xf32, #tpu.memory_space<hbm>>) target(%dma_start3A_106 : memref<16x128xf32, #tpu.memory_space<vmem>>) offsets(%dma_start3A_108 : memref<16xi32, #tpu.memory_space<vmem>>) semaphore(%dma_start3A_113 : memref<!tpu.dma_semaphore, #tpu.memory_space<semaphore_mem>>)
    %dma_start3A_114 = arith.constant 0 : i32
    %dma_start3A_115 = arith.constant 0 : i32
    %dma_start3A_116 = arith.constant 0 : i32
    %dma_start3A_117 = arith.constant 0 : i32
    %dma_start3A_118 = tpu.memref_slice %arg18[%dma_start3A_114, %dma_start3A_116, %dma_start3A_117] : memref<2x16x384xi32, #tpu.memory_space<vmem>> -> memref<1x16x384xi32, #tpu.memory_space<vmem>>
    %dma_start3A_119 = tpu.memref_squeeze %dma_start3A_118 : memref<1x16x384xi32, #tpu.memory_space<vmem>> -> memref<16x384xi32, #tpu.memory_space<vmem>>
    %dma_start3A_120 = arith.constant 0 : i32
    %dma_start3A_121 = tpu.memref_slice %arg14[%dma_start3A_120] : memref<512xi32, #tpu.memory_space<vmem>> -> memref<16xi32, #tpu.memory_space<vmem>>
    %dma_start3A_122 = arith.constant 0 : i32
    %dma_start3A_123 = arith.constant 0 : i32
    %dma_start3A_124 = tpu.memref_slice %arg6[%dma_start3A_122, %dma_start3A_123] : memref<231x384xi32, #tpu.memory_space<hbm>> -> memref<231x384xi32, #tpu.memory_space<hbm>>
    %dma_start3A_125 = tpu.memref_slice %arg21[%dma_start3A_115] : memref<2x!tpu.dma_semaphore, #tpu.memory_space<semaphore_mem>> -> memref<1x!tpu.dma_semaphore, #tpu.memory_space<semaphore_mem>>
    %dma_start3A_126 = tpu.memref_squeeze %dma_start3A_125 : memref<1x!tpu.dma_semaphore, #tpu.memory_space<semaphore_mem>> -> memref<!tpu.dma_semaphore, #tpu.memory_space<semaphore_mem>>
    tpu.enqueue_indirect_dma source(%dma_start3A_124 : memref<231x384xi32, #tpu.memory_space<hbm>>) target(%dma_start3A_119 : memref<16x384xi32, #tpu.memory_space<vmem>>) offsets(%dma_start3A_121 : memref<16xi32, #tpu.memory_space<vmem>>) semaphore(%dma_start3A_126 : memref<!tpu.dma_semaphore, #tpu.memory_space<semaphore_mem>>)
    %dma_start3A_127 = arith.constant 0 : i32
    %dma_start3A_128 = arith.constant 0 : i32
    %dma_start3A_129 = arith.constant 0 : i32
    %dma_start3A_130 = arith.constant 0 : i32
    %dma_start3A_131 = tpu.memref_slice %arg19[%dma_start3A_127, %dma_start3A_129, %dma_start3A_130] : memref<2x16x256xi32, #tpu.memory_space<vmem>> -> memref<1x16x256xi32, #tpu.memory_space<vmem>>
    %dma_start3A_132 = tpu.memref_squeeze %dma_start3A_131 : memref<1x16x256xi32, #tpu.memory_space<vmem>> -> memref<16x256xi32, #tpu.memory_space<vmem>>
    %dma_start3A_133 = arith.constant 0 : i32
    %dma_start3A_134 = tpu.memref_slice %arg16[%dma_start3A_133] : memref<512xi32, #tpu.memory_space<vmem>> -> memref<16xi32, #tpu.memory_space<vmem>>
    %dma_start3A_135 = arith.constant 0 : i32
    %dma_start3A_136 = arith.constant 0 : i32
    %dma_start3A_137 = tpu.memref_slice %arg7[%dma_start3A_135, %dma_start3A_136] : memref<365x256xi32, #tpu.memory_space<hbm>> -> memref<365x256xi32, #tpu.memory_space<hbm>>
    %dma_start3A_138 = tpu.memref_slice %arg21[%dma_start3A_128] : memref<2x!tpu.dma_semaphore, #tpu.memory_space<semaphore_mem>> -> memref<1x!tpu.dma_semaphore, #tpu.memory_space<semaphore_mem>>
    %dma_start3A_139 = tpu.memref_squeeze %dma_start3A_138 : memref<1x!tpu.dma_semaphore, #tpu.memory_space<semaphore_mem>> -> memref<!tpu.dma_semaphore, #tpu.memory_space<semaphore_mem>>
    tpu.enqueue_indirect_dma source(%dma_start3A_137 : memref<365x256xi32, #tpu.memory_space<hbm>>) target(%dma_start3A_132 : memref<16x256xi32, #tpu.memory_space<vmem>>) offsets(%dma_start3A_134 : memref<16xi32, #tpu.memory_space<vmem>>) semaphore(%dma_start3A_139 : memref<!tpu.dma_semaphore, #tpu.memory_space<semaphore_mem>>)
    %scan3A = arith.constant 0 : i32
    %scan3A_140 = arith.constant 0 : i32
    %scan3A_141 = arith.constant 16 : i32
    %scan3A_142 = arith.addi %scan3A_140, %scan3A_141 : i32
    %scan3A_143 = arith.constant 1 : i32
    scf.for %scan3A_145 = %scan3A_140 to %scan3A_142 step %scan3A_143  : i32 {
      %mul3A_146 = arith.constant 2 : i32
      %mul3A_147 = arith.muli %scan3A_145, %mul3A_146 : i32
      %add3A_148 = arith.constant 1 : i32
      %add3A_149 = arith.addi %mul3A_147, %add3A_148 : i32
      %mul3A_150 = arith.constant 16 : i32
      %mul3A_151 = arith.muli %add3A_149, %mul3A_150 : i32
      %dma_start3A_152 = arith.constant 1 : i32
      %dma_start3A_153 = arith.constant 0 : i32
      %dma_start3A_154 = arith.constant 1 : i32
      %dma_start3A_155 = arith.constant 0 : i32
      %dma_start3A_156 = arith.constant 0 : i32
      %dma_start3A_157 = tpu.memref_slice %arg17[%dma_start3A_152, %dma_start3A_153, %dma_start3A_155, %dma_start3A_156] : memref<2x8x16x128xf32, #tpu.memory_space<vmem>> -> memref<1x1x16x128xf32, #tpu.memory_space<vmem>>
      %dma_start3A_158 = tpu.memref_squeeze %dma_start3A_157 : memref<1x1x16x128xf32, #tpu.memory_space<vmem>> -> memref<16x128xf32, #tpu.memory_space<vmem>>
      %dma_start3A_159 = tpu.memref_slice %arg13[%mul3A_151] : memref<512xi32, #tpu.memory_space<vmem>> -> memref<16xi32, #tpu.memory_space<vmem>>
      %dma_start3A_160 = arith.constant 0 : i32
      %dma_start3A_161 = arith.constant 0 : i32
      %dma_start3A_162 = tpu.memref_slice %arg2[%dma_start3A_160, %dma_start3A_161] : memref<100000x128xf32, #tpu.memory_space<hbm>> -> memref<100000x128xf32, #tpu.memory_space<hbm>>
      %dma_start3A_163 = tpu.memref_slice %arg21[%dma_start3A_154] : memref<2x!tpu.dma_semaphore, #tpu.memory_space<semaphore_mem>> -> memref<1x!tpu.dma_semaphore, #tpu.memory_space<semaphore_mem>>
      %dma_start3A_164 = tpu.memref_squeeze %dma_start3A_163 : memref<1x!tpu.dma_semaphore, #tpu.memory_space<semaphore_mem>> -> memref<!tpu.dma_semaphore, #tpu.memory_space<semaphore_mem>>
      tpu.enqueue_indirect_dma source(%dma_start3A_162 : memref<100000x128xf32, #tpu.memory_space<hbm>>) target(%dma_start3A_158 : memref<16x128xf32, #tpu.memory_space<vmem>>) offsets(%dma_start3A_159 : memref<16xi32, #tpu.memory_space<vmem>>) semaphore(%dma_start3A_164 : memref<!tpu.dma_semaphore, #tpu.memory_space<semaphore_mem>>)
      %dma_start3A_165 = arith.constant 1 : i32
      %dma_start3A_166 = arith.constant 1 : i32
      %dma_start3A_167 = arith.constant 1 : i32
      %dma_start3A_168 = arith.constant 0 : i32
      %dma_start3A_169 = arith.constant 0 : i32
      %dma_start3A_170 = tpu.memref_slice %arg17[%dma_start3A_165, %dma_start3A_166, %dma_start3A_168, %dma_start3A_169] : memref<2x8x16x128xf32, #tpu.memory_space<vmem>> -> memref<1x1x16x128xf32, #tpu.memory_space<vmem>>
      %dma_start3A_171 = tpu.memref_squeeze %dma_start3A_170 : memref<1x1x16x128xf32, #tpu.memory_space<vmem>> -> memref<16x128xf32, #tpu.memory_space<vmem>>
      %dma_start3A_172 = tpu.memref_slice %arg13[%mul3A_151] : memref<512xi32, #tpu.memory_space<vmem>> -> memref<16xi32, #tpu.memory_space<vmem>>
      %dma_start3A_173 = arith.constant 0 : i32
      %dma_start3A_174 = arith.constant 0 : i32
      %dma_start3A_175 = tpu.memref_slice %arg3[%dma_start3A_173, %dma_start3A_174] : memref<100000x128xf32, #tpu.memory_space<hbm>> -> memref<100000x128xf32, #tpu.memory_space<hbm>>
      %dma_start3A_176 = tpu.memref_slice %arg21[%dma_start3A_167] : memref<2x!tpu.dma_semaphore, #tpu.memory_space<semaphore_mem>> -> memref<1x!tpu.dma_semaphore, #tpu.memory_space<semaphore_mem>>
      %dma_start3A_177 = tpu.memref_squeeze %dma_start3A_176 : memref<1x!tpu.dma_semaphore, #tpu.memory_space<semaphore_mem>> -> memref<!tpu.dma_semaphore, #tpu.memory_space<semaphore_mem>>
      tpu.enqueue_indirect_dma source(%dma_start3A_175 : memref<100000x128xf32, #tpu.memory_space<hbm>>) target(%dma_start3A_171 : memref<16x128xf32, #tpu.memory_space<vmem>>) offsets(%dma_start3A_172 : memref<16xi32, #tpu.memory_space<vmem>>) semaphore(%dma_start3A_177 : memref<!tpu.dma_semaphore, #tpu.memory_space<semaphore_mem>>)
      %dma_start3A_178 = arith.constant 1 : i32
      %dma_start3A_179 = arith.constant 2 : i32
      %dma_start3A_180 = arith.constant 1 : i32
      %dma_start3A_181 = arith.constant 0 : i32
      %dma_start3A_182 = arith.constant 0 : i32
      %dma_start3A_183 = tpu.memref_slice %arg17[%dma_start3A_178, %dma_start3A_179, %dma_start3A_181, %dma_start3A_182] : memref<2x8x16x128xf32, #tpu.memory_space<vmem>> -> memref<1x1x16x128xf32, #tpu.memory_space<vmem>>
      %dma_start3A_184 = tpu.memref_squeeze %dma_start3A_183 : memref<1x1x16x128xf32, #tpu.memory_space<vmem>> -> memref<16x128xf32, #tpu.memory_space<vmem>>
      %dma_start3A_185 = tpu.memref_slice %arg15[%mul3A_151] : memref<512xi32, #tpu.memory_space<vmem>> -> memref<16xi32, #tpu.memory_space<vmem>>
      %dma_start3A_186 = arith.constant 0 : i32
      %dma_start3A_187 = arith.constant 0 : i32
      %dma_start3A_188 = tpu.memref_slice %arg2[%dma_start3A_186, %dma_start3A_187] : memref<100000x128xf32, #tpu.memory_space<hbm>> -> memref<100000x128xf32, #tpu.memory_space<hbm>>
      %dma_start3A_189 = tpu.memref_slice %arg21[%dma_start3A_180] : memref<2x!tpu.dma_semaphore, #tpu.memory_space<semaphore_mem>> -> memref<1x!tpu.dma_semaphore, #tpu.memory_space<semaphore_mem>>
      %dma_start3A_190 = tpu.memref_squeeze %dma_start3A_189 : memref<1x!tpu.dma_semaphore, #tpu.memory_space<semaphore_mem>> -> memref<!tpu.dma_semaphore, #tpu.memory_space<semaphore_mem>>
      tpu.enqueue_indirect_dma source(%dma_start3A_188 : memref<100000x128xf32, #tpu.memory_space<hbm>>) target(%dma_start3A_184 : memref<16x128xf32, #tpu.memory_space<vmem>>) offsets(%dma_start3A_185 : memref<16xi32, #tpu.memory_space<vmem>>) semaphore(%dma_start3A_190 : memref<!tpu.dma_semaphore, #tpu.memory_space<semaphore_mem>>)
      %dma_start3A_191 = arith.constant 1 : i32
      %dma_start3A_192 = arith.constant 3 : i32
      %dma_start3A_193 = arith.constant 1 : i32
      %dma_start3A_194 = arith.constant 0 : i32
      %dma_start3A_195 = arith.constant 0 : i32
      %dma_start3A_196 = tpu.memref_slice %arg17[%dma_start3A_191, %dma_start3A_192, %dma_start3A_194, %dma_start3A_195] : memref<2x8x16x128xf32, #tpu.memory_space<vmem>> -> memref<1x1x16x128xf32, #tpu.memory_space<vmem>>
      %dma_start3A_197 = tpu.memref_squeeze %dma_start3A_196 : memref<1x1x16x128xf32, #tpu.memory_space<vmem>> -> memref<16x128xf32, #tpu.memory_space<vmem>>
      %dma_start3A_198 = tpu.memref_slice %arg15[%mul3A_151] : memref<512xi32, #tpu.memory_space<vmem>> -> memref<16xi32, #tpu.memory_space<vmem>>
      %dma_start3A_199 = arith.constant 0 : i32
      %dma_start3A_200 = arith.constant 0 : i32
      %dma_start3A_201 = tpu.memref_slice %arg3[%dma_start3A_199, %dma_start3A_200] : memref<100000x128xf32, #tpu.memory_space<hbm>> -> memref<100000x128xf32, #tpu.memory_space<hbm>>
      %dma_start3A_202 = tpu.memref_slice %arg21[%dma_start3A_193] : memref<2x!tpu.dma_semaphore, #tpu.memory_space<semaphore_mem>> -> memref<1x!tpu.dma_semaphore, #tpu.memory_space<semaphore_mem>>
      %dma_start3A_203 = tpu.memref_squeeze %dma_start3A_202 : memref<1x!tpu.dma_semaphore, #tpu.memory_space<semaphore_mem>> -> memref<!tpu.dma_semaphore, #tpu.memory_space<semaphore_mem>>
      tpu.enqueue_indirect_dma source(%dma_start3A_201 : memref<100000x128xf32, #tpu.memory_space<hbm>>) target(%dma_start3A_197 : memref<16x128xf32, #tpu.memory_space<vmem>>) offsets(%dma_start3A_198 : memref<16xi32, #tpu.memory_space<vmem>>) semaphore(%dma_start3A_203 : memref<!tpu.dma_semaphore, #tpu.memory_space<semaphore_mem>>)
      %dma_start3A_204 = arith.constant 1 : i32
      %dma_start3A_205 = arith.constant 4 : i32
      %dma_start3A_206 = arith.constant 1 : i32
      %dma_start3A_207 = arith.constant 0 : i32
      %dma_start3A_208 = arith.constant 0 : i32
      %dma_start3A_209 = tpu.memref_slice %arg17[%dma_start3A_204, %dma_start3A_205, %dma_start3A_207, %dma_start3A_208] : memref<2x8x16x128xf32, #tpu.memory_space<vmem>> -> memref<1x1x16x128xf32, #tpu.memory_space<vmem>>
      %dma_start3A_210 = tpu.memref_squeeze %dma_start3A_209 : memref<1x1x16x128xf32, #tpu.memory_space<vmem>> -> memref<16x128xf32, #tpu.memory_space<vmem>>
      %dma_start3A_211 = tpu.memref_slice %arg13[%mul3A_151] : memref<512xi32, #tpu.memory_space<vmem>> -> memref<16xi32, #tpu.memory_space<vmem>>
      %dma_start3A_212 = arith.constant 0 : i32
      %dma_start3A_213 = arith.constant 0 : i32
      %dma_start3A_214 = tpu.memref_slice %arg4[%dma_start3A_212, %dma_start3A_213] : memref<100000x128xf32, #tpu.memory_space<hbm>> -> memref<100000x128xf32, #tpu.memory_space<hbm>>
      %dma_start3A_215 = tpu.memref_slice %arg21[%dma_start3A_206] : memref<2x!tpu.dma_semaphore, #tpu.memory_space<semaphore_mem>> -> memref<1x!tpu.dma_semaphore, #tpu.memory_space<semaphore_mem>>
      %dma_start3A_216 = tpu.memref_squeeze %dma_start3A_215 : memref<1x!tpu.dma_semaphore, #tpu.memory_space<semaphore_mem>> -> memref<!tpu.dma_semaphore, #tpu.memory_space<semaphore_mem>>
      tpu.enqueue_indirect_dma source(%dma_start3A_214 : memref<100000x128xf32, #tpu.memory_space<hbm>>) target(%dma_start3A_210 : memref<16x128xf32, #tpu.memory_space<vmem>>) offsets(%dma_start3A_211 : memref<16xi32, #tpu.memory_space<vmem>>) semaphore(%dma_start3A_216 : memref<!tpu.dma_semaphore, #tpu.memory_space<semaphore_mem>>)
      %dma_start3A_217 = arith.constant 1 : i32
      %dma_start3A_218 = arith.constant 5 : i32
      %dma_start3A_219 = arith.constant 1 : i32
      %dma_start3A_220 = arith.constant 0 : i32
      %dma_start3A_221 = arith.constant 0 : i32
      %dma_start3A_222 = tpu.memref_slice %arg17[%dma_start3A_217, %dma_start3A_218, %dma_start3A_220, %dma_start3A_221] : memref<2x8x16x128xf32, #tpu.memory_space<vmem>> -> memref<1x1x16x128xf32, #tpu.memory_space<vmem>>
      %dma_start3A_223 = tpu.memref_squeeze %dma_start3A_222 : memref<1x1x16x128xf32, #tpu.memory_space<vmem>> -> memref<16x128xf32, #tpu.memory_space<vmem>>
      %dma_start3A_224 = tpu.memref_slice %arg13[%mul3A_151] : memref<512xi32, #tpu.memory_space<vmem>> -> memref<16xi32, #tpu.memory_space<vmem>>
      %dma_start3A_225 = arith.constant 0 : i32
      %dma_start3A_226 = arith.constant 0 : i32
      %dma_start3A_227 = tpu.memref_slice %arg5[%dma_start3A_225, %dma_start3A_226] : memref<100000x128xf32, #tpu.memory_space<hbm>> -> memref<100000x128xf32, #tpu.memory_space<hbm>>
      %dma_start3A_228 = tpu.memref_slice %arg21[%dma_start3A_219] : memref<2x!tpu.dma_semaphore, #tpu.memory_space<semaphore_mem>> -> memref<1x!tpu.dma_semaphore, #tpu.memory_space<semaphore_mem>>
      %dma_start3A_229 = tpu.memref_squeeze %dma_start3A_228 : memref<1x!tpu.dma_semaphore, #tpu.memory_space<semaphore_mem>> -> memref<!tpu.dma_semaphore, #tpu.memory_space<semaphore_mem>>
      tpu.enqueue_indirect_dma source(%dma_start3A_227 : memref<100000x128xf32, #tpu.memory_space<hbm>>) target(%dma_start3A_223 : memref<16x128xf32, #tpu.memory_space<vmem>>) offsets(%dma_start3A_224 : memref<16xi32, #tpu.memory_space<vmem>>) semaphore(%dma_start3A_229 : memref<!tpu.dma_semaphore, #tpu.memory_space<semaphore_mem>>)
      %dma_start3A_230 = arith.constant 1 : i32
      %dma_start3A_231 = arith.constant 6 : i32
      %dma_start3A_232 = arith.constant 1 : i32
      %dma_start3A_233 = arith.constant 0 : i32
      %dma_start3A_234 = arith.constant 0 : i32
      %dma_start3A_235 = tpu.memref_slice %arg17[%dma_start3A_230, %dma_start3A_231, %dma_start3A_233, %dma_start3A_234] : memref<2x8x16x128xf32, #tpu.memory_space<vmem>> -> memref<1x1x16x128xf32, #tpu.memory_space<vmem>>
      %dma_start3A_236 = tpu.memref_squeeze %dma_start3A_235 : memref<1x1x16x128xf32, #tpu.memory_space<vmem>> -> memref<16x128xf32, #tpu.memory_space<vmem>>
      %dma_start3A_237 = tpu.memref_slice %arg15[%mul3A_151] : memref<512xi32, #tpu.memory_space<vmem>> -> memref<16xi32, #tpu.memory_space<vmem>>
      %dma_start3A_238 = arith.constant 0 : i32
      %dma_start3A_239 = arith.constant 0 : i32
      %dma_start3A_240 = tpu.memref_slice %arg4[%dma_start3A_238, %dma_start3A_239] : memref<100000x128xf32, #tpu.memory_space<hbm>> -> memref<100000x128xf32, #tpu.memory_space<hbm>>
      %dma_start3A_241 = tpu.memref_slice %arg21[%dma_start3A_232] : memref<2x!tpu.dma_semaphore, #tpu.memory_space<semaphore_mem>> -> memref<1x!tpu.dma_semaphore, #tpu.memory_space<semaphore_mem>>
      %dma_start3A_242 = tpu.memref_squeeze %dma_start3A_241 : memref<1x!tpu.dma_semaphore, #tpu.memory_space<semaphore_mem>> -> memref<!tpu.dma_semaphore, #tpu.memory_space<semaphore_mem>>
      tpu.enqueue_indirect_dma source(%dma_start3A_240 : memref<100000x128xf32, #tpu.memory_space<hbm>>) target(%dma_start3A_236 : memref<16x128xf32, #tpu.memory_space<vmem>>) offsets(%dma_start3A_237 : memref<16xi32, #tpu.memory_space<vmem>>) semaphore(%dma_start3A_242 : memref<!tpu.dma_semaphore, #tpu.memory_space<semaphore_mem>>)
      %dma_start3A_243 = arith.constant 1 : i32
      %dma_start3A_244 = arith.constant 7 : i32
      %dma_start3A_245 = arith.constant 1 : i32
      %dma_start3A_246 = arith.constant 0 : i32
      %dma_start3A_247 = arith.constant 0 : i32
      %dma_start3A_248 = tpu.memref_slice %arg17[%dma_start3A_243, %dma_start3A_244, %dma_start3A_246, %dma_start3A_247] : memref<2x8x16x128xf32, #tpu.memory_space<vmem>> -> memref<1x1x16x128xf32, #tpu.memory_space<vmem>>
      %dma_start3A_249 = tpu.memref_squeeze %dma_start3A_248 : memref<1x1x16x128xf32, #tpu.memory_space<vmem>> -> memref<16x128xf32, #tpu.memory_space<vmem>>
      %dma_start3A_250 = tpu.memref_slice %arg15[%mul3A_151] : memref<512xi32, #tpu.memory_space<vmem>> -> memref<16xi32, #tpu.memory_space<vmem>>
      %dma_start3A_251 = arith.constant 0 : i32
      %dma_start3A_252 = arith.constant 0 : i32
      %dma_start3A_253 = tpu.memref_slice %arg5[%dma_start3A_251, %dma_start3A_252] : memref<100000x128xf32, #tpu.memory_space<hbm>> -> memref<100000x128xf32, #tpu.memory_space<hbm>>
      %dma_start3A_254 = tpu.memref_slice %arg21[%dma_start3A_245] : memref<2x!tpu.dma_semaphore, #tpu.memory_space<semaphore_mem>> -> memref<1x!tpu.dma_semaphore, #tpu.memory_space<semaphore_mem>>
      %dma_start3A_255 = tpu.memref_squeeze %dma_start3A_254 : memref<1x!tpu.dma_semaphore, #tpu.memory_space<semaphore_mem>> -> memref<!tpu.dma_semaphore, #tpu.memory_space<semaphore_mem>>
      tpu.enqueue_indirect_dma source(%dma_start3A_253 : memref<100000x128xf32, #tpu.memory_space<hbm>>) target(%dma_start3A_249 : memref<16x128xf32, #tpu.memory_space<vmem>>) offsets(%dma_start3A_250 : memref<16xi32, #tpu.memory_space<vmem>>) semaphore(%dma_start3A_255 : memref<!tpu.dma_semaphore, #tpu.memory_space<semaphore_mem>>)
      %dma_start3A_256 = arith.constant 1 : i32
      %dma_start3A_257 = arith.constant 1 : i32
      %dma_start3A_258 = arith.constant 0 : i32
      %dma_start3A_259 = arith.constant 0 : i32
      %dma_start3A_260 = tpu.memref_slice %arg18[%dma_start3A_256, %dma_start3A_258, %dma_start3A_259] : memref<2x16x384xi32, #tpu.memory_space<vmem>> -> memref<1x16x384xi32, #tpu.memory_space<vmem>>
      %dma_start3A_261 = tpu.memref_squeeze %dma_start3A_260 : memref<1x16x384xi32, #tpu.memory_space<vmem>> -> memref<16x384xi32, #tpu.memory_space<vmem>>
      %dma_start3A_262 = tpu.memref_slice %arg14[%mul3A_151] : memref<512xi32, #tpu.memory_space<vmem>> -> memref<16xi32, #tpu.memory_space<vmem>>
      %dma_start3A_263 = arith.constant 0 : i32
      %dma_start3A_264 = arith.constant 0 : i32
      %dma_start3A_265 = tpu.memref_slice %arg6[%dma_start3A_263, %dma_start3A_264] : memref<231x384xi32, #tpu.memory_space<hbm>> -> memref<231x384xi32, #tpu.memory_space<hbm>>
      %dma_start3A_266 = tpu.memref_slice %arg21[%dma_start3A_257] : memref<2x!tpu.dma_semaphore, #tpu.memory_space<semaphore_mem>> -> memref<1x!tpu.dma_semaphore, #tpu.memory_space<semaphore_mem>>
      %dma_start3A_267 = tpu.memref_squeeze %dma_start3A_266 : memref<1x!tpu.dma_semaphore, #tpu.memory_space<semaphore_mem>> -> memref<!tpu.dma_semaphore, #tpu.memory_space<semaphore_mem>>
      tpu.enqueue_indirect_dma source(%dma_start3A_265 : memref<231x384xi32, #tpu.memory_space<hbm>>) target(%dma_start3A_261 : memref<16x384xi32, #tpu.memory_space<vmem>>) offsets(%dma_start3A_262 : memref<16xi32, #tpu.memory_space<vmem>>) semaphore(%dma_start3A_267 : memref<!tpu.dma_semaphore, #tpu.memory_space<semaphore_mem>>)
      %dma_start3A_268 = arith.constant 1 : i32
      %dma_start3A_269 = arith.constant 1 : i32
      %dma_start3A_270 = arith.constant 0 : i32
      %dma_start3A_271 = arith.constant 0 : i32
      %dma_start3A_272 = tpu.memref_slice %arg19[%dma_start3A_268, %dma_start3A_270, %dma_start3A_271] : memref<2x16x256xi32, #tpu.memory_space<vmem>> -> memref<1x16x256xi32, #tpu.memory_space<vmem>>
      %dma_start3A_273 = tpu.memref_squeeze %dma_start3A_272 : memref<1x16x256xi32, #tpu.memory_space<vmem>> -> memref<16x256xi32, #tpu.memory_space<vmem>>
      %dma_start3A_274 = tpu.memref_slice %arg16[%mul3A_151] : memref<512xi32, #tpu.memory_space<vmem>> -> memref<16xi32, #tpu.memory_space<vmem>>
      %dma_start3A_275 = arith.constant 0 : i32
      %dma_start3A_276 = arith.constant 0 : i32
      %dma_start3A_277 = tpu.memref_slice %arg7[%dma_start3A_275, %dma_start3A_276] : memref<365x256xi32, #tpu.memory_space<hbm>> -> memref<365x256xi32, #tpu.memory_space<hbm>>
      %dma_start3A_278 = tpu.memref_slice %arg21[%dma_start3A_269] : memref<2x!tpu.dma_semaphore, #tpu.memory_space<semaphore_mem>> -> memref<1x!tpu.dma_semaphore, #tpu.memory_space<semaphore_mem>>
      %dma_start3A_279 = tpu.memref_squeeze %dma_start3A_278 : memref<1x!tpu.dma_semaphore, #tpu.memory_space<semaphore_mem>> -> memref<!tpu.dma_semaphore, #tpu.memory_space<semaphore_mem>>
      tpu.enqueue_indirect_dma source(%dma_start3A_277 : memref<365x256xi32, #tpu.memory_space<hbm>>) target(%dma_start3A_273 : memref<16x256xi32, #tpu.memory_space<vmem>>) offsets(%dma_start3A_274 : memref<16xi32, #tpu.memory_space<vmem>>) semaphore(%dma_start3A_279 : memref<!tpu.dma_semaphore, #tpu.memory_space<semaphore_mem>>)
      %mul3A_280 = arith.constant 16 : i32
      %mul3A_281 = arith.muli %mul3A_147, %mul3A_280 : i32
      %dma_wait3A = arith.constant 0 : i32
      %dma_wait3A_282 = arith.constant 0 : i32
      %dma_wait3A_283 = arith.constant 0 : i32
      %dma_wait3A_284 = arith.constant 0 : i32
      %dma_wait3A_285 = arith.constant 0 : i32
      %dma_wait3A_286 = tpu.memref_slice %arg17[%dma_wait3A, %dma_wait3A_282, %dma_wait3A_284, %dma_wait3A_285] : memref<2x8x16x128xf32, #tpu.memory_space<vmem>> -> memref<1x1x16x128xf32, #tpu.memory_space<vmem>>
      %dma_wait3A_287 = tpu.memref_squeeze %dma_wait3A_286 : memref<1x1x16x128xf32, #tpu.memory_space<vmem>> -> memref<16x128xf32, #tpu.memory_space<vmem>>
      %dma_wait3A_288 = tpu.memref_slice %arg13[%mul3A_281] : memref<512xi32, #tpu.memory_space<vmem>> -> memref<16xi32, #tpu.memory_space<vmem>>
      %dma_wait3A_289 = arith.constant 0 : i32
      %dma_wait3A_290 = arith.constant 0 : i32
      %dma_wait3A_291 = tpu.memref_slice %arg2[%dma_wait3A_289, %dma_wait3A_290] : memref<100000x128xf32, #tpu.memory_space<hbm>> -> memref<100000x128xf32, #tpu.memory_space<hbm>>
      %dma_wait3A_292 = tpu.memref_slice %arg21[%dma_wait3A_283] : memref<2x!tpu.dma_semaphore, #tpu.memory_space<semaphore_mem>> -> memref<1x!tpu.dma_semaphore, #tpu.memory_space<semaphore_mem>>
      %dma_wait3A_293 = tpu.memref_squeeze %dma_wait3A_292 : memref<1x!tpu.dma_semaphore, #tpu.memory_space<semaphore_mem>> -> memref<!tpu.dma_semaphore, #tpu.memory_space<semaphore_mem>>
      tpu.wait_indirect_dma semaphore(%dma_wait3A_293 : memref<!tpu.dma_semaphore, #tpu.memory_space<semaphore_mem>>) src(%dma_wait3A_291 : memref<100000x128xf32, #tpu.memory_space<hbm>>) dst(%dma_wait3A_287 : memref<16x128xf32, #tpu.memory_space<vmem>>)
      %dma_wait3A_294 = arith.constant 0 : i32
      %dma_wait3A_295 = arith.constant 1 : i32
      %dma_wait3A_296 = arith.constant 0 : i32
      %dma_wait3A_297 = arith.constant 0 : i32
      %dma_wait3A_298 = arith.constant 0 : i32
      %dma_wait3A_299 = tpu.memref_slice %arg17[%dma_wait3A_294, %dma_wait3A_295, %dma_wait3A_297, %dma_wait3A_298] : memref<2x8x16x128xf32, #tpu.memory_space<vmem>> -> memref<1x1x16x128xf32, #tpu.memory_space<vmem>>
      %dma_wait3A_300 = tpu.memref_squeeze %dma_wait3A_299 : memref<1x1x16x128xf32, #tpu.memory_space<vmem>> -> memref<16x128xf32, #tpu.memory_space<vmem>>
      %dma_wait3A_301 = tpu.memref_slice %arg13[%mul3A_281] : memref<512xi32, #tpu.memory_space<vmem>> -> memref<16xi32, #tpu.memory_space<vmem>>
      %dma_wait3A_302 = arith.constant 0 : i32
      %dma_wait3A_303 = arith.constant 0 : i32
      %dma_wait3A_304 = tpu.memref_slice %arg3[%dma_wait3A_302, %dma_wait3A_303] : memref<100000x128xf32, #tpu.memory_space<hbm>> -> memref<100000x128xf32, #tpu.memory_space<hbm>>
      %dma_wait3A_305 = tpu.memref_slice %arg21[%dma_wait3A_296] : memref<2x!tpu.dma_semaphore, #tpu.memory_space<semaphore_mem>> -> memref<1x!tpu.dma_semaphore, #tpu.memory_space<semaphore_mem>>
      %dma_wait3A_306 = tpu.memref_squeeze %dma_wait3A_305 : memref<1x!tpu.dma_semaphore, #tpu.memory_space<semaphore_mem>> -> memref<!tpu.dma_semaphore, #tpu.memory_space<semaphore_mem>>
      tpu.wait_indirect_dma semaphore(%dma_wait3A_306 : memref<!tpu.dma_semaphore, #tpu.memory_space<semaphore_mem>>) src(%dma_wait3A_304 : memref<100000x128xf32, #tpu.memory_space<hbm>>) dst(%dma_wait3A_300 : memref<16x128xf32, #tpu.memory_space<vmem>>)
      %dma_wait3A_307 = arith.constant 0 : i32
      %dma_wait3A_308 = arith.constant 2 : i32
      %dma_wait3A_309 = arith.constant 0 : i32
      %dma_wait3A_310 = arith.constant 0 : i32
      %dma_wait3A_311 = arith.constant 0 : i32
      %dma_wait3A_312 = tpu.memref_slice %arg17[%dma_wait3A_307, %dma_wait3A_308, %dma_wait3A_310, %dma_wait3A_311] : memref<2x8x16x128xf32, #tpu.memory_space<vmem>> -> memref<1x1x16x128xf32, #tpu.memory_space<vmem>>
      %dma_wait3A_313 = tpu.memref_squeeze %dma_wait3A_312 : memref<1x1x16x128xf32, #tpu.memory_space<vmem>> -> memref<16x128xf32, #tpu.memory_space<vmem>>
      %dma_wait3A_314 = tpu.memref_slice %arg15[%mul3A_281] : memref<512xi32, #tpu.memory_space<vmem>> -> memref<16xi32, #tpu.memory_space<vmem>>
      %dma_wait3A_315 = arith.constant 0 : i32
      %dma_wait3A_316 = arith.constant 0 : i32
      %dma_wait3A_317 = tpu.memref_slice %arg2[%dma_wait3A_315, %dma_wait3A_316] : memref<100000x128xf32, #tpu.memory_space<hbm>> -> memref<100000x128xf32, #tpu.memory_space<hbm>>
      %dma_wait3A_318 = tpu.memref_slice %arg21[%dma_wait3A_309] : memref<2x!tpu.dma_semaphore, #tpu.memory_space<semaphore_mem>> -> memref<1x!tpu.dma_semaphore, #tpu.memory_space<semaphore_mem>>
      %dma_wait3A_319 = tpu.memref_squeeze %dma_wait3A_318 : memref<1x!tpu.dma_semaphore, #tpu.memory_space<semaphore_mem>> -> memref<!tpu.dma_semaphore, #tpu.memory_space<semaphore_mem>>
      tpu.wait_indirect_dma semaphore(%dma_wait3A_319 : memref<!tpu.dma_semaphore, #tpu.memory_space<semaphore_mem>>) src(%dma_wait3A_317 : memref<100000x128xf32, #tpu.memory_space<hbm>>) dst(%dma_wait3A_313 : memref<16x128xf32, #tpu.memory_space<vmem>>)
      %dma_wait3A_320 = arith.constant 0 : i32
      %dma_wait3A_321 = arith.constant 3 : i32
      %dma_wait3A_322 = arith.constant 0 : i32
      %dma_wait3A_323 = arith.constant 0 : i32
      %dma_wait3A_324 = arith.constant 0 : i32
      %dma_wait3A_325 = tpu.memref_slice %arg17[%dma_wait3A_320, %dma_wait3A_321, %dma_wait3A_323, %dma_wait3A_324] : memref<2x8x16x128xf32, #tpu.memory_space<vmem>> -> memref<1x1x16x128xf32, #tpu.memory_space<vmem>>
      %dma_wait3A_326 = tpu.memref_squeeze %dma_wait3A_325 : memref<1x1x16x128xf32, #tpu.memory_space<vmem>> -> memref<16x128xf32, #tpu.memory_space<vmem>>
      %dma_wait3A_327 = tpu.memref_slice %arg15[%mul3A_281] : memref<512xi32, #tpu.memory_space<vmem>> -> memref<16xi32, #tpu.memory_space<vmem>>
      %dma_wait3A_328 = arith.constant 0 : i32
      %dma_wait3A_329 = arith.constant 0 : i32
      %dma_wait3A_330 = tpu.memref_slice %arg3[%dma_wait3A_328, %dma_wait3A_329] : memref<100000x128xf32, #tpu.memory_space<hbm>> -> memref<100000x128xf32, #tpu.memory_space<hbm>>
      %dma_wait3A_331 = tpu.memref_slice %arg21[%dma_wait3A_322] : memref<2x!tpu.dma_semaphore, #tpu.memory_space<semaphore_mem>> -> memref<1x!tpu.dma_semaphore, #tpu.memory_space<semaphore_mem>>
      %dma_wait3A_332 = tpu.memref_squeeze %dma_wait3A_331 : memref<1x!tpu.dma_semaphore, #tpu.memory_space<semaphore_mem>> -> memref<!tpu.dma_semaphore, #tpu.memory_space<semaphore_mem>>
      tpu.wait_indirect_dma semaphore(%dma_wait3A_332 : memref<!tpu.dma_semaphore, #tpu.memory_space<semaphore_mem>>) src(%dma_wait3A_330 : memref<100000x128xf32, #tpu.memory_space<hbm>>) dst(%dma_wait3A_326 : memref<16x128xf32, #tpu.memory_space<vmem>>)
      %dma_wait3A_333 = arith.constant 0 : i32
      %dma_wait3A_334 = arith.constant 4 : i32
      %dma_wait3A_335 = arith.constant 0 : i32
      %dma_wait3A_336 = arith.constant 0 : i32
      %dma_wait3A_337 = arith.constant 0 : i32
      %dma_wait3A_338 = tpu.memref_slice %arg17[%dma_wait3A_333, %dma_wait3A_334, %dma_wait3A_336, %dma_wait3A_337] : memref<2x8x16x128xf32, #tpu.memory_space<vmem>> -> memref<1x1x16x128xf32, #tpu.memory_space<vmem>>
      %dma_wait3A_339 = tpu.memref_squeeze %dma_wait3A_338 : memref<1x1x16x128xf32, #tpu.memory_space<vmem>> -> memref<16x128xf32, #tpu.memory_space<vmem>>
      %dma_wait3A_340 = tpu.memref_slice %arg13[%mul3A_281] : memref<512xi32, #tpu.memory_space<vmem>> -> memref<16xi32, #tpu.memory_space<vmem>>
      %dma_wait3A_341 = arith.constant 0 : i32
      %dma_wait3A_342 = arith.constant 0 : i32
      %dma_wait3A_343 = tpu.memref_slice %arg4[%dma_wait3A_341, %dma_wait3A_342] : memref<100000x128xf32, #tpu.memory_space<hbm>> -> memref<100000x128xf32, #tpu.memory_space<hbm>>
      %dma_wait3A_344 = tpu.memref_slice %arg21[%dma_wait3A_335] : memref<2x!tpu.dma_semaphore, #tpu.memory_space<semaphore_mem>> -> memref<1x!tpu.dma_semaphore, #tpu.memory_space<semaphore_mem>>
      %dma_wait3A_345 = tpu.memref_squeeze %dma_wait3A_344 : memref<1x!tpu.dma_semaphore, #tpu.memory_space<semaphore_mem>> -> memref<!tpu.dma_semaphore, #tpu.memory_space<semaphore_mem>>
      tpu.wait_indirect_dma semaphore(%dma_wait3A_345 : memref<!tpu.dma_semaphore, #tpu.memory_space<semaphore_mem>>) src(%dma_wait3A_343 : memref<100000x128xf32, #tpu.memory_space<hbm>>) dst(%dma_wait3A_339 : memref<16x128xf32, #tpu.memory_space<vmem>>)
      %dma_wait3A_346 = arith.constant 0 : i32
      %dma_wait3A_347 = arith.constant 5 : i32
      %dma_wait3A_348 = arith.constant 0 : i32
      %dma_wait3A_349 = arith.constant 0 : i32
      %dma_wait3A_350 = arith.constant 0 : i32
      %dma_wait3A_351 = tpu.memref_slice %arg17[%dma_wait3A_346, %dma_wait3A_347, %dma_wait3A_349, %dma_wait3A_350] : memref<2x8x16x128xf32, #tpu.memory_space<vmem>> -> memref<1x1x16x128xf32, #tpu.memory_space<vmem>>
      %dma_wait3A_352 = tpu.memref_squeeze %dma_wait3A_351 : memref<1x1x16x128xf32, #tpu.memory_space<vmem>> -> memref<16x128xf32, #tpu.memory_space<vmem>>
      %dma_wait3A_353 = tpu.memref_slice %arg13[%mul3A_281] : memref<512xi32, #tpu.memory_space<vmem>> -> memref<16xi32, #tpu.memory_space<vmem>>
      %dma_wait3A_354 = arith.constant 0 : i32
      %dma_wait3A_355 = arith.constant 0 : i32
      %dma_wait3A_356 = tpu.memref_slice %arg5[%dma_wait3A_354, %dma_wait3A_355] : memref<100000x128xf32, #tpu.memory_space<hbm>> -> memref<100000x128xf32, #tpu.memory_space<hbm>>
      %dma_wait3A_357 = tpu.memref_slice %arg21[%dma_wait3A_348] : memref<2x!tpu.dma_semaphore, #tpu.memory_space<semaphore_mem>> -> memref<1x!tpu.dma_semaphore, #tpu.memory_space<semaphore_mem>>
      %dma_wait3A_358 = tpu.memref_squeeze %dma_wait3A_357 : memref<1x!tpu.dma_semaphore, #tpu.memory_space<semaphore_mem>> -> memref<!tpu.dma_semaphore, #tpu.memory_space<semaphore_mem>>
      tpu.wait_indirect_dma semaphore(%dma_wait3A_358 : memref<!tpu.dma_semaphore, #tpu.memory_space<semaphore_mem>>) src(%dma_wait3A_356 : memref<100000x128xf32, #tpu.memory_space<hbm>>) dst(%dma_wait3A_352 : memref<16x128xf32, #tpu.memory_space<vmem>>)
      %dma_wait3A_359 = arith.constant 0 : i32
      %dma_wait3A_360 = arith.constant 6 : i32
      %dma_wait3A_361 = arith.constant 0 : i32
      %dma_wait3A_362 = arith.constant 0 : i32
      %dma_wait3A_363 = arith.constant 0 : i32
      %dma_wait3A_364 = tpu.memref_slice %arg17[%dma_wait3A_359, %dma_wait3A_360, %dma_wait3A_362, %dma_wait3A_363] : memref<2x8x16x128xf32, #tpu.memory_space<vmem>> -> memref<1x1x16x128xf32, #tpu.memory_space<vmem>>
      %dma_wait3A_365 = tpu.memref_squeeze %dma_wait3A_364 : memref<1x1x16x128xf32, #tpu.memory_space<vmem>> -> memref<16x128xf32, #tpu.memory_space<vmem>>
      %dma_wait3A_366 = tpu.memref_slice %arg15[%mul3A_281] : memref<512xi32, #tpu.memory_space<vmem>> -> memref<16xi32, #tpu.memory_space<vmem>>
      %dma_wait3A_367 = arith.constant 0 : i32
      %dma_wait3A_368 = arith.constant 0 : i32
      %dma_wait3A_369 = tpu.memref_slice %arg4[%dma_wait3A_367, %dma_wait3A_368] : memref<100000x128xf32, #tpu.memory_space<hbm>> -> memref<100000x128xf32, #tpu.memory_space<hbm>>
      %dma_wait3A_370 = tpu.memref_slice %arg21[%dma_wait3A_361] : memref<2x!tpu.dma_semaphore, #tpu.memory_space<semaphore_mem>> -> memref<1x!tpu.dma_semaphore, #tpu.memory_space<semaphore_mem>>
      %dma_wait3A_371 = tpu.memref_squeeze %dma_wait3A_370 : memref<1x!tpu.dma_semaphore, #tpu.memory_space<semaphore_mem>> -> memref<!tpu.dma_semaphore, #tpu.memory_space<semaphore_mem>>
      tpu.wait_indirect_dma semaphore(%dma_wait3A_371 : memref<!tpu.dma_semaphore, #tpu.memory_space<semaphore_mem>>) src(%dma_wait3A_369 : memref<100000x128xf32, #tpu.memory_space<hbm>>) dst(%dma_wait3A_365 : memref<16x128xf32, #tpu.memory_space<vmem>>)
      %dma_wait3A_372 = arith.constant 0 : i32
      %dma_wait3A_373 = arith.constant 7 : i32
      %dma_wait3A_374 = arith.constant 0 : i32
      %dma_wait3A_375 = arith.constant 0 : i32
      %dma_wait3A_376 = arith.constant 0 : i32
      %dma_wait3A_377 = tpu.memref_slice %arg17[%dma_wait3A_372, %dma_wait3A_373, %dma_wait3A_375, %dma_wait3A_376] : memref<2x8x16x128xf32, #tpu.memory_space<vmem>> -> memref<1x1x16x128xf32, #tpu.memory_space<vmem>>
      %dma_wait3A_378 = tpu.memref_squeeze %dma_wait3A_377 : memref<1x1x16x128xf32, #tpu.memory_space<vmem>> -> memref<16x128xf32, #tpu.memory_space<vmem>>
      %dma_wait3A_379 = tpu.memref_slice %arg15[%mul3A_281] : memref<512xi32, #tpu.memory_space<vmem>> -> memref<16xi32, #tpu.memory_space<vmem>>
      %dma_wait3A_380 = arith.constant 0 : i32
      %dma_wait3A_381 = arith.constant 0 : i32
      %dma_wait3A_382 = tpu.memref_slice %arg5[%dma_wait3A_380, %dma_wait3A_381] : memref<100000x128xf32, #tpu.memory_space<hbm>> -> memref<100000x128xf32, #tpu.memory_space<hbm>>
      %dma_wait3A_383 = tpu.memref_slice %arg21[%dma_wait3A_374] : memref<2x!tpu.dma_semaphore, #tpu.memory_space<semaphore_mem>> -> memref<1x!tpu.dma_semaphore, #tpu.memory_space<semaphore_mem>>
      %dma_wait3A_384 = tpu.memref_squeeze %dma_wait3A_383 : memref<1x!tpu.dma_semaphore, #tpu.memory_space<semaphore_mem>> -> memref<!tpu.dma_semaphore, #tpu.memory_space<semaphore_mem>>
      tpu.wait_indirect_dma semaphore(%dma_wait3A_384 : memref<!tpu.dma_semaphore, #tpu.memory_space<semaphore_mem>>) src(%dma_wait3A_382 : memref<100000x128xf32, #tpu.memory_space<hbm>>) dst(%dma_wait3A_378 : memref<16x128xf32, #tpu.memory_space<vmem>>)
      %dma_wait3A_385 = arith.constant 0 : i32
      %dma_wait3A_386 = arith.constant 0 : i32
      %dma_wait3A_387 = arith.constant 0 : i32
      %dma_wait3A_388 = arith.constant 0 : i32
      %dma_wait3A_389 = tpu.memref_slice %arg18[%dma_wait3A_385, %dma_wait3A_387, %dma_wait3A_388] : memref<2x16x384xi32, #tpu.memory_space<vmem>> -> memref<1x16x384xi32, #tpu.memory_space<vmem>>
      %dma_wait3A_390 = tpu.memref_squeeze %dma_wait3A_389 : memref<1x16x384xi32, #tpu.memory_space<vmem>> -> memref<16x384xi32, #tpu.memory_space<vmem>>
      %dma_wait3A_391 = tpu.memref_slice %arg14[%mul3A_281] : memref<512xi32, #tpu.memory_space<vmem>> -> memref<16xi32, #tpu.memory_space<vmem>>
      %dma_wait3A_392 = arith.constant 0 : i32
      %dma_wait3A_393 = arith.constant 0 : i32
      %dma_wait3A_394 = tpu.memref_slice %arg6[%dma_wait3A_392, %dma_wait3A_393] : memref<231x384xi32, #tpu.memory_space<hbm>> -> memref<231x384xi32, #tpu.memory_space<hbm>>
      %dma_wait3A_395 = tpu.memref_slice %arg21[%dma_wait3A_386] : memref<2x!tpu.dma_semaphore, #tpu.memory_space<semaphore_mem>> -> memref<1x!tpu.dma_semaphore, #tpu.memory_space<semaphore_mem>>
      %dma_wait3A_396 = tpu.memref_squeeze %dma_wait3A_395 : memref<1x!tpu.dma_semaphore, #tpu.memory_space<semaphore_mem>> -> memref<!tpu.dma_semaphore, #tpu.memory_space<semaphore_mem>>
      tpu.wait_indirect_dma semaphore(%dma_wait3A_396 : memref<!tpu.dma_semaphore, #tpu.memory_space<semaphore_mem>>) src(%dma_wait3A_394 : memref<231x384xi32, #tpu.memory_space<hbm>>) dst(%dma_wait3A_390 : memref<16x384xi32, #tpu.memory_space<vmem>>)
      %dma_wait3A_397 = arith.constant 0 : i32
      %dma_wait3A_398 = arith.constant 0 : i32
      %dma_wait3A_399 = arith.constant 0 : i32
      %dma_wait3A_400 = arith.constant 0 : i32
      %dma_wait3A_401 = tpu.memref_slice %arg19[%dma_wait3A_397, %dma_wait3A_399, %dma_wait3A_400] : memref<2x16x256xi32, #tpu.memory_space<vmem>> -> memref<1x16x256xi32, #tpu.memory_space<vmem>>
      %dma_wait3A_402 = tpu.memref_squeeze %dma_wait3A_401 : memref<1x16x256xi32, #tpu.memory_space<vmem>> -> memref<16x256xi32, #tpu.memory_space<vmem>>
      %dma_wait3A_403 = tpu.memref_slice %arg16[%mul3A_281] : memref<512xi32, #tpu.memory_space<vmem>> -> memref<16xi32, #tpu.memory_space<vmem>>
      %dma_wait3A_404 = arith.constant 0 : i32
      %dma_wait3A_405 = arith.constant 0 : i32
      %dma_wait3A_406 = tpu.memref_slice %arg7[%dma_wait3A_404, %dma_wait3A_405] : memref<365x256xi32, #tpu.memory_space<hbm>> -> memref<365x256xi32, #tpu.memory_space<hbm>>
      %dma_wait3A_407 = tpu.memref_slice %arg21[%dma_wait3A_398] : memref<2x!tpu.dma_semaphore, #tpu.memory_space<semaphore_mem>> -> memref<1x!tpu.dma_semaphore, #tpu.memory_space<semaphore_mem>>
      %dma_wait3A_408 = tpu.memref_squeeze %dma_wait3A_407 : memref<1x!tpu.dma_semaphore, #tpu.memory_space<semaphore_mem>> -> memref<!tpu.dma_semaphore, #tpu.memory_space<semaphore_mem>>
      tpu.wait_indirect_dma semaphore(%dma_wait3A_408 : memref<!tpu.dma_semaphore, #tpu.memory_space<semaphore_mem>>) src(%dma_wait3A_406 : memref<365x256xi32, #tpu.memory_space<hbm>>) dst(%dma_wait3A_402 : memref<16x256xi32, #tpu.memory_space<vmem>>)
      %broadcast_in_dim3A = arith.constant 0.000000e+00 : f32
      %broadcast_in_dim3A_409 = vector.broadcast %broadcast_in_dim3A : f32 to vector<16xf32>
      %scan3A_410 = arith.constant 0 : i32
      %scan3A_411 = arith.constant 128 : i32
      %scan3A_412 = arith.addi %scan3A_410, %scan3A_411 : i32
      %scan3A_413 = arith.constant 2 : i32
      %scan3A_414:2 = scf.for %scan3A_571 = %scan3A_410 to %scan3A_412 step %scan3A_413 iter_args(%scan3A_572 = %broadcast_in_dim3A_409, %scan3A_573 = %broadcast_in_dim3A_409) -> (vector<16xf32>, vector<16xf32>)  : i32 {
        %add3A_574 = vector.broadcast %scan3A_571 : i32 to vector<16xi32>
        %add3A_575 = arith.addi %add3A_574, %iota3A : vector<16xi32>
        %and3A = arith.constant 127 : i32
        %and3A_576 = vector.broadcast %and3A : i32 to vector<16xi32>
        %and3A_577 = arith.andi %add3A_575, %and3A_576 : vector<16xi32>
        %gather3A = arith.constant 0 : i32
        %gather3A_578 = arith.constant 0 : i32
        %gather3A_579 = arith.constant 0 : i32
        %gather3A_580 = arith.constant 0 : i32
        %gather3A_581 = tpu.memref_slice %arg17[%gather3A, %gather3A_578, %gather3A_579, %gather3A_580] : memref<2x8x16x128xf32, #tpu.memory_space<vmem>> -> memref<1x1x16x128xf32, #tpu.memory_space<vmem>>
        %gather3A_582 = tpu.memref_squeeze %gather3A_581 : memref<1x1x16x128xf32, #tpu.memory_space<vmem>> -> memref<16x128xf32, #tpu.memory_space<vmem>>
        %gather3A_583 = tpu.vector_load_idx %gather3A_582[%iota3A, %and3A_577] : memref<16x128xf32, #tpu.memory_space<vmem>>[vector<16xi32>, vector<16xi32>], vector<16xf32>,
        %gather3A_584 = arith.constant 0 : i32
        %gather3A_585 = arith.constant 1 : i32
        %gather3A_586 = arith.constant 0 : i32
        %gather3A_587 = arith.constant 0 : i32
        %gather3A_588 = tpu.memref_slice %arg17[%gather3A_584, %gather3A_585, %gather3A_586, %gather3A_587] : memref<2x8x16x128xf32, #tpu.memory_space<vmem>> -> memref<1x1x16x128xf32, #tpu.memory_space<vmem>>
        %gather3A_589 = tpu.memref_squeeze %gather3A_588 : memref<1x1x16x128xf32, #tpu.memory_space<vmem>> -> memref<16x128xf32, #tpu.memory_space<vmem>>
        %gather3A_590 = tpu.vector_load_idx %gather3A_589[%iota3A, %and3A_577] : memref<16x128xf32, #tpu.memory_space<vmem>>[vector<16xi32>, vector<16xi32>], vector<16xf32>,
        %gather3A_591 = arith.constant 0 : i32
        %gather3A_592 = arith.constant 2 : i32
        %gather3A_593 = arith.constant 0 : i32
        %gather3A_594 = arith.constant 0 : i32
        %gather3A_595 = tpu.memref_slice %arg17[%gather3A_591, %gather3A_592, %gather3A_593, %gather3A_594] : memref<2x8x16x128xf32, #tpu.memory_space<vmem>> -> memref<1x1x16x128xf32, #tpu.memory_space<vmem>>
        %gather3A_596 = tpu.memref_squeeze %gather3A_595 : memref<1x1x16x128xf32, #tpu.memory_space<vmem>> -> memref<16x128xf32, #tpu.memory_space<vmem>>
        %gather3A_597 = tpu.vector_load_idx %gather3A_596[%iota3A, %and3A_577] : memref<16x128xf32, #tpu.memory_space<vmem>>[vector<16xi32>, vector<16xi32>], vector<16xf32>,
        %gather3A_598 = arith.constant 0 : i32
        %gather3A_599 = arith.constant 3 : i32
        %gather3A_600 = arith.constant 0 : i32
        %gather3A_601 = arith.constant 0 : i32
        %gather3A_602 = tpu.memref_slice %arg17[%gather3A_598, %gather3A_599, %gather3A_600, %gather3A_601] : memref<2x8x16x128xf32, #tpu.memory_space<vmem>> -> memref<1x1x16x128xf32, #tpu.memory_space<vmem>>
        %gather3A_603 = tpu.memref_squeeze %gather3A_602 : memref<1x1x16x128xf32, #tpu.memory_space<vmem>> -> memref<16x128xf32, #tpu.memory_space<vmem>>
        %gather3A_604 = tpu.vector_load_idx %gather3A_603[%iota3A, %and3A_577] : memref<16x128xf32, #tpu.memory_space<vmem>>[vector<16xi32>, vector<16xi32>], vector<16xf32>,
        %gather3A_605 = arith.constant 0 : i32
        %gather3A_606 = arith.constant 4 : i32
        %gather3A_607 = arith.constant 0 : i32
        %gather3A_608 = arith.constant 0 : i32
        %gather3A_609 = tpu.memref_slice %arg17[%gather3A_605, %gather3A_606, %gather3A_607, %gather3A_608] : memref<2x8x16x128xf32, #tpu.memory_space<vmem>> -> memref<1x1x16x128xf32, #tpu.memory_space<vmem>>
        %gather3A_610 = tpu.memref_squeeze %gather3A_609 : memref<1x1x16x128xf32, #tpu.memory_space<vmem>> -> memref<16x128xf32, #tpu.memory_space<vmem>>
        %gather3A_611 = tpu.vector_load_idx %gather3A_610[%iota3A, %and3A_577] : memref<16x128xf32, #tpu.memory_space<vmem>>[vector<16xi32>, vector<16xi32>], vector<16xf32>,
        %gather3A_612 = arith.constant 0 : i32
        %gather3A_613 = arith.constant 5 : i32
        %gather3A_614 = arith.constant 0 : i32
        %gather3A_615 = arith.constant 0 : i32
        %gather3A_616 = tpu.memref_slice %arg17[%gather3A_612, %gather3A_613, %gather3A_614, %gather3A_615] : memref<2x8x16x128xf32, #tpu.memory_space<vmem>> -> memref<1x1x16x128xf32, #tpu.memory_space<vmem>>
        %gather3A_617 = tpu.memref_squeeze %gather3A_616 : memref<1x1x16x128xf32, #tpu.memory_space<vmem>> -> memref<16x128xf32, #tpu.memory_space<vmem>>
        %gather3A_618 = tpu.vector_load_idx %gather3A_617[%iota3A, %and3A_577] : memref<16x128xf32, #tpu.memory_space<vmem>>[vector<16xi32>, vector<16xi32>], vector<16xf32>,
        %gather3A_619 = arith.constant 0 : i32
        %gather3A_620 = arith.constant 6 : i32
        %gather3A_621 = arith.constant 0 : i32
        %gather3A_622 = arith.constant 0 : i32
        %gather3A_623 = tpu.memref_slice %arg17[%gather3A_619, %gather3A_620, %gather3A_621, %gather3A_622] : memref<2x8x16x128xf32, #tpu.memory_space<vmem>> -> memref<1x1x16x128xf32, #tpu.memory_space<vmem>>
        %gather3A_624 = tpu.memref_squeeze %gather3A_623 : memref<1x1x16x128xf32, #tpu.memory_space<vmem>> -> memref<16x128xf32, #tpu.memory_space<vmem>>
        %gather3A_625 = tpu.vector_load_idx %gather3A_624[%iota3A, %and3A_577] : memref<16x128xf32, #tpu.memory_space<vmem>>[vector<16xi32>, vector<16xi32>], vector<16xf32>,
        %gather3A_626 = arith.constant 0 : i32
        %gather3A_627 = arith.constant 7 : i32
        %gather3A_628 = arith.constant 0 : i32
        %gather3A_629 = arith.constant 0 : i32
        %gather3A_630 = tpu.memref_slice %arg17[%gather3A_626, %gather3A_627, %gather3A_628, %gather3A_629] : memref<2x8x16x128xf32, #tpu.memory_space<vmem>> -> memref<1x1x16x128xf32, #tpu.memory_space<vmem>>
        %gather3A_631 = tpu.memref_squeeze %gather3A_630 : memref<1x1x16x128xf32, #tpu.memory_space<vmem>> -> memref<16x128xf32, #tpu.memory_space<vmem>>
        %gather3A_632 = tpu.vector_load_idx %gather3A_631[%iota3A, %and3A_577] : memref<16x128xf32, #tpu.memory_space<vmem>>[vector<16xi32>, vector<16xi32>], vector<16xf32>,
        %add3A_633 = arith.constant 0 : i32
        %add3A_634 = vector.broadcast %add3A_633 : i32 to vector<16xi32>
        %add3A_635 = arith.addi %and3A_577, %add3A_634 : vector<16xi32>
        %gather3A_636 = arith.constant 0 : i32
        %gather3A_637 = arith.constant 0 : i32
        %gather3A_638 = arith.constant 0 : i32
        %gather3A_639 = tpu.memref_slice %arg18[%gather3A_636, %gather3A_637, %gather3A_638] : memref<2x16x384xi32, #tpu.memory_space<vmem>> -> memref<1x16x384xi32, #tpu.memory_space<vmem>>
        %gather3A_640 = tpu.memref_squeeze %gather3A_639 : memref<1x16x384xi32, #tpu.memory_space<vmem>> -> memref<16x384xi32, #tpu.memory_space<vmem>>
        %gather3A_641 = tpu.vector_load_idx %gather3A_640[%iota3A, %add3A_635] : memref<16x384xi32, #tpu.memory_space<vmem>>[vector<16xi32>, vector<16xi32>], vector<16xi32>,
        %bitcast3A = vector.bitcast %gather3A_641 : vector<16xi32> to vector<32xbf16>
        %unpack3A = tpu.unpack_subelements %bitcast3A, 0 {pack_format = #tpu.pack_format<interleaved>} : vector<32xbf16> -> vector<16xf32>
        %unpack3A_642 = tpu.unpack_subelements %bitcast3A, 1 {pack_format = #tpu.pack_format<interleaved>} : vector<32xbf16> -> vector<16xf32>
        %add3A_643 = arith.constant 128 : i32
        %add3A_644 = vector.broadcast %add3A_643 : i32 to vector<16xi32>
        %add3A_645 = arith.addi %and3A_577, %add3A_644 : vector<16xi32>
        %gather3A_646 = arith.constant 0 : i32
        %gather3A_647 = arith.constant 0 : i32
        %gather3A_648 = arith.constant 0 : i32
        %gather3A_649 = tpu.memref_slice %arg18[%gather3A_646, %gather3A_647, %gather3A_648] : memref<2x16x384xi32, #tpu.memory_space<vmem>> -> memref<1x16x384xi32, #tpu.memory_space<vmem>>
        %gather3A_650 = tpu.memref_squeeze %gather3A_649 : memref<1x16x384xi32, #tpu.memory_space<vmem>> -> memref<16x384xi32, #tpu.memory_space<vmem>>
        %gather3A_651 = tpu.vector_load_idx %gather3A_650[%iota3A, %add3A_645] : memref<16x384xi32, #tpu.memory_space<vmem>>[vector<16xi32>, vector<16xi32>], vector<16xi32>,
        %bitcast3A_652 = vector.bitcast %gather3A_651 : vector<16xi32> to vector<32xbf16>
        %unpack3A_653 = tpu.unpack_subelements %bitcast3A_652, 0 {pack_format = #tpu.pack_format<interleaved>} : vector<32xbf16> -> vector<16xf32>
        %unpack3A_654 = tpu.unpack_subelements %bitcast3A_652, 1 {pack_format = #tpu.pack_format<interleaved>} : vector<32xbf16> -> vector<16xf32>
        %add3A_655 = arith.constant 256 : i32
        %add3A_656 = vector.broadcast %add3A_655 : i32 to vector<16xi32>
        %add3A_657 = arith.addi %and3A_577, %add3A_656 : vector<16xi32>
        %gather3A_658 = arith.constant 0 : i32
        %gather3A_659 = arith.constant 0 : i32
        %gather3A_660 = arith.constant 0 : i32
        %gather3A_661 = tpu.memref_slice %arg18[%gather3A_658, %gather3A_659, %gather3A_660] : memref<2x16x384xi32, #tpu.memory_space<vmem>> -> memref<1x16x384xi32, #tpu.memory_space<vmem>>
        %gather3A_662 = tpu.memref_squeeze %gather3A_661 : memref<1x16x384xi32, #tpu.memory_space<vmem>> -> memref<16x384xi32, #tpu.memory_space<vmem>>
        %gather3A_663 = tpu.vector_load_idx %gather3A_662[%iota3A, %add3A_657] : memref<16x384xi32, #tpu.memory_space<vmem>>[vector<16xi32>, vector<16xi32>], vector<16xi32>,
        %bitcast3A_664 = vector.bitcast %gather3A_663 : vector<16xi32> to vector<32xbf16>
        %unpack3A_665 = tpu.unpack_subelements %bitcast3A_664, 0 {pack_format = #tpu.pack_format<interleaved>} : vector<32xbf16> -> vector<16xf32>
        %unpack3A_666 = tpu.unpack_subelements %bitcast3A_664, 1 {pack_format = #tpu.pack_format<interleaved>} : vector<32xbf16> -> vector<16xf32>
        %add3A_667 = arith.constant 0 : i32
        %add3A_668 = vector.broadcast %add3A_667 : i32 to vector<16xi32>
        %add3A_669 = arith.addi %and3A_577, %add3A_668 : vector<16xi32>
        %gather3A_670 = arith.constant 0 : i32
        %gather3A_671 = arith.constant 0 : i32
        %gather3A_672 = arith.constant 0 : i32
        %gather3A_673 = tpu.memref_slice %arg19[%gather3A_670, %gather3A_671, %gather3A_672] : memref<2x16x256xi32, #tpu.memory_space<vmem>> -> memref<1x16x256xi32, #tpu.memory_space<vmem>>
        %gather3A_674 = tpu.memref_squeeze %gather3A_673 : memref<1x16x256xi32, #tpu.memory_space<vmem>> -> memref<16x256xi32, #tpu.memory_space<vmem>>
        %gather3A_675 = tpu.vector_load_idx %gather3A_674[%iota3A, %add3A_669] : memref<16x256xi32, #tpu.memory_space<vmem>>[vector<16xi32>, vector<16xi32>], vector<16xi32>,
        %bitcast3A_676 = vector.bitcast %gather3A_675 : vector<16xi32> to vector<32xbf16>
        %unpack3A_677 = tpu.unpack_subelements %bitcast3A_676, 0 {pack_format = #tpu.pack_format<interleaved>} : vector<32xbf16> -> vector<16xf32>
        %unpack3A_678 = tpu.unpack_subelements %bitcast3A_676, 1 {pack_format = #tpu.pack_format<interleaved>} : vector<32xbf16> -> vector<16xf32>
        %add3A_679 = arith.constant 128 : i32
        %add3A_680 = vector.broadcast %add3A_679 : i32 to vector<16xi32>
        %add3A_681 = arith.addi %and3A_577, %add3A_680 : vector<16xi32>
        %gather3A_682 = arith.constant 0 : i32
        %gather3A_683 = arith.constant 0 : i32
        %gather3A_684 = arith.constant 0 : i32
        %gather3A_685 = tpu.memref_slice %arg19[%gather3A_682, %gather3A_683, %gather3A_684] : memref<2x16x256xi32, #tpu.memory_space<vmem>> -> memref<1x16x256xi32, #tpu.memory_space<vmem>>
        %gather3A_686 = tpu.memref_squeeze %gather3A_685 : memref<1x16x256xi32, #tpu.memory_space<vmem>> -> memref<16x256xi32, #tpu.memory_space<vmem>>
        %gather3A_687 = tpu.vector_load_idx %gather3A_686[%iota3A, %add3A_681] : memref<16x256xi32, #tpu.memory_space<vmem>>[vector<16xi32>, vector<16xi32>], vector<16xi32>,
        %bitcast3A_688 = vector.bitcast %gather3A_687 : vector<16xi32> to vector<32xbf16>
        %unpack3A_689 = tpu.unpack_subelements %bitcast3A_688, 0 {pack_format = #tpu.pack_format<interleaved>} : vector<32xbf16> -> vector<16xf32>
        %unpack3A_690 = tpu.unpack_subelements %bitcast3A_688, 1 {pack_format = #tpu.pack_format<interleaved>} : vector<32xbf16> -> vector<16xf32>
        %mul3A_691 = arith.mulf %gather3A_583, %unpack3A : vector<16xf32>
        %mul3A_692 = arith.mulf %gather3A_590, %unpack3A_642 : vector<16xf32>
        %sub3A = arith.subf %mul3A_691, %mul3A_692 : vector<16xf32>
        %mul3A_693 = arith.mulf %gather3A_583, %unpack3A_642 : vector<16xf32>
        %mul3A_694 = arith.mulf %gather3A_590, %unpack3A : vector<16xf32>
        %add3A_695 = arith.addf %mul3A_693, %mul3A_694 : vector<16xf32>
        %mul3A_696 = arith.mulf %sub3A, %gather3A_597 : vector<16xf32>
        %mul3A_697 = arith.mulf %add3A_695, %gather3A_604 : vector<16xf32>
        %add3A_698 = arith.addf %mul3A_696, %mul3A_697 : vector<16xf32>
        %mul3A_699 = arith.mulf %gather3A_583, %unpack3A_653 : vector<16xf32>
        %mul3A_700 = arith.mulf %gather3A_590, %unpack3A_654 : vector<16xf32>
        %sub3A_701 = arith.subf %mul3A_699, %mul3A_700 : vector<16xf32>
        %mul3A_702 = arith.mulf %gather3A_583, %unpack3A_654 : vector<16xf32>
        %mul3A_703 = arith.mulf %gather3A_590, %unpack3A_653 : vector<16xf32>
        %add3A_704 = arith.addf %mul3A_702, %mul3A_703 : vector<16xf32>
        %mul3A_705 = arith.mulf %sub3A_701, %unpack3A_677 : vector<16xf32>
        %mul3A_706 = arith.mulf %add3A_704, %unpack3A_678 : vector<16xf32>
        %add3A_707 = arith.addf %mul3A_705, %mul3A_706 : vector<16xf32>
        %mul3A_708 = arith.mulf %gather3A_597, %unpack3A_665 : vector<16xf32>
        %mul3A_709 = arith.mulf %gather3A_604, %unpack3A_666 : vector<16xf32>
        %sub3A_710 = arith.subf %mul3A_708, %mul3A_709 : vector<16xf32>
        %mul3A_711 = arith.mulf %gather3A_597, %unpack3A_666 : vector<16xf32>
        %mul3A_712 = arith.mulf %gather3A_604, %unpack3A_665 : vector<16xf32>
        %add3A_713 = arith.addf %mul3A_711, %mul3A_712 : vector<16xf32>
        %mul3A_714 = arith.mulf %sub3A_710, %unpack3A_689 : vector<16xf32>
        %mul3A_715 = arith.mulf %add3A_713, %unpack3A_690 : vector<16xf32>
        %add3A_716 = arith.addf %mul3A_714, %mul3A_715 : vector<16xf32>
        %mul3A_717 = arith.mulf %gather3A_611, %unpack3A_677 : vector<16xf32>
        %mul3A_718 = arith.mulf %gather3A_618, %unpack3A_678 : vector<16xf32>
        %sub3A_719 = arith.subf %mul3A_717, %mul3A_718 : vector<16xf32>
        %mul3A_720 = arith.mulf %gather3A_611, %unpack3A_678 : vector<16xf32>
        %mul3A_721 = arith.mulf %gather3A_618, %unpack3A_677 : vector<16xf32>
        %add3A_722 = arith.addf %mul3A_720, %mul3A_721 : vector<16xf32>
        %mul3A_723 = arith.mulf %sub3A_719, %gather3A_625 : vector<16xf32>
        %mul3A_724 = arith.mulf %add3A_722, %gather3A_632 : vector<16xf32>
        %add3A_725 = arith.addf %mul3A_723, %mul3A_724 : vector<16xf32>
        %add3A_726 = arith.addf %add3A_698, %add3A_707 : vector<16xf32>
        %add3A_727 = arith.addf %scan3A_572, %add3A_726 : vector<16xf32>
        %mul3A_728 = arith.constant 5.000000e+00 : f32
        %mul3A_729 = vector.broadcast %mul3A_728 : f32 to vector<16xf32>
        %mul3A_730 = arith.mulf %mul3A_729, %add3A_725 : vector<16xf32>
        %add3A_731 = arith.addf %add3A_716, %mul3A_730 : vector<16xf32>
        %add3A_732 = arith.addf %scan3A_573, %add3A_731 : vector<16xf32>
        %scan3A_733 = arith.constant 1 : i32
        %scan3A_734 = arith.addi %scan3A_571, %scan3A_733 : i32
        %add3A_735 = vector.broadcast %scan3A_734 : i32 to vector<16xi32>
        %add3A_736 = arith.addi %add3A_735, %iota3A : vector<16xi32>
        %and3A_737 = arith.constant 127 : i32
        %and3A_738 = vector.broadcast %and3A_737 : i32 to vector<16xi32>
        %and3A_739 = arith.andi %add3A_736, %and3A_738 : vector<16xi32>
        %gather3A_740 = arith.constant 0 : i32
        %gather3A_741 = arith.constant 0 : i32
        %gather3A_742 = arith.constant 0 : i32
        %gather3A_743 = arith.constant 0 : i32
        %gather3A_744 = tpu.memref_slice %arg17[%gather3A_740, %gather3A_741, %gather3A_742, %gather3A_743] : memref<2x8x16x128xf32, #tpu.memory_space<vmem>> -> memref<1x1x16x128xf32, #tpu.memory_space<vmem>>
        %gather3A_745 = tpu.memref_squeeze %gather3A_744 : memref<1x1x16x128xf32, #tpu.memory_space<vmem>> -> memref<16x128xf32, #tpu.memory_space<vmem>>
        %gather3A_746 = tpu.vector_load_idx %gather3A_745[%iota3A, %and3A_739] : memref<16x128xf32, #tpu.memory_space<vmem>>[vector<16xi32>, vector<16xi32>], vector<16xf32>,
        %gather3A_747 = arith.constant 0 : i32
        %gather3A_748 = arith.constant 1 : i32
        %gather3A_749 = arith.constant 0 : i32
        %gather3A_750 = arith.constant 0 : i32
        %gather3A_751 = tpu.memref_slice %arg17[%gather3A_747, %gather3A_748, %gather3A_749, %gather3A_750] : memref<2x8x16x128xf32, #tpu.memory_space<vmem>> -> memref<1x1x16x128xf32, #tpu.memory_space<vmem>>
        %gather3A_752 = tpu.memref_squeeze %gather3A_751 : memref<1x1x16x128xf32, #tpu.memory_space<vmem>> -> memref<16x128xf32, #tpu.memory_space<vmem>>
        %gather3A_753 = tpu.vector_load_idx %gather3A_752[%iota3A, %and3A_739] : memref<16x128xf32, #tpu.memory_space<vmem>>[vector<16xi32>, vector<16xi32>], vector<16xf32>,
        %gather3A_754 = arith.constant 0 : i32
        %gather3A_755 = arith.constant 2 : i32
        %gather3A_756 = arith.constant 0 : i32
        %gather3A_757 = arith.constant 0 : i32
        %gather3A_758 = tpu.memref_slice %arg17[%gather3A_754, %gather3A_755, %gather3A_756, %gather3A_757] : memref<2x8x16x128xf32, #tpu.memory_space<vmem>> -> memref<1x1x16x128xf32, #tpu.memory_space<vmem>>
        %gather3A_759 = tpu.memref_squeeze %gather3A_758 : memref<1x1x16x128xf32, #tpu.memory_space<vmem>> -> memref<16x128xf32, #tpu.memory_space<vmem>>
        %gather3A_760 = tpu.vector_load_idx %gather3A_759[%iota3A, %and3A_739] : memref<16x128xf32, #tpu.memory_space<vmem>>[vector<16xi32>, vector<16xi32>], vector<16xf32>,
        %gather3A_761 = arith.constant 0 : i32
        %gather3A_762 = arith.constant 3 : i32
        %gather3A_763 = arith.constant 0 : i32
        %gather3A_764 = arith.constant 0 : i32
        %gather3A_765 = tpu.memref_slice %arg17[%gather3A_761, %gather3A_762, %gather3A_763, %gather3A_764] : memref<2x8x16x128xf32, #tpu.memory_space<vmem>> -> memref<1x1x16x128xf32, #tpu.memory_space<vmem>>
        %gather3A_766 = tpu.memref_squeeze %gather3A_765 : memref<1x1x16x128xf32, #tpu.memory_space<vmem>> -> memref<16x128xf32, #tpu.memory_space<vmem>>
        %gather3A_767 = tpu.vector_load_idx %gather3A_766[%iota3A, %and3A_739] : memref<16x128xf32, #tpu.memory_space<vmem>>[vector<16xi32>, vector<16xi32>], vector<16xf32>,
        %gather3A_768 = arith.constant 0 : i32
        %gather3A_769 = arith.constant 4 : i32
        %gather3A_770 = arith.constant 0 : i32
        %gather3A_771 = arith.constant 0 : i32
        %gather3A_772 = tpu.memref_slice %arg17[%gather3A_768, %gather3A_769, %gather3A_770, %gather3A_771] : memref<2x8x16x128xf32, #tpu.memory_space<vmem>> -> memref<1x1x16x128xf32, #tpu.memory_space<vmem>>
        %gather3A_773 = tpu.memref_squeeze %gather3A_772 : memref<1x1x16x128xf32, #tpu.memory_space<vmem>> -> memref<16x128xf32, #tpu.memory_space<vmem>>
        %gather3A_774 = tpu.vector_load_idx %gather3A_773[%iota3A, %and3A_739] : memref<16x128xf32, #tpu.memory_space<vmem>>[vector<16xi32>, vector<16xi32>], vector<16xf32>,
        %gather3A_775 = arith.constant 0 : i32
        %gather3A_776 = arith.constant 5 : i32
        %gather3A_777 = arith.constant 0 : i32
        %gather3A_778 = arith.constant 0 : i32
        %gather3A_779 = tpu.memref_slice %arg17[%gather3A_775, %gather3A_776, %gather3A_777, %gather3A_778] : memref<2x8x16x128xf32, #tpu.memory_space<vmem>> -> memref<1x1x16x128xf32, #tpu.memory_space<vmem>>
        %gather3A_780 = tpu.memref_squeeze %gather3A_779 : memref<1x1x16x128xf32, #tpu.memory_space<vmem>> -> memref<16x128xf32, #tpu.memory_space<vmem>>
        %gather3A_781 = tpu.vector_load_idx %gather3A_780[%iota3A, %and3A_739] : memref<16x128xf32, #tpu.memory_space<vmem>>[vector<16xi32>, vector<16xi32>], vector<16xf32>,
        %gather3A_782 = arith.constant 0 : i32
        %gather3A_783 = arith.constant 6 : i32
        %gather3A_784 = arith.constant 0 : i32
        %gather3A_785 = arith.constant 0 : i32
        %gather3A_786 = tpu.memref_slice %arg17[%gather3A_782, %gather3A_783, %gather3A_784, %gather3A_785] : memref<2x8x16x128xf32, #tpu.memory_space<vmem>> -> memref<1x1x16x128xf32, #tpu.memory_space<vmem>>
        %gather3A_787 = tpu.memref_squeeze %gather3A_786 : memref<1x1x16x128xf32, #tpu.memory_space<vmem>> -> memref<16x128xf32, #tpu.memory_space<vmem>>
        %gather3A_788 = tpu.vector_load_idx %gather3A_787[%iota3A, %and3A_739] : memref<16x128xf32, #tpu.memory_space<vmem>>[vector<16xi32>, vector<16xi32>], vector<16xf32>,
        %gather3A_789 = arith.constant 0 : i32
        %gather3A_790 = arith.constant 7 : i32
        %gather3A_791 = arith.constant 0 : i32
        %gather3A_792 = arith.constant 0 : i32
        %gather3A_793 = tpu.memref_slice %arg17[%gather3A_789, %gather3A_790, %gather3A_791, %gather3A_792] : memref<2x8x16x128xf32, #tpu.memory_space<vmem>> -> memref<1x1x16x128xf32, #tpu.memory_space<vmem>>
        %gather3A_794 = tpu.memref_squeeze %gather3A_793 : memref<1x1x16x128xf32, #tpu.memory_space<vmem>> -> memref<16x128xf32, #tpu.memory_space<vmem>>
        %gather3A_795 = tpu.vector_load_idx %gather3A_794[%iota3A, %and3A_739] : memref<16x128xf32, #tpu.memory_space<vmem>>[vector<16xi32>, vector<16xi32>], vector<16xf32>,
        %add3A_796 = arith.constant 0 : i32
        %add3A_797 = vector.broadcast %add3A_796 : i32 to vector<16xi32>
        %add3A_798 = arith.addi %and3A_739, %add3A_797 : vector<16xi32>
        %gather3A_799 = arith.constant 0 : i32
        %gather3A_800 = arith.constant 0 : i32
        %gather3A_801 = arith.constant 0 : i32
        %gather3A_802 = tpu.memref_slice %arg18[%gather3A_799, %gather3A_800, %gather3A_801] : memref<2x16x384xi32, #tpu.memory_space<vmem>> -> memref<1x16x384xi32, #tpu.memory_space<vmem>>
        %gather3A_803 = tpu.memref_squeeze %gather3A_802 : memref<1x16x384xi32, #tpu.memory_space<vmem>> -> memref<16x384xi32, #tpu.memory_space<vmem>>
        %gather3A_804 = tpu.vector_load_idx %gather3A_803[%iota3A, %add3A_798] : memref<16x384xi32, #tpu.memory_space<vmem>>[vector<16xi32>, vector<16xi32>], vector<16xi32>,
        %bitcast3A_805 = vector.bitcast %gather3A_804 : vector<16xi32> to vector<32xbf16>
        %unpack3A_806 = tpu.unpack_subelements %bitcast3A_805, 0 {pack_format = #tpu.pack_format<interleaved>} : vector<32xbf16> -> vector<16xf32>
        %unpack3A_807 = tpu.unpack_subelements %bitcast3A_805, 1 {pack_format = #tpu.pack_format<interleaved>} : vector<32xbf16> -> vector<16xf32>
        %add3A_808 = arith.constant 128 : i32
        %add3A_809 = vector.broadcast %add3A_808 : i32 to vector<16xi32>
        %add3A_810 = arith.addi %and3A_739, %add3A_809 : vector<16xi32>
        %gather3A_811 = arith.constant 0 : i32
        %gather3A_812 = arith.constant 0 : i32
        %gather3A_813 = arith.constant 0 : i32
        %gather3A_814 = tpu.memref_slice %arg18[%gather3A_811, %gather3A_812, %gather3A_813] : memref<2x16x384xi32, #tpu.memory_space<vmem>> -> memref<1x16x384xi32, #tpu.memory_space<vmem>>
        %gather3A_815 = tpu.memref_squeeze %gather3A_814 : memref<1x16x384xi32, #tpu.memory_space<vmem>> -> memref<16x384xi32, #tpu.memory_space<vmem>>
        %gather3A_816 = tpu.vector_load_idx %gather3A_815[%iota3A, %add3A_810] : memref<16x384xi32, #tpu.memory_space<vmem>>[vector<16xi32>, vector<16xi32>], vector<16xi32>,
        %bitcast3A_817 = vector.bitcast %gather3A_816 : vector<16xi32> to vector<32xbf16>
        %unpack3A_818 = tpu.unpack_subelements %bitcast3A_817, 0 {pack_format = #tpu.pack_format<interleaved>} : vector<32xbf16> -> vector<16xf32>
        %unpack3A_819 = tpu.unpack_subelements %bitcast3A_817, 1 {pack_format = #tpu.pack_format<interleaved>} : vector<32xbf16> -> vector<16xf32>
        %add3A_820 = arith.constant 256 : i32
        %add3A_821 = vector.broadcast %add3A_820 : i32 to vector<16xi32>
        %add3A_822 = arith.addi %and3A_739, %add3A_821 : vector<16xi32>
        %gather3A_823 = arith.constant 0 : i32
        %gather3A_824 = arith.constant 0 : i32
        %gather3A_825 = arith.constant 0 : i32
        %gather3A_826 = tpu.memref_slice %arg18[%gather3A_823, %gather3A_824, %gather3A_825] : memref<2x16x384xi32, #tpu.memory_space<vmem>> -> memref<1x16x384xi32, #tpu.memory_space<vmem>>
        %gather3A_827 = tpu.memref_squeeze %gather3A_826 : memref<1x16x384xi32, #tpu.memory_space<vmem>> -> memref<16x384xi32, #tpu.memory_space<vmem>>
        %gather3A_828 = tpu.vector_load_idx %gather3A_827[%iota3A, %add3A_822] : memref<16x384xi32, #tpu.memory_space<vmem>>[vector<16xi32>, vector<16xi32>], vector<16xi32>,
        %bitcast3A_829 = vector.bitcast %gather3A_828 : vector<16xi32> to vector<32xbf16>
        %unpack3A_830 = tpu.unpack_subelements %bitcast3A_829, 0 {pack_format = #tpu.pack_format<interleaved>} : vector<32xbf16> -> vector<16xf32>
        %unpack3A_831 = tpu.unpack_subelements %bitcast3A_829, 1 {pack_format = #tpu.pack_format<interleaved>} : vector<32xbf16> -> vector<16xf32>
        %add3A_832 = arith.constant 0 : i32
        %add3A_833 = vector.broadcast %add3A_832 : i32 to vector<16xi32>
        %add3A_834 = arith.addi %and3A_739, %add3A_833 : vector<16xi32>
        %gather3A_835 = arith.constant 0 : i32
        %gather3A_836 = arith.constant 0 : i32
        %gather3A_837 = arith.constant 0 : i32
        %gather3A_838 = tpu.memref_slice %arg19[%gather3A_835, %gather3A_836, %gather3A_837] : memref<2x16x256xi32, #tpu.memory_space<vmem>> -> memref<1x16x256xi32, #tpu.memory_space<vmem>>
        %gather3A_839 = tpu.memref_squeeze %gather3A_838 : memref<1x16x256xi32, #tpu.memory_space<vmem>> -> memref<16x256xi32, #tpu.memory_space<vmem>>
        %gather3A_840 = tpu.vector_load_idx %gather3A_839[%iota3A, %add3A_834] : memref<16x256xi32, #tpu.memory_space<vmem>>[vector<16xi32>, vector<16xi32>], vector<16xi32>,
        %bitcast3A_841 = vector.bitcast %gather3A_840 : vector<16xi32> to vector<32xbf16>
        %unpack3A_842 = tpu.unpack_subelements %bitcast3A_841, 0 {pack_format = #tpu.pack_format<interleaved>} : vector<32xbf16> -> vector<16xf32>
        %unpack3A_843 = tpu.unpack_subelements %bitcast3A_841, 1 {pack_format = #tpu.pack_format<interleaved>} : vector<32xbf16> -> vector<16xf32>
        %add3A_844 = arith.constant 128 : i32
        %add3A_845 = vector.broadcast %add3A_844 : i32 to vector<16xi32>
        %add3A_846 = arith.addi %and3A_739, %add3A_845 : vector<16xi32>
        %gather3A_847 = arith.constant 0 : i32
        %gather3A_848 = arith.constant 0 : i32
        %gather3A_849 = arith.constant 0 : i32
        %gather3A_850 = tpu.memref_slice %arg19[%gather3A_847, %gather3A_848, %gather3A_849] : memref<2x16x256xi32, #tpu.memory_space<vmem>> -> memref<1x16x256xi32, #tpu.memory_space<vmem>>
        %gather3A_851 = tpu.memref_squeeze %gather3A_850 : memref<1x16x256xi32, #tpu.memory_space<vmem>> -> memref<16x256xi32, #tpu.memory_space<vmem>>
        %gather3A_852 = tpu.vector_load_idx %gather3A_851[%iota3A, %add3A_846] : memref<16x256xi32, #tpu.memory_space<vmem>>[vector<16xi32>, vector<16xi32>], vector<16xi32>,
        %bitcast3A_853 = vector.bitcast %gather3A_852 : vector<16xi32> to vector<32xbf16>
        %unpack3A_854 = tpu.unpack_subelements %bitcast3A_853, 0 {pack_format = #tpu.pack_format<interleaved>} : vector<32xbf16> -> vector<16xf32>
        %unpack3A_855 = tpu.unpack_subelements %bitcast3A_853, 1 {pack_format = #tpu.pack_format<interleaved>} : vector<32xbf16> -> vector<16xf32>
        %mul3A_856 = arith.mulf %gather3A_746, %unpack3A_806 : vector<16xf32>
        %mul3A_857 = arith.mulf %gather3A_753, %unpack3A_807 : vector<16xf32>
        %sub3A_858 = arith.subf %mul3A_856, %mul3A_857 : vector<16xf32>
        %mul3A_859 = arith.mulf %gather3A_746, %unpack3A_807 : vector<16xf32>
        %mul3A_860 = arith.mulf %gather3A_753, %unpack3A_806 : vector<16xf32>
        %add3A_861 = arith.addf %mul3A_859, %mul3A_860 : vector<16xf32>
        %mul3A_862 = arith.mulf %sub3A_858, %gather3A_760 : vector<16xf32>
        %mul3A_863 = arith.mulf %add3A_861, %gather3A_767 : vector<16xf32>
        %add3A_864 = arith.addf %mul3A_862, %mul3A_863 : vector<16xf32>
        %mul3A_865 = arith.mulf %gather3A_746, %unpack3A_818 : vector<16xf32>
        %mul3A_866 = arith.mulf %gather3A_753, %unpack3A_819 : vector<16xf32>
        %sub3A_867 = arith.subf %mul3A_865, %mul3A_866 : vector<16xf32>
        %mul3A_868 = arith.mulf %gather3A_746, %unpack3A_819 : vector<16xf32>
        %mul3A_869 = arith.mulf %gather3A_753, %unpack3A_818 : vector<16xf32>
        %add3A_870 = arith.addf %mul3A_868, %mul3A_869 : vector<16xf32>
        %mul3A_871 = arith.mulf %sub3A_867, %unpack3A_842 : vector<16xf32>
        %mul3A_872 = arith.mulf %add3A_870, %unpack3A_843 : vector<16xf32>
        %add3A_873 = arith.addf %mul3A_871, %mul3A_872 : vector<16xf32>
        %mul3A_874 = arith.mulf %gather3A_760, %unpack3A_830 : vector<16xf32>
        %mul3A_875 = arith.mulf %gather3A_767, %unpack3A_831 : vector<16xf32>
        %sub3A_876 = arith.subf %mul3A_874, %mul3A_875 : vector<16xf32>
        %mul3A_877 = arith.mulf %gather3A_760, %unpack3A_831 : vector<16xf32>
        %mul3A_878 = arith.mulf %gather3A_767, %unpack3A_830 : vector<16xf32>
        %add3A_879 = arith.addf %mul3A_877, %mul3A_878 : vector<16xf32>
        %mul3A_880 = arith.mulf %sub3A_876, %unpack3A_854 : vector<16xf32>
        %mul3A_881 = arith.mulf %add3A_879, %unpack3A_855 : vector<16xf32>
        %add3A_882 = arith.addf %mul3A_880, %mul3A_881 : vector<16xf32>
        %mul3A_883 = arith.mulf %gather3A_774, %unpack3A_842 : vector<16xf32>
        %mul3A_884 = arith.mulf %gather3A_781, %unpack3A_843 : vector<16xf32>
        %sub3A_885 = arith.subf %mul3A_883, %mul3A_884 : vector<16xf32>
        %mul3A_886 = arith.mulf %gather3A_774, %unpack3A_843 : vector<16xf32>
        %mul3A_887 = arith.mulf %gather3A_781, %unpack3A_842 : vector<16xf32>
        %add3A_888 = arith.addf %mul3A_886, %mul3A_887 : vector<16xf32>
        %mul3A_889 = arith.mulf %sub3A_885, %gather3A_788 : vector<16xf32>
        %mul3A_890 = arith.mulf %add3A_888, %gather3A_795 : vector<16xf32>
        %add3A_891 = arith.addf %mul3A_889, %mul3A_890 : vector<16xf32>
        %add3A_892 = arith.addf %add3A_864, %add3A_873 : vector<16xf32>
        %add3A_893 = arith.addf %add3A_727, %add3A_892 : vector<16xf32>
        %mul3A_894 = arith.constant 5.000000e+00 : f32
        %mul3A_895 = vector.broadcast %mul3A_894 : f32 to vector<16xf32>
        %mul3A_896 = arith.mulf %mul3A_895, %add3A_891 : vector<16xf32>
        %add3A_897 = arith.addf %add3A_882, %mul3A_896 : vector<16xf32>
        %add3A_898 = arith.addf %add3A_732, %add3A_897 : vector<16xf32>
        scf.yield %add3A_893, %add3A_898 : vector<16xf32>, vector<16xf32>
      }
      %scan3A_415 = arith.constant 128 : i32
      %add3A_416 = arith.addf %scan3A_414#0, %scan3A_414#1 : vector<16xf32>
      %mul3A_417 = arith.constant 16 : i32
      %mul3A_418 = arith.muli %mul3A_147, %mul3A_417 : i32
      %swap3A = arith.index_cast %mul3A_418 : i32 to index
      %swap3A_419 = tpu.vector_load %arg20[%swap3A] {strides = array<i32>} : memref<512xf32, #tpu.memory_space<vmem>>, vector<16xf32>,
      tpu.vector_store %arg20[%swap3A], %add3A_416 {strides = array<i32>} : memref<512xf32, #tpu.memory_space<vmem>>, vector<16xf32>,
      %add3A_420 = arith.constant 2 : i32
      %add3A_421 = arith.addi %mul3A_147, %add3A_420 : i32
      %lt3A = arith.constant 32 : i32
      %lt3A_422 = arith.cmpi slt, %add3A_421, %lt3A : i32
      %convert_element_type3A = arith.extui %lt3A_422 : i1 to i32
      %cond3A = arith.constant 0 : i32
      %cond3A_423 = arith.cmpi ne, %convert_element_type3A, %cond3A : i32
      scf.if %cond3A_423 {
        %add3A_571 = arith.constant 2 : i32
        %add3A_572 = arith.addi %mul3A_147, %add3A_571 : i32
        %mul3A_573 = arith.constant 16 : i32
        %mul3A_574 = arith.muli %add3A_572, %mul3A_573 : i32
        %dma_start3A_575 = arith.constant 0 : i32
        %dma_start3A_576 = arith.constant 0 : i32
        %dma_start3A_577 = arith.constant 0 : i32
        %dma_start3A_578 = arith.constant 0 : i32
        %dma_start3A_579 = arith.constant 0 : i32
        %dma_start3A_580 = tpu.memref_slice %arg17[%dma_start3A_575, %dma_start3A_576, %dma_start3A_578, %dma_start3A_579] : memref<2x8x16x128xf32, #tpu.memory_space<vmem>> -> memref<1x1x16x128xf32, #tpu.memory_space<vmem>>
        %dma_start3A_581 = tpu.memref_squeeze %dma_start3A_580 : memref<1x1x16x128xf32, #tpu.memory_space<vmem>> -> memref<16x128xf32, #tpu.memory_space<vmem>>
        %dma_start3A_582 = tpu.memref_slice %arg13[%mul3A_574] : memref<512xi32, #tpu.memory_space<vmem>> -> memref<16xi32, #tpu.memory_space<vmem>>
        %dma_start3A_583 = arith.constant 0 : i32
        %dma_start3A_584 = arith.constant 0 : i32
        %dma_start3A_585 = tpu.memref_slice %arg2[%dma_start3A_583, %dma_start3A_584] : memref<100000x128xf32, #tpu.memory_space<hbm>> -> memref<100000x128xf32, #tpu.memory_space<hbm>>
        %dma_start3A_586 = tpu.memref_slice %arg21[%dma_start3A_577] : memref<2x!tpu.dma_semaphore, #tpu.memory_space<semaphore_mem>> -> memref<1x!tpu.dma_semaphore, #tpu.memory_space<semaphore_mem>>
        %dma_start3A_587 = tpu.memref_squeeze %dma_start3A_586 : memref<1x!tpu.dma_semaphore, #tpu.memory_space<semaphore_mem>> -> memref<!tpu.dma_semaphore, #tpu.memory_space<semaphore_mem>>
        tpu.enqueue_indirect_dma source(%dma_start3A_585 : memref<100000x128xf32, #tpu.memory_space<hbm>>) target(%dma_start3A_581 : memref<16x128xf32, #tpu.memory_space<vmem>>) offsets(%dma_start3A_582 : memref<16xi32, #tpu.memory_space<vmem>>) semaphore(%dma_start3A_587 : memref<!tpu.dma_semaphore, #tpu.memory_space<semaphore_mem>>)
        %dma_start3A_588 = arith.constant 0 : i32
        %dma_start3A_589 = arith.constant 1 : i32
        %dma_start3A_590 = arith.constant 0 : i32
        %dma_start3A_591 = arith.constant 0 : i32
        %dma_start3A_592 = arith.constant 0 : i32
        %dma_start3A_593 = tpu.memref_slice %arg17[%dma_start3A_588, %dma_start3A_589, %dma_start3A_591, %dma_start3A_592] : memref<2x8x16x128xf32, #tpu.memory_space<vmem>> -> memref<1x1x16x128xf32, #tpu.memory_space<vmem>>
        %dma_start3A_594 = tpu.memref_squeeze %dma_start3A_593 : memref<1x1x16x128xf32, #tpu.memory_space<vmem>> -> memref<16x128xf32, #tpu.memory_space<vmem>>
        %dma_start3A_595 = tpu.memref_slice %arg13[%mul3A_574] : memref<512xi32, #tpu.memory_space<vmem>> -> memref<16xi32, #tpu.memory_space<vmem>>
        %dma_start3A_596 = arith.constant 0 : i32
        %dma_start3A_597 = arith.constant 0 : i32
        %dma_start3A_598 = tpu.memref_slice %arg3[%dma_start3A_596, %dma_start3A_597] : memref<100000x128xf32, #tpu.memory_space<hbm>> -> memref<100000x128xf32, #tpu.memory_space<hbm>>
        %dma_start3A_599 = tpu.memref_slice %arg21[%dma_start3A_590] : memref<2x!tpu.dma_semaphore, #tpu.memory_space<semaphore_mem>> -> memref<1x!tpu.dma_semaphore, #tpu.memory_space<semaphore_mem>>
        %dma_start3A_600 = tpu.memref_squeeze %dma_start3A_599 : memref<1x!tpu.dma_semaphore, #tpu.memory_space<semaphore_mem>> -> memref<!tpu.dma_semaphore, #tpu.memory_space<semaphore_mem>>
        tpu.enqueue_indirect_dma source(%dma_start3A_598 : memref<100000x128xf32, #tpu.memory_space<hbm>>) target(%dma_start3A_594 : memref<16x128xf32, #tpu.memory_space<vmem>>) offsets(%dma_start3A_595 : memref<16xi32, #tpu.memory_space<vmem>>) semaphore(%dma_start3A_600 : memref<!tpu.dma_semaphore, #tpu.memory_space<semaphore_mem>>)
        %dma_start3A_601 = arith.constant 0 : i32
        %dma_start3A_602 = arith.constant 2 : i32
        %dma_start3A_603 = arith.constant 0 : i32
        %dma_start3A_604 = arith.constant 0 : i32
        %dma_start3A_605 = arith.constant 0 : i32
        %dma_start3A_606 = tpu.memref_slice %arg17[%dma_start3A_601, %dma_start3A_602, %dma_start3A_604, %dma_start3A_605] : memref<2x8x16x128xf32, #tpu.memory_space<vmem>> -> memref<1x1x16x128xf32, #tpu.memory_space<vmem>>
        %dma_start3A_607 = tpu.memref_squeeze %dma_start3A_606 : memref<1x1x16x128xf32, #tpu.memory_space<vmem>> -> memref<16x128xf32, #tpu.memory_space<vmem>>
        %dma_start3A_608 = tpu.memref_slice %arg15[%mul3A_574] : memref<512xi32, #tpu.memory_space<vmem>> -> memref<16xi32, #tpu.memory_space<vmem>>
        %dma_start3A_609 = arith.constant 0 : i32
        %dma_start3A_610 = arith.constant 0 : i32
        %dma_start3A_611 = tpu.memref_slice %arg2[%dma_start3A_609, %dma_start3A_610] : memref<100000x128xf32, #tpu.memory_space<hbm>> -> memref<100000x128xf32, #tpu.memory_space<hbm>>
        %dma_start3A_612 = tpu.memref_slice %arg21[%dma_start3A_603] : memref<2x!tpu.dma_semaphore, #tpu.memory_space<semaphore_mem>> -> memref<1x!tpu.dma_semaphore, #tpu.memory_space<semaphore_mem>>
        %dma_start3A_613 = tpu.memref_squeeze %dma_start3A_612 : memref<1x!tpu.dma_semaphore, #tpu.memory_space<semaphore_mem>> -> memref<!tpu.dma_semaphore, #tpu.memory_space<semaphore_mem>>
        tpu.enqueue_indirect_dma source(%dma_start3A_611 : memref<100000x128xf32, #tpu.memory_space<hbm>>) target(%dma_start3A_607 : memref<16x128xf32, #tpu.memory_space<vmem>>) offsets(%dma_start3A_608 : memref<16xi32, #tpu.memory_space<vmem>>) semaphore(%dma_start3A_613 : memref<!tpu.dma_semaphore, #tpu.memory_space<semaphore_mem>>)
        %dma_start3A_614 = arith.constant 0 : i32
        %dma_start3A_615 = arith.constant 3 : i32
        %dma_start3A_616 = arith.constant 0 : i32
        %dma_start3A_617 = arith.constant 0 : i32
        %dma_start3A_618 = arith.constant 0 : i32
        %dma_start3A_619 = tpu.memref_slice %arg17[%dma_start3A_614, %dma_start3A_615, %dma_start3A_617, %dma_start3A_618] : memref<2x8x16x128xf32, #tpu.memory_space<vmem>> -> memref<1x1x16x128xf32, #tpu.memory_space<vmem>>
        %dma_start3A_620 = tpu.memref_squeeze %dma_start3A_619 : memref<1x1x16x128xf32, #tpu.memory_space<vmem>> -> memref<16x128xf32, #tpu.memory_space<vmem>>
        %dma_start3A_621 = tpu.memref_slice %arg15[%mul3A_574] : memref<512xi32, #tpu.memory_space<vmem>> -> memref<16xi32, #tpu.memory_space<vmem>>
        %dma_start3A_622 = arith.constant 0 : i32
        %dma_start3A_623 = arith.constant 0 : i32
        %dma_start3A_624 = tpu.memref_slice %arg3[%dma_start3A_622, %dma_start3A_623] : memref<100000x128xf32, #tpu.memory_space<hbm>> -> memref<100000x128xf32, #tpu.memory_space<hbm>>
        %dma_start3A_625 = tpu.memref_slice %arg21[%dma_start3A_616] : memref<2x!tpu.dma_semaphore, #tpu.memory_space<semaphore_mem>> -> memref<1x!tpu.dma_semaphore, #tpu.memory_space<semaphore_mem>>
        %dma_start3A_626 = tpu.memref_squeeze %dma_start3A_625 : memref<1x!tpu.dma_semaphore, #tpu.memory_space<semaphore_mem>> -> memref<!tpu.dma_semaphore, #tpu.memory_space<semaphore_mem>>
        tpu.enqueue_indirect_dma source(%dma_start3A_624 : memref<100000x128xf32, #tpu.memory_space<hbm>>) target(%dma_start3A_620 : memref<16x128xf32, #tpu.memory_space<vmem>>) offsets(%dma_start3A_621 : memref<16xi32, #tpu.memory_space<vmem>>) semaphore(%dma_start3A_626 : memref<!tpu.dma_semaphore, #tpu.memory_space<semaphore_mem>>)
        %dma_start3A_627 = arith.constant 0 : i32
        %dma_start3A_628 = arith.constant 4 : i32
        %dma_start3A_629 = arith.constant 0 : i32
        %dma_start3A_630 = arith.constant 0 : i32
        %dma_start3A_631 = arith.constant 0 : i32
        %dma_start3A_632 = tpu.memref_slice %arg17[%dma_start3A_627, %dma_start3A_628, %dma_start3A_630, %dma_start3A_631] : memref<2x8x16x128xf32, #tpu.memory_space<vmem>> -> memref<1x1x16x128xf32, #tpu.memory_space<vmem>>
        %dma_start3A_633 = tpu.memref_squeeze %dma_start3A_632 : memref<1x1x16x128xf32, #tpu.memory_space<vmem>> -> memref<16x128xf32, #tpu.memory_space<vmem>>
        %dma_start3A_634 = tpu.memref_slice %arg13[%mul3A_574] : memref<512xi32, #tpu.memory_space<vmem>> -> memref<16xi32, #tpu.memory_space<vmem>>
        %dma_start3A_635 = arith.constant 0 : i32
        %dma_start3A_636 = arith.constant 0 : i32
        %dma_start3A_637 = tpu.memref_slice %arg4[%dma_start3A_635, %dma_start3A_636] : memref<100000x128xf32, #tpu.memory_space<hbm>> -> memref<100000x128xf32, #tpu.memory_space<hbm>>
        %dma_start3A_638 = tpu.memref_slice %arg21[%dma_start3A_629] : memref<2x!tpu.dma_semaphore, #tpu.memory_space<semaphore_mem>> -> memref<1x!tpu.dma_semaphore, #tpu.memory_space<semaphore_mem>>
        %dma_start3A_639 = tpu.memref_squeeze %dma_start3A_638 : memref<1x!tpu.dma_semaphore, #tpu.memory_space<semaphore_mem>> -> memref<!tpu.dma_semaphore, #tpu.memory_space<semaphore_mem>>
        tpu.enqueue_indirect_dma source(%dma_start3A_637 : memref<100000x128xf32, #tpu.memory_space<hbm>>) target(%dma_start3A_633 : memref<16x128xf32, #tpu.memory_space<vmem>>) offsets(%dma_start3A_634 : memref<16xi32, #tpu.memory_space<vmem>>) semaphore(%dma_start3A_639 : memref<!tpu.dma_semaphore, #tpu.memory_space<semaphore_mem>>)
        %dma_start3A_640 = arith.constant 0 : i32
        %dma_start3A_641 = arith.constant 5 : i32
        %dma_start3A_642 = arith.constant 0 : i32
        %dma_start3A_643 = arith.constant 0 : i32
        %dma_start3A_644 = arith.constant 0 : i32
        %dma_start3A_645 = tpu.memref_slice %arg17[%dma_start3A_640, %dma_start3A_641, %dma_start3A_643, %dma_start3A_644] : memref<2x8x16x128xf32, #tpu.memory_space<vmem>> -> memref<1x1x16x128xf32, #tpu.memory_space<vmem>>
        %dma_start3A_646 = tpu.memref_squeeze %dma_start3A_645 : memref<1x1x16x128xf32, #tpu.memory_space<vmem>> -> memref<16x128xf32, #tpu.memory_space<vmem>>
        %dma_start3A_647 = tpu.memref_slice %arg13[%mul3A_574] : memref<512xi32, #tpu.memory_space<vmem>> -> memref<16xi32, #tpu.memory_space<vmem>>
        %dma_start3A_648 = arith.constant 0 : i32
        %dma_start3A_649 = arith.constant 0 : i32
        %dma_start3A_650 = tpu.memref_slice %arg5[%dma_start3A_648, %dma_start3A_649] : memref<100000x128xf32, #tpu.memory_space<hbm>> -> memref<100000x128xf32, #tpu.memory_space<hbm>>
        %dma_start3A_651 = tpu.memref_slice %arg21[%dma_start3A_642] : memref<2x!tpu.dma_semaphore, #tpu.memory_space<semaphore_mem>> -> memref<1x!tpu.dma_semaphore, #tpu.memory_space<semaphore_mem>>
        %dma_start3A_652 = tpu.memref_squeeze %dma_start3A_651 : memref<1x!tpu.dma_semaphore, #tpu.memory_space<semaphore_mem>> -> memref<!tpu.dma_semaphore, #tpu.memory_space<semaphore_mem>>
        tpu.enqueue_indirect_dma source(%dma_start3A_650 : memref<100000x128xf32, #tpu.memory_space<hbm>>) target(%dma_start3A_646 : memref<16x128xf32, #tpu.memory_space<vmem>>) offsets(%dma_start3A_647 : memref<16xi32, #tpu.memory_space<vmem>>) semaphore(%dma_start3A_652 : memref<!tpu.dma_semaphore, #tpu.memory_space<semaphore_mem>>)
        %dma_start3A_653 = arith.constant 0 : i32
        %dma_start3A_654 = arith.constant 6 : i32
        %dma_start3A_655 = arith.constant 0 : i32
        %dma_start3A_656 = arith.constant 0 : i32
        %dma_start3A_657 = arith.constant 0 : i32
        %dma_start3A_658 = tpu.memref_slice %arg17[%dma_start3A_653, %dma_start3A_654, %dma_start3A_656, %dma_start3A_657] : memref<2x8x16x128xf32, #tpu.memory_space<vmem>> -> memref<1x1x16x128xf32, #tpu.memory_space<vmem>>
        %dma_start3A_659 = tpu.memref_squeeze %dma_start3A_658 : memref<1x1x16x128xf32, #tpu.memory_space<vmem>> -> memref<16x128xf32, #tpu.memory_space<vmem>>
        %dma_start3A_660 = tpu.memref_slice %arg15[%mul3A_574] : memref<512xi32, #tpu.memory_space<vmem>> -> memref<16xi32, #tpu.memory_space<vmem>>
        %dma_start3A_661 = arith.constant 0 : i32
        %dma_start3A_662 = arith.constant 0 : i32
        %dma_start3A_663 = tpu.memref_slice %arg4[%dma_start3A_661, %dma_start3A_662] : memref<100000x128xf32, #tpu.memory_space<hbm>> -> memref<100000x128xf32, #tpu.memory_space<hbm>>
        %dma_start3A_664 = tpu.memref_slice %arg21[%dma_start3A_655] : memref<2x!tpu.dma_semaphore, #tpu.memory_space<semaphore_mem>> -> memref<1x!tpu.dma_semaphore, #tpu.memory_space<semaphore_mem>>
        %dma_start3A_665 = tpu.memref_squeeze %dma_start3A_664 : memref<1x!tpu.dma_semaphore, #tpu.memory_space<semaphore_mem>> -> memref<!tpu.dma_semaphore, #tpu.memory_space<semaphore_mem>>
        tpu.enqueue_indirect_dma source(%dma_start3A_663 : memref<100000x128xf32, #tpu.memory_space<hbm>>) target(%dma_start3A_659 : memref<16x128xf32, #tpu.memory_space<vmem>>) offsets(%dma_start3A_660 : memref<16xi32, #tpu.memory_space<vmem>>) semaphore(%dma_start3A_665 : memref<!tpu.dma_semaphore, #tpu.memory_space<semaphore_mem>>)
        %dma_start3A_666 = arith.constant 0 : i32
        %dma_start3A_667 = arith.constant 7 : i32
        %dma_start3A_668 = arith.constant 0 : i32
        %dma_start3A_669 = arith.constant 0 : i32
        %dma_start3A_670 = arith.constant 0 : i32
        %dma_start3A_671 = tpu.memref_slice %arg17[%dma_start3A_666, %dma_start3A_667, %dma_start3A_669, %dma_start3A_670] : memref<2x8x16x128xf32, #tpu.memory_space<vmem>> -> memref<1x1x16x128xf32, #tpu.memory_space<vmem>>
        %dma_start3A_672 = tpu.memref_squeeze %dma_start3A_671 : memref<1x1x16x128xf32, #tpu.memory_space<vmem>> -> memref<16x128xf32, #tpu.memory_space<vmem>>
        %dma_start3A_673 = tpu.memref_slice %arg15[%mul3A_574] : memref<512xi32, #tpu.memory_space<vmem>> -> memref<16xi32, #tpu.memory_space<vmem>>
        %dma_start3A_674 = arith.constant 0 : i32
        %dma_start3A_675 = arith.constant 0 : i32
        %dma_start3A_676 = tpu.memref_slice %arg5[%dma_start3A_674, %dma_start3A_675] : memref<100000x128xf32, #tpu.memory_space<hbm>> -> memref<100000x128xf32, #tpu.memory_space<hbm>>
        %dma_start3A_677 = tpu.memref_slice %arg21[%dma_start3A_668] : memref<2x!tpu.dma_semaphore, #tpu.memory_space<semaphore_mem>> -> memref<1x!tpu.dma_semaphore, #tpu.memory_space<semaphore_mem>>
        %dma_start3A_678 = tpu.memref_squeeze %dma_start3A_677 : memref<1x!tpu.dma_semaphore, #tpu.memory_space<semaphore_mem>> -> memref<!tpu.dma_semaphore, #tpu.memory_space<semaphore_mem>>
        tpu.enqueue_indirect_dma source(%dma_start3A_676 : memref<100000x128xf32, #tpu.memory_space<hbm>>) target(%dma_start3A_672 : memref<16x128xf32, #tpu.memory_space<vmem>>) offsets(%dma_start3A_673 : memref<16xi32, #tpu.memory_space<vmem>>) semaphore(%dma_start3A_678 : memref<!tpu.dma_semaphore, #tpu.memory_space<semaphore_mem>>)
        %dma_start3A_679 = arith.constant 0 : i32
        %dma_start3A_680 = arith.constant 0 : i32
        %dma_start3A_681 = arith.constant 0 : i32
        %dma_start3A_682 = arith.constant 0 : i32
        %dma_start3A_683 = tpu.memref_slice %arg18[%dma_start3A_679, %dma_start3A_681, %dma_start3A_682] : memref<2x16x384xi32, #tpu.memory_space<vmem>> -> memref<1x16x384xi32, #tpu.memory_space<vmem>>
        %dma_start3A_684 = tpu.memref_squeeze %dma_start3A_683 : memref<1x16x384xi32, #tpu.memory_space<vmem>> -> memref<16x384xi32, #tpu.memory_space<vmem>>
        %dma_start3A_685 = tpu.memref_slice %arg14[%mul3A_574] : memref<512xi32, #tpu.memory_space<vmem>> -> memref<16xi32, #tpu.memory_space<vmem>>
        %dma_start3A_686 = arith.constant 0 : i32
        %dma_start3A_687 = arith.constant 0 : i32
        %dma_start3A_688 = tpu.memref_slice %arg6[%dma_start3A_686, %dma_start3A_687] : memref<231x384xi32, #tpu.memory_space<hbm>> -> memref<231x384xi32, #tpu.memory_space<hbm>>
        %dma_start3A_689 = tpu.memref_slice %arg21[%dma_start3A_680] : memref<2x!tpu.dma_semaphore, #tpu.memory_space<semaphore_mem>> -> memref<1x!tpu.dma_semaphore, #tpu.memory_space<semaphore_mem>>
        %dma_start3A_690 = tpu.memref_squeeze %dma_start3A_689 : memref<1x!tpu.dma_semaphore, #tpu.memory_space<semaphore_mem>> -> memref<!tpu.dma_semaphore, #tpu.memory_space<semaphore_mem>>
        tpu.enqueue_indirect_dma source(%dma_start3A_688 : memref<231x384xi32, #tpu.memory_space<hbm>>) target(%dma_start3A_684 : memref<16x384xi32, #tpu.memory_space<vmem>>) offsets(%dma_start3A_685 : memref<16xi32, #tpu.memory_space<vmem>>) semaphore(%dma_start3A_690 : memref<!tpu.dma_semaphore, #tpu.memory_space<semaphore_mem>>)
        %dma_start3A_691 = arith.constant 0 : i32
        %dma_start3A_692 = arith.constant 0 : i32
        %dma_start3A_693 = arith.constant 0 : i32
        %dma_start3A_694 = arith.constant 0 : i32
        %dma_start3A_695 = tpu.memref_slice %arg19[%dma_start3A_691, %dma_start3A_693, %dma_start3A_694] : memref<2x16x256xi32, #tpu.memory_space<vmem>> -> memref<1x16x256xi32, #tpu.memory_space<vmem>>
        %dma_start3A_696 = tpu.memref_squeeze %dma_start3A_695 : memref<1x16x256xi32, #tpu.memory_space<vmem>> -> memref<16x256xi32, #tpu.memory_space<vmem>>
        %dma_start3A_697 = tpu.memref_slice %arg16[%mul3A_574] : memref<512xi32, #tpu.memory_space<vmem>> -> memref<16xi32, #tpu.memory_space<vmem>>
        %dma_start3A_698 = arith.constant 0 : i32
        %dma_start3A_699 = arith.constant 0 : i32
        %dma_start3A_700 = tpu.memref_slice %arg7[%dma_start3A_698, %dma_start3A_699] : memref<365x256xi32, #tpu.memory_space<hbm>> -> memref<365x256xi32, #tpu.memory_space<hbm>>
        %dma_start3A_701 = tpu.memref_slice %arg21[%dma_start3A_692] : memref<2x!tpu.dma_semaphore, #tpu.memory_space<semaphore_mem>> -> memref<1x!tpu.dma_semaphore, #tpu.memory_space<semaphore_mem>>
        %dma_start3A_702 = tpu.memref_squeeze %dma_start3A_701 : memref<1x!tpu.dma_semaphore, #tpu.memory_space<semaphore_mem>> -> memref<!tpu.dma_semaphore, #tpu.memory_space<semaphore_mem>>
        tpu.enqueue_indirect_dma source(%dma_start3A_700 : memref<365x256xi32, #tpu.memory_space<hbm>>) target(%dma_start3A_696 : memref<16x256xi32, #tpu.memory_space<vmem>>) offsets(%dma_start3A_697 : memref<16xi32, #tpu.memory_space<vmem>>) semaphore(%dma_start3A_702 : memref<!tpu.dma_semaphore, #tpu.memory_space<semaphore_mem>>)
      } else {
      }
      %add3A_424 = arith.constant 1 : i32
      %add3A_425 = arith.addi %mul3A_147, %add3A_424 : i32
      %mul3A_426 = arith.constant 16 : i32
      %mul3A_427 = arith.muli %add3A_425, %mul3A_426 : i32
      %dma_wait3A_428 = arith.constant 1 : i32
      %dma_wait3A_429 = arith.constant 0 : i32
      %dma_wait3A_430 = arith.constant 1 : i32
      %dma_wait3A_431 = arith.constant 0 : i32
      %dma_wait3A_432 = arith.constant 0 : i32
      %dma_wait3A_433 = tpu.memref_slice %arg17[%dma_wait3A_428, %dma_wait3A_429, %dma_wait3A_431, %dma_wait3A_432] : memref<2x8x16x128xf32, #tpu.memory_space<vmem>> -> memref<1x1x16x128xf32, #tpu.memory_space<vmem>>
      %dma_wait3A_434 = tpu.memref_squeeze %dma_wait3A_433 : memref<1x1x16x128xf32, #tpu.memory_space<vmem>> -> memref<16x128xf32, #tpu.memory_space<vmem>>
      %dma_wait3A_435 = tpu.memref_slice %arg13[%mul3A_427] : memref<512xi32, #tpu.memory_space<vmem>> -> memref<16xi32, #tpu.memory_space<vmem>>
      %dma_wait3A_436 = arith.constant 0 : i32
      %dma_wait3A_437 = arith.constant 0 : i32
      %dma_wait3A_438 = tpu.memref_slice %arg2[%dma_wait3A_436, %dma_wait3A_437] : memref<100000x128xf32, #tpu.memory_space<hbm>> -> memref<100000x128xf32, #tpu.memory_space<hbm>>
      %dma_wait3A_439 = tpu.memref_slice %arg21[%dma_wait3A_430] : memref<2x!tpu.dma_semaphore, #tpu.memory_space<semaphore_mem>> -> memref<1x!tpu.dma_semaphore, #tpu.memory_space<semaphore_mem>>
      %dma_wait3A_440 = tpu.memref_squeeze %dma_wait3A_439 : memref<1x!tpu.dma_semaphore, #tpu.memory_space<semaphore_mem>> -> memref<!tpu.dma_semaphore, #tpu.memory_space<semaphore_mem>>
      tpu.wait_indirect_dma semaphore(%dma_wait3A_440 : memref<!tpu.dma_semaphore, #tpu.memory_space<semaphore_mem>>) src(%dma_wait3A_438 : memref<100000x128xf32, #tpu.memory_space<hbm>>) dst(%dma_wait3A_434 : memref<16x128xf32, #tpu.memory_space<vmem>>)
      %dma_wait3A_441 = arith.constant 1 : i32
      %dma_wait3A_442 = arith.constant 1 : i32
      %dma_wait3A_443 = arith.constant 1 : i32
      %dma_wait3A_444 = arith.constant 0 : i32
      %dma_wait3A_445 = arith.constant 0 : i32
      %dma_wait3A_446 = tpu.memref_slice %arg17[%dma_wait3A_441, %dma_wait3A_442, %dma_wait3A_444, %dma_wait3A_445] : memref<2x8x16x128xf32, #tpu.memory_space<vmem>> -> memref<1x1x16x128xf32, #tpu.memory_space<vmem>>
      %dma_wait3A_447 = tpu.memref_squeeze %dma_wait3A_446 : memref<1x1x16x128xf32, #tpu.memory_space<vmem>> -> memref<16x128xf32, #tpu.memory_space<vmem>>
      %dma_wait3A_448 = tpu.memref_slice %arg13[%mul3A_427] : memref<512xi32, #tpu.memory_space<vmem>> -> memref<16xi32, #tpu.memory_space<vmem>>
      %dma_wait3A_449 = arith.constant 0 : i32
      %dma_wait3A_450 = arith.constant 0 : i32
      %dma_wait3A_451 = tpu.memref_slice %arg3[%dma_wait3A_449, %dma_wait3A_450] : memref<100000x128xf32, #tpu.memory_space<hbm>> -> memref<100000x128xf32, #tpu.memory_space<hbm>>
      %dma_wait3A_452 = tpu.memref_slice %arg21[%dma_wait3A_443] : memref<2x!tpu.dma_semaphore, #tpu.memory_space<semaphore_mem>> -> memref<1x!tpu.dma_semaphore, #tpu.memory_space<semaphore_mem>>
      %dma_wait3A_453 = tpu.memref_squeeze %dma_wait3A_452 : memref<1x!tpu.dma_semaphore, #tpu.memory_space<semaphore_mem>> -> memref<!tpu.dma_semaphore, #tpu.memory_space<semaphore_mem>>
      tpu.wait_indirect_dma semaphore(%dma_wait3A_453 : memref<!tpu.dma_semaphore, #tpu.memory_space<semaphore_mem>>) src(%dma_wait3A_451 : memref<100000x128xf32, #tpu.memory_space<hbm>>) dst(%dma_wait3A_447 : memref<16x128xf32, #tpu.memory_space<vmem>>)
      %dma_wait3A_454 = arith.constant 1 : i32
      %dma_wait3A_455 = arith.constant 2 : i32
      %dma_wait3A_456 = arith.constant 1 : i32
      %dma_wait3A_457 = arith.constant 0 : i32
      %dma_wait3A_458 = arith.constant 0 : i32
      %dma_wait3A_459 = tpu.memref_slice %arg17[%dma_wait3A_454, %dma_wait3A_455, %dma_wait3A_457, %dma_wait3A_458] : memref<2x8x16x128xf32, #tpu.memory_space<vmem>> -> memref<1x1x16x128xf32, #tpu.memory_space<vmem>>
      %dma_wait3A_460 = tpu.memref_squeeze %dma_wait3A_459 : memref<1x1x16x128xf32, #tpu.memory_space<vmem>> -> memref<16x128xf32, #tpu.memory_space<vmem>>
      %dma_wait3A_461 = tpu.memref_slice %arg15[%mul3A_427] : memref<512xi32, #tpu.memory_space<vmem>> -> memref<16xi32, #tpu.memory_space<vmem>>
      %dma_wait3A_462 = arith.constant 0 : i32
      %dma_wait3A_463 = arith.constant 0 : i32
      %dma_wait3A_464 = tpu.memref_slice %arg2[%dma_wait3A_462, %dma_wait3A_463] : memref<100000x128xf32, #tpu.memory_space<hbm>> -> memref<100000x128xf32, #tpu.memory_space<hbm>>
      %dma_wait3A_465 = tpu.memref_slice %arg21[%dma_wait3A_456] : memref<2x!tpu.dma_semaphore, #tpu.memory_space<semaphore_mem>> -> memref<1x!tpu.dma_semaphore, #tpu.memory_space<semaphore_mem>>
      %dma_wait3A_466 = tpu.memref_squeeze %dma_wait3A_465 : memref<1x!tpu.dma_semaphore, #tpu.memory_space<semaphore_mem>> -> memref<!tpu.dma_semaphore, #tpu.memory_space<semaphore_mem>>
      tpu.wait_indirect_dma semaphore(%dma_wait3A_466 : memref<!tpu.dma_semaphore, #tpu.memory_space<semaphore_mem>>) src(%dma_wait3A_464 : memref<100000x128xf32, #tpu.memory_space<hbm>>) dst(%dma_wait3A_460 : memref<16x128xf32, #tpu.memory_space<vmem>>)
      %dma_wait3A_467 = arith.constant 1 : i32
      %dma_wait3A_468 = arith.constant 3 : i32
      %dma_wait3A_469 = arith.constant 1 : i32
      %dma_wait3A_470 = arith.constant 0 : i32
      %dma_wait3A_471 = arith.constant 0 : i32
      %dma_wait3A_472 = tpu.memref_slice %arg17[%dma_wait3A_467, %dma_wait3A_468, %dma_wait3A_470, %dma_wait3A_471] : memref<2x8x16x128xf32, #tpu.memory_space<vmem>> -> memref<1x1x16x128xf32, #tpu.memory_space<vmem>>
      %dma_wait3A_473 = tpu.memref_squeeze %dma_wait3A_472 : memref<1x1x16x128xf32, #tpu.memory_space<vmem>> -> memref<16x128xf32, #tpu.memory_space<vmem>>
      %dma_wait3A_474 = tpu.memref_slice %arg15[%mul3A_427] : memref<512xi32, #tpu.memory_space<vmem>> -> memref<16xi32, #tpu.memory_space<vmem>>
      %dma_wait3A_475 = arith.constant 0 : i32
      %dma_wait3A_476 = arith.constant 0 : i32
      %dma_wait3A_477 = tpu.memref_slice %arg3[%dma_wait3A_475, %dma_wait3A_476] : memref<100000x128xf32, #tpu.memory_space<hbm>> -> memref<100000x128xf32, #tpu.memory_space<hbm>>
      %dma_wait3A_478 = tpu.memref_slice %arg21[%dma_wait3A_469] : memref<2x!tpu.dma_semaphore, #tpu.memory_space<semaphore_mem>> -> memref<1x!tpu.dma_semaphore, #tpu.memory_space<semaphore_mem>>
      %dma_wait3A_479 = tpu.memref_squeeze %dma_wait3A_478 : memref<1x!tpu.dma_semaphore, #tpu.memory_space<semaphore_mem>> -> memref<!tpu.dma_semaphore, #tpu.memory_space<semaphore_mem>>
      tpu.wait_indirect_dma semaphore(%dma_wait3A_479 : memref<!tpu.dma_semaphore, #tpu.memory_space<semaphore_mem>>) src(%dma_wait3A_477 : memref<100000x128xf32, #tpu.memory_space<hbm>>) dst(%dma_wait3A_473 : memref<16x128xf32, #tpu.memory_space<vmem>>)
      %dma_wait3A_480 = arith.constant 1 : i32
      %dma_wait3A_481 = arith.constant 4 : i32
      %dma_wait3A_482 = arith.constant 1 : i32
      %dma_wait3A_483 = arith.constant 0 : i32
      %dma_wait3A_484 = arith.constant 0 : i32
      %dma_wait3A_485 = tpu.memref_slice %arg17[%dma_wait3A_480, %dma_wait3A_481, %dma_wait3A_483, %dma_wait3A_484] : memref<2x8x16x128xf32, #tpu.memory_space<vmem>> -> memref<1x1x16x128xf32, #tpu.memory_space<vmem>>
      %dma_wait3A_486 = tpu.memref_squeeze %dma_wait3A_485 : memref<1x1x16x128xf32, #tpu.memory_space<vmem>> -> memref<16x128xf32, #tpu.memory_space<vmem>>
      %dma_wait3A_487 = tpu.memref_slice %arg13[%mul3A_427] : memref<512xi32, #tpu.memory_space<vmem>> -> memref<16xi32, #tpu.memory_space<vmem>>
      %dma_wait3A_488 = arith.constant 0 : i32
      %dma_wait3A_489 = arith.constant 0 : i32
      %dma_wait3A_490 = tpu.memref_slice %arg4[%dma_wait3A_488, %dma_wait3A_489] : memref<100000x128xf32, #tpu.memory_space<hbm>> -> memref<100000x128xf32, #tpu.memory_space<hbm>>
      %dma_wait3A_491 = tpu.memref_slice %arg21[%dma_wait3A_482] : memref<2x!tpu.dma_semaphore, #tpu.memory_space<semaphore_mem>> -> memref<1x!tpu.dma_semaphore, #tpu.memory_space<semaphore_mem>>
      %dma_wait3A_492 = tpu.memref_squeeze %dma_wait3A_491 : memref<1x!tpu.dma_semaphore, #tpu.memory_space<semaphore_mem>> -> memref<!tpu.dma_semaphore, #tpu.memory_space<semaphore_mem>>
      tpu.wait_indirect_dma semaphore(%dma_wait3A_492 : memref<!tpu.dma_semaphore, #tpu.memory_space<semaphore_mem>>) src(%dma_wait3A_490 : memref<100000x128xf32, #tpu.memory_space<hbm>>) dst(%dma_wait3A_486 : memref<16x128xf32, #tpu.memory_space<vmem>>)
      %dma_wait3A_493 = arith.constant 1 : i32
      %dma_wait3A_494 = arith.constant 5 : i32
      %dma_wait3A_495 = arith.constant 1 : i32
      %dma_wait3A_496 = arith.constant 0 : i32
      %dma_wait3A_497 = arith.constant 0 : i32
      %dma_wait3A_498 = tpu.memref_slice %arg17[%dma_wait3A_493, %dma_wait3A_494, %dma_wait3A_496, %dma_wait3A_497] : memref<2x8x16x128xf32, #tpu.memory_space<vmem>> -> memref<1x1x16x128xf32, #tpu.memory_space<vmem>>
      %dma_wait3A_499 = tpu.memref_squeeze %dma_wait3A_498 : memref<1x1x16x128xf32, #tpu.memory_space<vmem>> -> memref<16x128xf32, #tpu.memory_space<vmem>>
      %dma_wait3A_500 = tpu.memref_slice %arg13[%mul3A_427] : memref<512xi32, #tpu.memory_space<vmem>> -> memref<16xi32, #tpu.memory_space<vmem>>
      %dma_wait3A_501 = arith.constant 0 : i32
      %dma_wait3A_502 = arith.constant 0 : i32
      %dma_wait3A_503 = tpu.memref_slice %arg5[%dma_wait3A_501, %dma_wait3A_502] : memref<100000x128xf32, #tpu.memory_space<hbm>> -> memref<100000x128xf32, #tpu.memory_space<hbm>>
      %dma_wait3A_504 = tpu.memref_slice %arg21[%dma_wait3A_495] : memref<2x!tpu.dma_semaphore, #tpu.memory_space<semaphore_mem>> -> memref<1x!tpu.dma_semaphore, #tpu.memory_space<semaphore_mem>>
      %dma_wait3A_505 = tpu.memref_squeeze %dma_wait3A_504 : memref<1x!tpu.dma_semaphore, #tpu.memory_space<semaphore_mem>> -> memref<!tpu.dma_semaphore, #tpu.memory_space<semaphore_mem>>
      tpu.wait_indirect_dma semaphore(%dma_wait3A_505 : memref<!tpu.dma_semaphore, #tpu.memory_space<semaphore_mem>>) src(%dma_wait3A_503 : memref<100000x128xf32, #tpu.memory_space<hbm>>) dst(%dma_wait3A_499 : memref<16x128xf32, #tpu.memory_space<vmem>>)
      %dma_wait3A_506 = arith.constant 1 : i32
      %dma_wait3A_507 = arith.constant 6 : i32
      %dma_wait3A_508 = arith.constant 1 : i32
      %dma_wait3A_509 = arith.constant 0 : i32
      %dma_wait3A_510 = arith.constant 0 : i32
      %dma_wait3A_511 = tpu.memref_slice %arg17[%dma_wait3A_506, %dma_wait3A_507, %dma_wait3A_509, %dma_wait3A_510] : memref<2x8x16x128xf32, #tpu.memory_space<vmem>> -> memref<1x1x16x128xf32, #tpu.memory_space<vmem>>
      %dma_wait3A_512 = tpu.memref_squeeze %dma_wait3A_511 : memref<1x1x16x128xf32, #tpu.memory_space<vmem>> -> memref<16x128xf32, #tpu.memory_space<vmem>>
      %dma_wait3A_513 = tpu.memref_slice %arg15[%mul3A_427] : memref<512xi32, #tpu.memory_space<vmem>> -> memref<16xi32, #tpu.memory_space<vmem>>
      %dma_wait3A_514 = arith.constant 0 : i32
      %dma_wait3A_515 = arith.constant 0 : i32
      %dma_wait3A_516 = tpu.memref_slice %arg4[%dma_wait3A_514, %dma_wait3A_515] : memref<100000x128xf32, #tpu.memory_space<hbm>> -> memref<100000x128xf32, #tpu.memory_space<hbm>>
      %dma_wait3A_517 = tpu.memref_slice %arg21[%dma_wait3A_508] : memref<2x!tpu.dma_semaphore, #tpu.memory_space<semaphore_mem>> -> memref<1x!tpu.dma_semaphore, #tpu.memory_space<semaphore_mem>>
      %dma_wait3A_518 = tpu.memref_squeeze %dma_wait3A_517 : memref<1x!tpu.dma_semaphore, #tpu.memory_space<semaphore_mem>> -> memref<!tpu.dma_semaphore, #tpu.memory_space<semaphore_mem>>
      tpu.wait_indirect_dma semaphore(%dma_wait3A_518 : memref<!tpu.dma_semaphore, #tpu.memory_space<semaphore_mem>>) src(%dma_wait3A_516 : memref<100000x128xf32, #tpu.memory_space<hbm>>) dst(%dma_wait3A_512 : memref<16x128xf32, #tpu.memory_space<vmem>>)
      %dma_wait3A_519 = arith.constant 1 : i32
      %dma_wait3A_520 = arith.constant 7 : i32
      %dma_wait3A_521 = arith.constant 1 : i32
      %dma_wait3A_522 = arith.constant 0 : i32
      %dma_wait3A_523 = arith.constant 0 : i32
      %dma_wait3A_524 = tpu.memref_slice %arg17[%dma_wait3A_519, %dma_wait3A_520, %dma_wait3A_522, %dma_wait3A_523] : memref<2x8x16x128xf32, #tpu.memory_space<vmem>> -> memref<1x1x16x128xf32, #tpu.memory_space<vmem>>
      %dma_wait3A_525 = tpu.memref_squeeze %dma_wait3A_524 : memref<1x1x16x128xf32, #tpu.memory_space<vmem>> -> memref<16x128xf32, #tpu.memory_space<vmem>>
      %dma_wait3A_526 = tpu.memref_slice %arg15[%mul3A_427] : memref<512xi32, #tpu.memory_space<vmem>> -> memref<16xi32, #tpu.memory_space<vmem>>
      %dma_wait3A_527 = arith.constant 0 : i32
      %dma_wait3A_528 = arith.constant 0 : i32
      %dma_wait3A_529 = tpu.memref_slice %arg5[%dma_wait3A_527, %dma_wait3A_528] : memref<100000x128xf32, #tpu.memory_space<hbm>> -> memref<100000x128xf32, #tpu.memory_space<hbm>>
      %dma_wait3A_530 = tpu.memref_slice %arg21[%dma_wait3A_521] : memref<2x!tpu.dma_semaphore, #tpu.memory_space<semaphore_mem>> -> memref<1x!tpu.dma_semaphore, #tpu.memory_space<semaphore_mem>>
      %dma_wait3A_531 = tpu.memref_squeeze %dma_wait3A_530 : memref<1x!tpu.dma_semaphore, #tpu.memory_space<semaphore_mem>> -> memref<!tpu.dma_semaphore, #tpu.memory_space<semaphore_mem>>
      tpu.wait_indirect_dma semaphore(%dma_wait3A_531 : memref<!tpu.dma_semaphore, #tpu.memory_space<semaphore_mem>>) src(%dma_wait3A_529 : memref<100000x128xf32, #tpu.memory_space<hbm>>) dst(%dma_wait3A_525 : memref<16x128xf32, #tpu.memory_space<vmem>>)
      %dma_wait3A_532 = arith.constant 1 : i32
      %dma_wait3A_533 = arith.constant 1 : i32
      %dma_wait3A_534 = arith.constant 0 : i32
      %dma_wait3A_535 = arith.constant 0 : i32
      %dma_wait3A_536 = tpu.memref_slice %arg18[%dma_wait3A_532, %dma_wait3A_534, %dma_wait3A_535] : memref<2x16x384xi32, #tpu.memory_space<vmem>> -> memref<1x16x384xi32, #tpu.memory_space<vmem>>
      %dma_wait3A_537 = tpu.memref_squeeze %dma_wait3A_536 : memref<1x16x384xi32, #tpu.memory_space<vmem>> -> memref<16x384xi32, #tpu.memory_space<vmem>>
      %dma_wait3A_538 = tpu.memref_slice %arg14[%mul3A_427] : memref<512xi32, #tpu.memory_space<vmem>> -> memref<16xi32, #tpu.memory_space<vmem>>
      %dma_wait3A_539 = arith.constant 0 : i32
      %dma_wait3A_540 = arith.constant 0 : i32
      %dma_wait3A_541 = tpu.memref_slice %arg6[%dma_wait3A_539, %dma_wait3A_540] : memref<231x384xi32, #tpu.memory_space<hbm>> -> memref<231x384xi32, #tpu.memory_space<hbm>>
      %dma_wait3A_542 = tpu.memref_slice %arg21[%dma_wait3A_533] : memref<2x!tpu.dma_semaphore, #tpu.memory_space<semaphore_mem>> -> memref<1x!tpu.dma_semaphore, #tpu.memory_space<semaphore_mem>>
      %dma_wait3A_543 = tpu.memref_squeeze %dma_wait3A_542 : memref<1x!tpu.dma_semaphore, #tpu.memory_space<semaphore_mem>> -> memref<!tpu.dma_semaphore, #tpu.memory_space<semaphore_mem>>
      tpu.wait_indirect_dma semaphore(%dma_wait3A_543 : memref<!tpu.dma_semaphore, #tpu.memory_space<semaphore_mem>>) src(%dma_wait3A_541 : memref<231x384xi32, #tpu.memory_space<hbm>>) dst(%dma_wait3A_537 : memref<16x384xi32, #tpu.memory_space<vmem>>)
      %dma_wait3A_544 = arith.constant 1 : i32
      %dma_wait3A_545 = arith.constant 1 : i32
      %dma_wait3A_546 = arith.constant 0 : i32
      %dma_wait3A_547 = arith.constant 0 : i32
      %dma_wait3A_548 = tpu.memref_slice %arg19[%dma_wait3A_544, %dma_wait3A_546, %dma_wait3A_547] : memref<2x16x256xi32, #tpu.memory_space<vmem>> -> memref<1x16x256xi32, #tpu.memory_space<vmem>>
      %dma_wait3A_549 = tpu.memref_squeeze %dma_wait3A_548 : memref<1x16x256xi32, #tpu.memory_space<vmem>> -> memref<16x256xi32, #tpu.memory_space<vmem>>
      %dma_wait3A_550 = tpu.memref_slice %arg16[%mul3A_427] : memref<512xi32, #tpu.memory_space<vmem>> -> memref<16xi32, #tpu.memory_space<vmem>>
      %dma_wait3A_551 = arith.constant 0 : i32
      %dma_wait3A_552 = arith.constant 0 : i32
      %dma_wait3A_553 = tpu.memref_slice %arg7[%dma_wait3A_551, %dma_wait3A_552] : memref<365x256xi32, #tpu.memory_space<hbm>> -> memref<365x256xi32, #tpu.memory_space<hbm>>
      %dma_wait3A_554 = tpu.memref_slice %arg21[%dma_wait3A_545] : memref<2x!tpu.dma_semaphore, #tpu.memory_space<semaphore_mem>> -> memref<1x!tpu.dma_semaphore, #tpu.memory_space<semaphore_mem>>
      %dma_wait3A_555 = tpu.memref_squeeze %dma_wait3A_554 : memref<1x!tpu.dma_semaphore, #tpu.memory_space<semaphore_mem>> -> memref<!tpu.dma_semaphore, #tpu.memory_space<semaphore_mem>>
      tpu.wait_indirect_dma semaphore(%dma_wait3A_555 : memref<!tpu.dma_semaphore, #tpu.memory_space<semaphore_mem>>) src(%dma_wait3A_553 : memref<365x256xi32, #tpu.memory_space<hbm>>) dst(%dma_wait3A_549 : memref<16x256xi32, #tpu.memory_space<vmem>>)
      %add3A_556 = arith.constant 1 : i32
      %add3A_557 = arith.addi %mul3A_147, %add3A_556 : i32
      %broadcast_in_dim3A_558 = arith.constant 0.000000e+00 : f32
      %broadcast_in_dim3A_559 = vector.broadcast %broadcast_in_dim3A_558 : f32 to vector<16xf32>
      %scan3A_560 = arith.constant 0 : i32
      %scan3A_561 = arith.constant 128 : i32
      %scan3A_562 = arith.addi %scan3A_560, %scan3A_561 : i32
      %scan3A_563 = arith.constant 2 : i32
      %scan3A_564:2 = scf.for %scan3A_571 = %scan3A_560 to %scan3A_562 step %scan3A_563 iter_args(%scan3A_572 = %broadcast_in_dim3A_559, %scan3A_573 = %broadcast_in_dim3A_559) -> (vector<16xf32>, vector<16xf32>)  : i32 {
        %add3A_574 = vector.broadcast %scan3A_571 : i32 to vector<16xi32>
        %add3A_575 = arith.addi %add3A_574, %iota3A : vector<16xi32>
        %and3A = arith.constant 127 : i32
        %and3A_576 = vector.broadcast %and3A : i32 to vector<16xi32>
        %and3A_577 = arith.andi %add3A_575, %and3A_576 : vector<16xi32>
        %gather3A = arith.constant 1 : i32
        %gather3A_578 = arith.constant 0 : i32
        %gather3A_579 = arith.constant 0 : i32
        %gather3A_580 = arith.constant 0 : i32
        %gather3A_581 = tpu.memref_slice %arg17[%gather3A, %gather3A_578, %gather3A_579, %gather3A_580] : memref<2x8x16x128xf32, #tpu.memory_space<vmem>> -> memref<1x1x16x128xf32, #tpu.memory_space<vmem>>
        %gather3A_582 = tpu.memref_squeeze %gather3A_581 : memref<1x1x16x128xf32, #tpu.memory_space<vmem>> -> memref<16x128xf32, #tpu.memory_space<vmem>>
        %gather3A_583 = tpu.vector_load_idx %gather3A_582[%iota3A, %and3A_577] : memref<16x128xf32, #tpu.memory_space<vmem>>[vector<16xi32>, vector<16xi32>], vector<16xf32>,
        %gather3A_584 = arith.constant 1 : i32
        %gather3A_585 = arith.constant 1 : i32
        %gather3A_586 = arith.constant 0 : i32
        %gather3A_587 = arith.constant 0 : i32
        %gather3A_588 = tpu.memref_slice %arg17[%gather3A_584, %gather3A_585, %gather3A_586, %gather3A_587] : memref<2x8x16x128xf32, #tpu.memory_space<vmem>> -> memref<1x1x16x128xf32, #tpu.memory_space<vmem>>
        %gather3A_589 = tpu.memref_squeeze %gather3A_588 : memref<1x1x16x128xf32, #tpu.memory_space<vmem>> -> memref<16x128xf32, #tpu.memory_space<vmem>>
        %gather3A_590 = tpu.vector_load_idx %gather3A_589[%iota3A, %and3A_577] : memref<16x128xf32, #tpu.memory_space<vmem>>[vector<16xi32>, vector<16xi32>], vector<16xf32>,
        %gather3A_591 = arith.constant 1 : i32
        %gather3A_592 = arith.constant 2 : i32
        %gather3A_593 = arith.constant 0 : i32
        %gather3A_594 = arith.constant 0 : i32
        %gather3A_595 = tpu.memref_slice %arg17[%gather3A_591, %gather3A_592, %gather3A_593, %gather3A_594] : memref<2x8x16x128xf32, #tpu.memory_space<vmem>> -> memref<1x1x16x128xf32, #tpu.memory_space<vmem>>
        %gather3A_596 = tpu.memref_squeeze %gather3A_595 : memref<1x1x16x128xf32, #tpu.memory_space<vmem>> -> memref<16x128xf32, #tpu.memory_space<vmem>>
        %gather3A_597 = tpu.vector_load_idx %gather3A_596[%iota3A, %and3A_577] : memref<16x128xf32, #tpu.memory_space<vmem>>[vector<16xi32>, vector<16xi32>], vector<16xf32>,
        %gather3A_598 = arith.constant 1 : i32
        %gather3A_599 = arith.constant 3 : i32
        %gather3A_600 = arith.constant 0 : i32
        %gather3A_601 = arith.constant 0 : i32
        %gather3A_602 = tpu.memref_slice %arg17[%gather3A_598, %gather3A_599, %gather3A_600, %gather3A_601] : memref<2x8x16x128xf32, #tpu.memory_space<vmem>> -> memref<1x1x16x128xf32, #tpu.memory_space<vmem>>
        %gather3A_603 = tpu.memref_squeeze %gather3A_602 : memref<1x1x16x128xf32, #tpu.memory_space<vmem>> -> memref<16x128xf32, #tpu.memory_space<vmem>>
        %gather3A_604 = tpu.vector_load_idx %gather3A_603[%iota3A, %and3A_577] : memref<16x128xf32, #tpu.memory_space<vmem>>[vector<16xi32>, vector<16xi32>], vector<16xf32>,
        %gather3A_605 = arith.constant 1 : i32
        %gather3A_606 = arith.constant 4 : i32
        %gather3A_607 = arith.constant 0 : i32
        %gather3A_608 = arith.constant 0 : i32
        %gather3A_609 = tpu.memref_slice %arg17[%gather3A_605, %gather3A_606, %gather3A_607, %gather3A_608] : memref<2x8x16x128xf32, #tpu.memory_space<vmem>> -> memref<1x1x16x128xf32, #tpu.memory_space<vmem>>
        %gather3A_610 = tpu.memref_squeeze %gather3A_609 : memref<1x1x16x128xf32, #tpu.memory_space<vmem>> -> memref<16x128xf32, #tpu.memory_space<vmem>>
        %gather3A_611 = tpu.vector_load_idx %gather3A_610[%iota3A, %and3A_577] : memref<16x128xf32, #tpu.memory_space<vmem>>[vector<16xi32>, vector<16xi32>], vector<16xf32>,
        %gather3A_612 = arith.constant 1 : i32
        %gather3A_613 = arith.constant 5 : i32
        %gather3A_614 = arith.constant 0 : i32
        %gather3A_615 = arith.constant 0 : i32
        %gather3A_616 = tpu.memref_slice %arg17[%gather3A_612, %gather3A_613, %gather3A_614, %gather3A_615] : memref<2x8x16x128xf32, #tpu.memory_space<vmem>> -> memref<1x1x16x128xf32, #tpu.memory_space<vmem>>
        %gather3A_617 = tpu.memref_squeeze %gather3A_616 : memref<1x1x16x128xf32, #tpu.memory_space<vmem>> -> memref<16x128xf32, #tpu.memory_space<vmem>>
        %gather3A_618 = tpu.vector_load_idx %gather3A_617[%iota3A, %and3A_577] : memref<16x128xf32, #tpu.memory_space<vmem>>[vector<16xi32>, vector<16xi32>], vector<16xf32>,
        %gather3A_619 = arith.constant 1 : i32
        %gather3A_620 = arith.constant 6 : i32
        %gather3A_621 = arith.constant 0 : i32
        %gather3A_622 = arith.constant 0 : i32
        %gather3A_623 = tpu.memref_slice %arg17[%gather3A_619, %gather3A_620, %gather3A_621, %gather3A_622] : memref<2x8x16x128xf32, #tpu.memory_space<vmem>> -> memref<1x1x16x128xf32, #tpu.memory_space<vmem>>
        %gather3A_624 = tpu.memref_squeeze %gather3A_623 : memref<1x1x16x128xf32, #tpu.memory_space<vmem>> -> memref<16x128xf32, #tpu.memory_space<vmem>>
        %gather3A_625 = tpu.vector_load_idx %gather3A_624[%iota3A, %and3A_577] : memref<16x128xf32, #tpu.memory_space<vmem>>[vector<16xi32>, vector<16xi32>], vector<16xf32>,
        %gather3A_626 = arith.constant 1 : i32
        %gather3A_627 = arith.constant 7 : i32
        %gather3A_628 = arith.constant 0 : i32
        %gather3A_629 = arith.constant 0 : i32
        %gather3A_630 = tpu.memref_slice %arg17[%gather3A_626, %gather3A_627, %gather3A_628, %gather3A_629] : memref<2x8x16x128xf32, #tpu.memory_space<vmem>> -> memref<1x1x16x128xf32, #tpu.memory_space<vmem>>
        %gather3A_631 = tpu.memref_squeeze %gather3A_630 : memref<1x1x16x128xf32, #tpu.memory_space<vmem>> -> memref<16x128xf32, #tpu.memory_space<vmem>>
        %gather3A_632 = tpu.vector_load_idx %gather3A_631[%iota3A, %and3A_577] : memref<16x128xf32, #tpu.memory_space<vmem>>[vector<16xi32>, vector<16xi32>], vector<16xf32>,
        %add3A_633 = arith.constant 0 : i32
        %add3A_634 = vector.broadcast %add3A_633 : i32 to vector<16xi32>
        %add3A_635 = arith.addi %and3A_577, %add3A_634 : vector<16xi32>
        %gather3A_636 = arith.constant 1 : i32
        %gather3A_637 = arith.constant 0 : i32
        %gather3A_638 = arith.constant 0 : i32
        %gather3A_639 = tpu.memref_slice %arg18[%gather3A_636, %gather3A_637, %gather3A_638] : memref<2x16x384xi32, #tpu.memory_space<vmem>> -> memref<1x16x384xi32, #tpu.memory_space<vmem>>
        %gather3A_640 = tpu.memref_squeeze %gather3A_639 : memref<1x16x384xi32, #tpu.memory_space<vmem>> -> memref<16x384xi32, #tpu.memory_space<vmem>>
        %gather3A_641 = tpu.vector_load_idx %gather3A_640[%iota3A, %add3A_635] : memref<16x384xi32, #tpu.memory_space<vmem>>[vector<16xi32>, vector<16xi32>], vector<16xi32>,
        %bitcast3A = vector.bitcast %gather3A_641 : vector<16xi32> to vector<32xbf16>
        %unpack3A = tpu.unpack_subelements %bitcast3A, 0 {pack_format = #tpu.pack_format<interleaved>} : vector<32xbf16> -> vector<16xf32>
        %unpack3A_642 = tpu.unpack_subelements %bitcast3A, 1 {pack_format = #tpu.pack_format<interleaved>} : vector<32xbf16> -> vector<16xf32>
        %add3A_643 = arith.constant 128 : i32
        %add3A_644 = vector.broadcast %add3A_643 : i32 to vector<16xi32>
        %add3A_645 = arith.addi %and3A_577, %add3A_644 : vector<16xi32>
        %gather3A_646 = arith.constant 1 : i32
        %gather3A_647 = arith.constant 0 : i32
        %gather3A_648 = arith.constant 0 : i32
        %gather3A_649 = tpu.memref_slice %arg18[%gather3A_646, %gather3A_647, %gather3A_648] : memref<2x16x384xi32, #tpu.memory_space<vmem>> -> memref<1x16x384xi32, #tpu.memory_space<vmem>>
        %gather3A_650 = tpu.memref_squeeze %gather3A_649 : memref<1x16x384xi32, #tpu.memory_space<vmem>> -> memref<16x384xi32, #tpu.memory_space<vmem>>
        %gather3A_651 = tpu.vector_load_idx %gather3A_650[%iota3A, %add3A_645] : memref<16x384xi32, #tpu.memory_space<vmem>>[vector<16xi32>, vector<16xi32>], vector<16xi32>,
        %bitcast3A_652 = vector.bitcast %gather3A_651 : vector<16xi32> to vector<32xbf16>
        %unpack3A_653 = tpu.unpack_subelements %bitcast3A_652, 0 {pack_format = #tpu.pack_format<interleaved>} : vector<32xbf16> -> vector<16xf32>
        %unpack3A_654 = tpu.unpack_subelements %bitcast3A_652, 1 {pack_format = #tpu.pack_format<interleaved>} : vector<32xbf16> -> vector<16xf32>
        %add3A_655 = arith.constant 256 : i32
        %add3A_656 = vector.broadcast %add3A_655 : i32 to vector<16xi32>
        %add3A_657 = arith.addi %and3A_577, %add3A_656 : vector<16xi32>
        %gather3A_658 = arith.constant 1 : i32
        %gather3A_659 = arith.constant 0 : i32
        %gather3A_660 = arith.constant 0 : i32
        %gather3A_661 = tpu.memref_slice %arg18[%gather3A_658, %gather3A_659, %gather3A_660] : memref<2x16x384xi32, #tpu.memory_space<vmem>> -> memref<1x16x384xi32, #tpu.memory_space<vmem>>
        %gather3A_662 = tpu.memref_squeeze %gather3A_661 : memref<1x16x384xi32, #tpu.memory_space<vmem>> -> memref<16x384xi32, #tpu.memory_space<vmem>>
        %gather3A_663 = tpu.vector_load_idx %gather3A_662[%iota3A, %add3A_657] : memref<16x384xi32, #tpu.memory_space<vmem>>[vector<16xi32>, vector<16xi32>], vector<16xi32>,
        %bitcast3A_664 = vector.bitcast %gather3A_663 : vector<16xi32> to vector<32xbf16>
        %unpack3A_665 = tpu.unpack_subelements %bitcast3A_664, 0 {pack_format = #tpu.pack_format<interleaved>} : vector<32xbf16> -> vector<16xf32>
        %unpack3A_666 = tpu.unpack_subelements %bitcast3A_664, 1 {pack_format = #tpu.pack_format<interleaved>} : vector<32xbf16> -> vector<16xf32>
        %add3A_667 = arith.constant 0 : i32
        %add3A_668 = vector.broadcast %add3A_667 : i32 to vector<16xi32>
        %add3A_669 = arith.addi %and3A_577, %add3A_668 : vector<16xi32>
        %gather3A_670 = arith.constant 1 : i32
        %gather3A_671 = arith.constant 0 : i32
        %gather3A_672 = arith.constant 0 : i32
        %gather3A_673 = tpu.memref_slice %arg19[%gather3A_670, %gather3A_671, %gather3A_672] : memref<2x16x256xi32, #tpu.memory_space<vmem>> -> memref<1x16x256xi32, #tpu.memory_space<vmem>>
        %gather3A_674 = tpu.memref_squeeze %gather3A_673 : memref<1x16x256xi32, #tpu.memory_space<vmem>> -> memref<16x256xi32, #tpu.memory_space<vmem>>
        %gather3A_675 = tpu.vector_load_idx %gather3A_674[%iota3A, %add3A_669] : memref<16x256xi32, #tpu.memory_space<vmem>>[vector<16xi32>, vector<16xi32>], vector<16xi32>,
        %bitcast3A_676 = vector.bitcast %gather3A_675 : vector<16xi32> to vector<32xbf16>
        %unpack3A_677 = tpu.unpack_subelements %bitcast3A_676, 0 {pack_format = #tpu.pack_format<interleaved>} : vector<32xbf16> -> vector<16xf32>
        %unpack3A_678 = tpu.unpack_subelements %bitcast3A_676, 1 {pack_format = #tpu.pack_format<interleaved>} : vector<32xbf16> -> vector<16xf32>
        %add3A_679 = arith.constant 128 : i32
        %add3A_680 = vector.broadcast %add3A_679 : i32 to vector<16xi32>
        %add3A_681 = arith.addi %and3A_577, %add3A_680 : vector<16xi32>
        %gather3A_682 = arith.constant 1 : i32
        %gather3A_683 = arith.constant 0 : i32
        %gather3A_684 = arith.constant 0 : i32
        %gather3A_685 = tpu.memref_slice %arg19[%gather3A_682, %gather3A_683, %gather3A_684] : memref<2x16x256xi32, #tpu.memory_space<vmem>> -> memref<1x16x256xi32, #tpu.memory_space<vmem>>
        %gather3A_686 = tpu.memref_squeeze %gather3A_685 : memref<1x16x256xi32, #tpu.memory_space<vmem>> -> memref<16x256xi32, #tpu.memory_space<vmem>>
        %gather3A_687 = tpu.vector_load_idx %gather3A_686[%iota3A, %add3A_681] : memref<16x256xi32, #tpu.memory_space<vmem>>[vector<16xi32>, vector<16xi32>], vector<16xi32>,
        %bitcast3A_688 = vector.bitcast %gather3A_687 : vector<16xi32> to vector<32xbf16>
        %unpack3A_689 = tpu.unpack_subelements %bitcast3A_688, 0 {pack_format = #tpu.pack_format<interleaved>} : vector<32xbf16> -> vector<16xf32>
        %unpack3A_690 = tpu.unpack_subelements %bitcast3A_688, 1 {pack_format = #tpu.pack_format<interleaved>} : vector<32xbf16> -> vector<16xf32>
        %mul3A_691 = arith.mulf %gather3A_583, %unpack3A : vector<16xf32>
        %mul3A_692 = arith.mulf %gather3A_590, %unpack3A_642 : vector<16xf32>
        %sub3A = arith.subf %mul3A_691, %mul3A_692 : vector<16xf32>
        %mul3A_693 = arith.mulf %gather3A_583, %unpack3A_642 : vector<16xf32>
        %mul3A_694 = arith.mulf %gather3A_590, %unpack3A : vector<16xf32>
        %add3A_695 = arith.addf %mul3A_693, %mul3A_694 : vector<16xf32>
        %mul3A_696 = arith.mulf %sub3A, %gather3A_597 : vector<16xf32>
        %mul3A_697 = arith.mulf %add3A_695, %gather3A_604 : vector<16xf32>
        %add3A_698 = arith.addf %mul3A_696, %mul3A_697 : vector<16xf32>
        %mul3A_699 = arith.mulf %gather3A_583, %unpack3A_653 : vector<16xf32>
        %mul3A_700 = arith.mulf %gather3A_590, %unpack3A_654 : vector<16xf32>
        %sub3A_701 = arith.subf %mul3A_699, %mul3A_700 : vector<16xf32>
        %mul3A_702 = arith.mulf %gather3A_583, %unpack3A_654 : vector<16xf32>
        %mul3A_703 = arith.mulf %gather3A_590, %unpack3A_653 : vector<16xf32>
        %add3A_704 = arith.addf %mul3A_702, %mul3A_703 : vector<16xf32>
        %mul3A_705 = arith.mulf %sub3A_701, %unpack3A_677 : vector<16xf32>
        %mul3A_706 = arith.mulf %add3A_704, %unpack3A_678 : vector<16xf32>
        %add3A_707 = arith.addf %mul3A_705, %mul3A_706 : vector<16xf32>
        %mul3A_708 = arith.mulf %gather3A_597, %unpack3A_665 : vector<16xf32>
        %mul3A_709 = arith.mulf %gather3A_604, %unpack3A_666 : vector<16xf32>
        %sub3A_710 = arith.subf %mul3A_708, %mul3A_709 : vector<16xf32>
        %mul3A_711 = arith.mulf %gather3A_597, %unpack3A_666 : vector<16xf32>
        %mul3A_712 = arith.mulf %gather3A_604, %unpack3A_665 : vector<16xf32>
        %add3A_713 = arith.addf %mul3A_711, %mul3A_712 : vector<16xf32>
        %mul3A_714 = arith.mulf %sub3A_710, %unpack3A_689 : vector<16xf32>
        %mul3A_715 = arith.mulf %add3A_713, %unpack3A_690 : vector<16xf32>
        %add3A_716 = arith.addf %mul3A_714, %mul3A_715 : vector<16xf32>
        %mul3A_717 = arith.mulf %gather3A_611, %unpack3A_677 : vector<16xf32>
        %mul3A_718 = arith.mulf %gather3A_618, %unpack3A_678 : vector<16xf32>
        %sub3A_719 = arith.subf %mul3A_717, %mul3A_718 : vector<16xf32>
        %mul3A_720 = arith.mulf %gather3A_611, %unpack3A_678 : vector<16xf32>
        %mul3A_721 = arith.mulf %gather3A_618, %unpack3A_677 : vector<16xf32>
        %add3A_722 = arith.addf %mul3A_720, %mul3A_721 : vector<16xf32>
        %mul3A_723 = arith.mulf %sub3A_719, %gather3A_625 : vector<16xf32>
        %mul3A_724 = arith.mulf %add3A_722, %gather3A_632 : vector<16xf32>
        %add3A_725 = arith.addf %mul3A_723, %mul3A_724 : vector<16xf32>
        %add3A_726 = arith.addf %add3A_698, %add3A_707 : vector<16xf32>
        %add3A_727 = arith.addf %scan3A_572, %add3A_726 : vector<16xf32>
        %mul3A_728 = arith.constant 5.000000e+00 : f32
        %mul3A_729 = vector.broadcast %mul3A_728 : f32 to vector<16xf32>
        %mul3A_730 = arith.mulf %mul3A_729, %add3A_725 : vector<16xf32>
        %add3A_731 = arith.addf %add3A_716, %mul3A_730 : vector<16xf32>
        %add3A_732 = arith.addf %scan3A_573, %add3A_731 : vector<16xf32>
        %scan3A_733 = arith.constant 1 : i32
        %scan3A_734 = arith.addi %scan3A_571, %scan3A_733 : i32
        %add3A_735 = vector.broadcast %scan3A_734 : i32 to vector<16xi32>
        %add3A_736 = arith.addi %add3A_735, %iota3A : vector<16xi32>
        %and3A_737 = arith.constant 127 : i32
        %and3A_738 = vector.broadcast %and3A_737 : i32 to vector<16xi32>
        %and3A_739 = arith.andi %add3A_736, %and3A_738 : vector<16xi32>
        %gather3A_740 = arith.constant 1 : i32
        %gather3A_741 = arith.constant 0 : i32
        %gather3A_742 = arith.constant 0 : i32
        %gather3A_743 = arith.constant 0 : i32
        %gather3A_744 = tpu.memref_slice %arg17[%gather3A_740, %gather3A_741, %gather3A_742, %gather3A_743] : memref<2x8x16x128xf32, #tpu.memory_space<vmem>> -> memref<1x1x16x128xf32, #tpu.memory_space<vmem>>
        %gather3A_745 = tpu.memref_squeeze %gather3A_744 : memref<1x1x16x128xf32, #tpu.memory_space<vmem>> -> memref<16x128xf32, #tpu.memory_space<vmem>>
        %gather3A_746 = tpu.vector_load_idx %gather3A_745[%iota3A, %and3A_739] : memref<16x128xf32, #tpu.memory_space<vmem>>[vector<16xi32>, vector<16xi32>], vector<16xf32>,
        %gather3A_747 = arith.constant 1 : i32
        %gather3A_748 = arith.constant 1 : i32
        %gather3A_749 = arith.constant 0 : i32
        %gather3A_750 = arith.constant 0 : i32
        %gather3A_751 = tpu.memref_slice %arg17[%gather3A_747, %gather3A_748, %gather3A_749, %gather3A_750] : memref<2x8x16x128xf32, #tpu.memory_space<vmem>> -> memref<1x1x16x128xf32, #tpu.memory_space<vmem>>
        %gather3A_752 = tpu.memref_squeeze %gather3A_751 : memref<1x1x16x128xf32, #tpu.memory_space<vmem>> -> memref<16x128xf32, #tpu.memory_space<vmem>>
        %gather3A_753 = tpu.vector_load_idx %gather3A_752[%iota3A, %and3A_739] : memref<16x128xf32, #tpu.memory_space<vmem>>[vector<16xi32>, vector<16xi32>], vector<16xf32>,
        %gather3A_754 = arith.constant 1 : i32
        %gather3A_755 = arith.constant 2 : i32
        %gather3A_756 = arith.constant 0 : i32
        %gather3A_757 = arith.constant 0 : i32
        %gather3A_758 = tpu.memref_slice %arg17[%gather3A_754, %gather3A_755, %gather3A_756, %gather3A_757] : memref<2x8x16x128xf32, #tpu.memory_space<vmem>> -> memref<1x1x16x128xf32, #tpu.memory_space<vmem>>
        %gather3A_759 = tpu.memref_squeeze %gather3A_758 : memref<1x1x16x128xf32, #tpu.memory_space<vmem>> -> memref<16x128xf32, #tpu.memory_space<vmem>>
        %gather3A_760 = tpu.vector_load_idx %gather3A_759[%iota3A, %and3A_739] : memref<16x128xf32, #tpu.memory_space<vmem>>[vector<16xi32>, vector<16xi32>], vector<16xf32>,
        %gather3A_761 = arith.constant 1 : i32
        %gather3A_762 = arith.constant 3 : i32
        %gather3A_763 = arith.constant 0 : i32
        %gather3A_764 = arith.constant 0 : i32
        %gather3A_765 = tpu.memref_slice %arg17[%gather3A_761, %gather3A_762, %gather3A_763, %gather3A_764] : memref<2x8x16x128xf32, #tpu.memory_space<vmem>> -> memref<1x1x16x128xf32, #tpu.memory_space<vmem>>
        %gather3A_766 = tpu.memref_squeeze %gather3A_765 : memref<1x1x16x128xf32, #tpu.memory_space<vmem>> -> memref<16x128xf32, #tpu.memory_space<vmem>>
        %gather3A_767 = tpu.vector_load_idx %gather3A_766[%iota3A, %and3A_739] : memref<16x128xf32, #tpu.memory_space<vmem>>[vector<16xi32>, vector<16xi32>], vector<16xf32>,
        %gather3A_768 = arith.constant 1 : i32
        %gather3A_769 = arith.constant 4 : i32
        %gather3A_770 = arith.constant 0 : i32
        %gather3A_771 = arith.constant 0 : i32
        %gather3A_772 = tpu.memref_slice %arg17[%gather3A_768, %gather3A_769, %gather3A_770, %gather3A_771] : memref<2x8x16x128xf32, #tpu.memory_space<vmem>> -> memref<1x1x16x128xf32, #tpu.memory_space<vmem>>
        %gather3A_773 = tpu.memref_squeeze %gather3A_772 : memref<1x1x16x128xf32, #tpu.memory_space<vmem>> -> memref<16x128xf32, #tpu.memory_space<vmem>>
        %gather3A_774 = tpu.vector_load_idx %gather3A_773[%iota3A, %and3A_739] : memref<16x128xf32, #tpu.memory_space<vmem>>[vector<16xi32>, vector<16xi32>], vector<16xf32>,
        %gather3A_775 = arith.constant 1 : i32
        %gather3A_776 = arith.constant 5 : i32
        %gather3A_777 = arith.constant 0 : i32
        %gather3A_778 = arith.constant 0 : i32
        %gather3A_779 = tpu.memref_slice %arg17[%gather3A_775, %gather3A_776, %gather3A_777, %gather3A_778] : memref<2x8x16x128xf32, #tpu.memory_space<vmem>> -> memref<1x1x16x128xf32, #tpu.memory_space<vmem>>
        %gather3A_780 = tpu.memref_squeeze %gather3A_779 : memref<1x1x16x128xf32, #tpu.memory_space<vmem>> -> memref<16x128xf32, #tpu.memory_space<vmem>>
        %gather3A_781 = tpu.vector_load_idx %gather3A_780[%iota3A, %and3A_739] : memref<16x128xf32, #tpu.memory_space<vmem>>[vector<16xi32>, vector<16xi32>], vector<16xf32>,
        %gather3A_782 = arith.constant 1 : i32
        %gather3A_783 = arith.constant 6 : i32
        %gather3A_784 = arith.constant 0 : i32
        %gather3A_785 = arith.constant 0 : i32
        %gather3A_786 = tpu.memref_slice %arg17[%gather3A_782, %gather3A_783, %gather3A_784, %gather3A_785] : memref<2x8x16x128xf32, #tpu.memory_space<vmem>> -> memref<1x1x16x128xf32, #tpu.memory_space<vmem>>
        %gather3A_787 = tpu.memref_squeeze %gather3A_786 : memref<1x1x16x128xf32, #tpu.memory_space<vmem>> -> memref<16x128xf32, #tpu.memory_space<vmem>>
        %gather3A_788 = tpu.vector_load_idx %gather3A_787[%iota3A, %and3A_739] : memref<16x128xf32, #tpu.memory_space<vmem>>[vector<16xi32>, vector<16xi32>], vector<16xf32>,
        %gather3A_789 = arith.constant 1 : i32
        %gather3A_790 = arith.constant 7 : i32
        %gather3A_791 = arith.constant 0 : i32
        %gather3A_792 = arith.constant 0 : i32
        %gather3A_793 = tpu.memref_slice %arg17[%gather3A_789, %gather3A_790, %gather3A_791, %gather3A_792] : memref<2x8x16x128xf32, #tpu.memory_space<vmem>> -> memref<1x1x16x128xf32, #tpu.memory_space<vmem>>
        %gather3A_794 = tpu.memref_squeeze %gather3A_793 : memref<1x1x16x128xf32, #tpu.memory_space<vmem>> -> memref<16x128xf32, #tpu.memory_space<vmem>>
        %gather3A_795 = tpu.vector_load_idx %gather3A_794[%iota3A, %and3A_739] : memref<16x128xf32, #tpu.memory_space<vmem>>[vector<16xi32>, vector<16xi32>], vector<16xf32>,
        %add3A_796 = arith.constant 0 : i32
        %add3A_797 = vector.broadcast %add3A_796 : i32 to vector<16xi32>
        %add3A_798 = arith.addi %and3A_739, %add3A_797 : vector<16xi32>
        %gather3A_799 = arith.constant 1 : i32
        %gather3A_800 = arith.constant 0 : i32
        %gather3A_801 = arith.constant 0 : i32
        %gather3A_802 = tpu.memref_slice %arg18[%gather3A_799, %gather3A_800, %gather3A_801] : memref<2x16x384xi32, #tpu.memory_space<vmem>> -> memref<1x16x384xi32, #tpu.memory_space<vmem>>
        %gather3A_803 = tpu.memref_squeeze %gather3A_802 : memref<1x16x384xi32, #tpu.memory_space<vmem>> -> memref<16x384xi32, #tpu.memory_space<vmem>>
        %gather3A_804 = tpu.vector_load_idx %gather3A_803[%iota3A, %add3A_798] : memref<16x384xi32, #tpu.memory_space<vmem>>[vector<16xi32>, vector<16xi32>], vector<16xi32>,
        %bitcast3A_805 = vector.bitcast %gather3A_804 : vector<16xi32> to vector<32xbf16>
        %unpack3A_806 = tpu.unpack_subelements %bitcast3A_805, 0 {pack_format = #tpu.pack_format<interleaved>} : vector<32xbf16> -> vector<16xf32>
        %unpack3A_807 = tpu.unpack_subelements %bitcast3A_805, 1 {pack_format = #tpu.pack_format<interleaved>} : vector<32xbf16> -> vector<16xf32>
        %add3A_808 = arith.constant 128 : i32
        %add3A_809 = vector.broadcast %add3A_808 : i32 to vector<16xi32>
        %add3A_810 = arith.addi %and3A_739, %add3A_809 : vector<16xi32>
        %gather3A_811 = arith.constant 1 : i32
        %gather3A_812 = arith.constant 0 : i32
        %gather3A_813 = arith.constant 0 : i32
        %gather3A_814 = tpu.memref_slice %arg18[%gather3A_811, %gather3A_812, %gather3A_813] : memref<2x16x384xi32, #tpu.memory_space<vmem>> -> memref<1x16x384xi32, #tpu.memory_space<vmem>>
        %gather3A_815 = tpu.memref_squeeze %gather3A_814 : memref<1x16x384xi32, #tpu.memory_space<vmem>> -> memref<16x384xi32, #tpu.memory_space<vmem>>
        %gather3A_816 = tpu.vector_load_idx %gather3A_815[%iota3A, %add3A_810] : memref<16x384xi32, #tpu.memory_space<vmem>>[vector<16xi32>, vector<16xi32>], vector<16xi32>,
        %bitcast3A_817 = vector.bitcast %gather3A_816 : vector<16xi32> to vector<32xbf16>
        %unpack3A_818 = tpu.unpack_subelements %bitcast3A_817, 0 {pack_format = #tpu.pack_format<interleaved>} : vector<32xbf16> -> vector<16xf32>
        %unpack3A_819 = tpu.unpack_subelements %bitcast3A_817, 1 {pack_format = #tpu.pack_format<interleaved>} : vector<32xbf16> -> vector<16xf32>
        %add3A_820 = arith.constant 256 : i32
        %add3A_821 = vector.broadcast %add3A_820 : i32 to vector<16xi32>
        %add3A_822 = arith.addi %and3A_739, %add3A_821 : vector<16xi32>
        %gather3A_823 = arith.constant 1 : i32
        %gather3A_824 = arith.constant 0 : i32
        %gather3A_825 = arith.constant 0 : i32
        %gather3A_826 = tpu.memref_slice %arg18[%gather3A_823, %gather3A_824, %gather3A_825] : memref<2x16x384xi32, #tpu.memory_space<vmem>> -> memref<1x16x384xi32, #tpu.memory_space<vmem>>
        %gather3A_827 = tpu.memref_squeeze %gather3A_826 : memref<1x16x384xi32, #tpu.memory_space<vmem>> -> memref<16x384xi32, #tpu.memory_space<vmem>>
        %gather3A_828 = tpu.vector_load_idx %gather3A_827[%iota3A, %add3A_822] : memref<16x384xi32, #tpu.memory_space<vmem>>[vector<16xi32>, vector<16xi32>], vector<16xi32>,
        %bitcast3A_829 = vector.bitcast %gather3A_828 : vector<16xi32> to vector<32xbf16>
        %unpack3A_830 = tpu.unpack_subelements %bitcast3A_829, 0 {pack_format = #tpu.pack_format<interleaved>} : vector<32xbf16> -> vector<16xf32>
        %unpack3A_831 = tpu.unpack_subelements %bitcast3A_829, 1 {pack_format = #tpu.pack_format<interleaved>} : vector<32xbf16> -> vector<16xf32>
        %add3A_832 = arith.constant 0 : i32
        %add3A_833 = vector.broadcast %add3A_832 : i32 to vector<16xi32>
        %add3A_834 = arith.addi %and3A_739, %add3A_833 : vector<16xi32>
        %gather3A_835 = arith.constant 1 : i32
        %gather3A_836 = arith.constant 0 : i32
        %gather3A_837 = arith.constant 0 : i32
        %gather3A_838 = tpu.memref_slice %arg19[%gather3A_835, %gather3A_836, %gather3A_837] : memref<2x16x256xi32, #tpu.memory_space<vmem>> -> memref<1x16x256xi32, #tpu.memory_space<vmem>>
        %gather3A_839 = tpu.memref_squeeze %gather3A_838 : memref<1x16x256xi32, #tpu.memory_space<vmem>> -> memref<16x256xi32, #tpu.memory_space<vmem>>
        %gather3A_840 = tpu.vector_load_idx %gather3A_839[%iota3A, %add3A_834] : memref<16x256xi32, #tpu.memory_space<vmem>>[vector<16xi32>, vector<16xi32>], vector<16xi32>,
        %bitcast3A_841 = vector.bitcast %gather3A_840 : vector<16xi32> to vector<32xbf16>
        %unpack3A_842 = tpu.unpack_subelements %bitcast3A_841, 0 {pack_format = #tpu.pack_format<interleaved>} : vector<32xbf16> -> vector<16xf32>
        %unpack3A_843 = tpu.unpack_subelements %bitcast3A_841, 1 {pack_format = #tpu.pack_format<interleaved>} : vector<32xbf16> -> vector<16xf32>
        %add3A_844 = arith.constant 128 : i32
        %add3A_845 = vector.broadcast %add3A_844 : i32 to vector<16xi32>
        %add3A_846 = arith.addi %and3A_739, %add3A_845 : vector<16xi32>
        %gather3A_847 = arith.constant 1 : i32
        %gather3A_848 = arith.constant 0 : i32
        %gather3A_849 = arith.constant 0 : i32
        %gather3A_850 = tpu.memref_slice %arg19[%gather3A_847, %gather3A_848, %gather3A_849] : memref<2x16x256xi32, #tpu.memory_space<vmem>> -> memref<1x16x256xi32, #tpu.memory_space<vmem>>
        %gather3A_851 = tpu.memref_squeeze %gather3A_850 : memref<1x16x256xi32, #tpu.memory_space<vmem>> -> memref<16x256xi32, #tpu.memory_space<vmem>>
        %gather3A_852 = tpu.vector_load_idx %gather3A_851[%iota3A, %add3A_846] : memref<16x256xi32, #tpu.memory_space<vmem>>[vector<16xi32>, vector<16xi32>], vector<16xi32>,
        %bitcast3A_853 = vector.bitcast %gather3A_852 : vector<16xi32> to vector<32xbf16>
        %unpack3A_854 = tpu.unpack_subelements %bitcast3A_853, 0 {pack_format = #tpu.pack_format<interleaved>} : vector<32xbf16> -> vector<16xf32>
        %unpack3A_855 = tpu.unpack_subelements %bitcast3A_853, 1 {pack_format = #tpu.pack_format<interleaved>} : vector<32xbf16> -> vector<16xf32>
        %mul3A_856 = arith.mulf %gather3A_746, %unpack3A_806 : vector<16xf32>
        %mul3A_857 = arith.mulf %gather3A_753, %unpack3A_807 : vector<16xf32>
        %sub3A_858 = arith.subf %mul3A_856, %mul3A_857 : vector<16xf32>
        %mul3A_859 = arith.mulf %gather3A_746, %unpack3A_807 : vector<16xf32>
        %mul3A_860 = arith.mulf %gather3A_753, %unpack3A_806 : vector<16xf32>
        %add3A_861 = arith.addf %mul3A_859, %mul3A_860 : vector<16xf32>
        %mul3A_862 = arith.mulf %sub3A_858, %gather3A_760 : vector<16xf32>
        %mul3A_863 = arith.mulf %add3A_861, %gather3A_767 : vector<16xf32>
        %add3A_864 = arith.addf %mul3A_862, %mul3A_863 : vector<16xf32>
        %mul3A_865 = arith.mulf %gather3A_746, %unpack3A_818 : vector<16xf32>
        %mul3A_866 = arith.mulf %gather3A_753, %unpack3A_819 : vector<16xf32>
        %sub3A_867 = arith.subf %mul3A_865, %mul3A_866 : vector<16xf32>
        %mul3A_868 = arith.mulf %gather3A_746, %unpack3A_819 : vector<16xf32>
        %mul3A_869 = arith.mulf %gather3A_753, %unpack3A_818 : vector<16xf32>
        %add3A_870 = arith.addf %mul3A_868, %mul3A_869 : vector<16xf32>
        %mul3A_871 = arith.mulf %sub3A_867, %unpack3A_842 : vector<16xf32>
        %mul3A_872 = arith.mulf %add3A_870, %unpack3A_843 : vector<16xf32>
        %add3A_873 = arith.addf %mul3A_871, %mul3A_872 : vector<16xf32>
        %mul3A_874 = arith.mulf %gather3A_760, %unpack3A_830 : vector<16xf32>
        %mul3A_875 = arith.mulf %gather3A_767, %unpack3A_831 : vector<16xf32>
        %sub3A_876 = arith.subf %mul3A_874, %mul3A_875 : vector<16xf32>
        %mul3A_877 = arith.mulf %gather3A_760, %unpack3A_831 : vector<16xf32>
        %mul3A_878 = arith.mulf %gather3A_767, %unpack3A_830 : vector<16xf32>
        %add3A_879 = arith.addf %mul3A_877, %mul3A_878 : vector<16xf32>
        %mul3A_880 = arith.mulf %sub3A_876, %unpack3A_854 : vector<16xf32>
        %mul3A_881 = arith.mulf %add3A_879, %unpack3A_855 : vector<16xf32>
        %add3A_882 = arith.addf %mul3A_880, %mul3A_881 : vector<16xf32>
        %mul3A_883 = arith.mulf %gather3A_774, %unpack3A_842 : vector<16xf32>
        %mul3A_884 = arith.mulf %gather3A_781, %unpack3A_843 : vector<16xf32>
        %sub3A_885 = arith.subf %mul3A_883, %mul3A_884 : vector<16xf32>
        %mul3A_886 = arith.mulf %gather3A_774, %unpack3A_843 : vector<16xf32>
        %mul3A_887 = arith.mulf %gather3A_781, %unpack3A_842 : vector<16xf32>
        %add3A_888 = arith.addf %mul3A_886, %mul3A_887 : vector<16xf32>
        %mul3A_889 = arith.mulf %sub3A_885, %gather3A_788 : vector<16xf32>
        %mul3A_890 = arith.mulf %add3A_888, %gather3A_795 : vector<16xf32>
        %add3A_891 = arith.addf %mul3A_889, %mul3A_890 : vector<16xf32>
        %add3A_892 = arith.addf %add3A_864, %add3A_873 : vector<16xf32>
        %add3A_893 = arith.addf %add3A_727, %add3A_892 : vector<16xf32>
        %mul3A_894 = arith.constant 5.000000e+00 : f32
        %mul3A_895 = vector.broadcast %mul3A_894 : f32 to vector<16xf32>
        %mul3A_896 = arith.mulf %mul3A_895, %add3A_891 : vector<16xf32>
        %add3A_897 = arith.addf %add3A_882, %mul3A_896 : vector<16xf32>
        %add3A_898 = arith.addf %add3A_732, %add3A_897 : vector<16xf32>
        scf.yield %add3A_893, %add3A_898 : vector<16xf32>, vector<16xf32>
      }
      %scan3A_565 = arith.constant 128 : i32
      %add3A_566 = arith.addf %scan3A_564#0, %scan3A_564#1 : vector<16xf32>
      %mul3A_567 = arith.constant 16 : i32
      %mul3A_568 = arith.muli %add3A_557, %mul3A_567 : i32
      %swap3A_569 = arith.index_cast %mul3A_568 : i32 to index
      %swap3A_570 = tpu.vector_load %arg20[%swap3A_569] {strides = array<i32>} : memref<512xf32, #tpu.memory_space<vmem>>, vector<16xf32>,
      tpu.vector_store %arg20[%swap3A_569], %add3A_566 {strides = array<i32>} : memref<512xf32, #tpu.memory_space<vmem>>, vector<16xf32>,
    }
    %scan3A_144 = arith.constant 16 : i32
    "tpu.region"() ({
      %run_scoped3A = tpu.sem_alloc : memref<!tpu.dma_semaphore, #tpu.memory_space<semaphore_mem>>
      %dma_start3A_145 = tpu.memref_slice %arg12[%mul3A_2] : memref<16384xf32, #tpu.memory_space<hbm>> -> memref<512xf32, #tpu.memory_space<hbm>>
      %dma_start3A_146 = tpu.memref_slice %arg12[%mul3A_2] : memref<16384xf32, #tpu.memory_space<hbm>> -> memref<512xf32, #tpu.memory_space<hbm>>
      tpu.enqueue_dma source(%arg20 : memref<512xf32, #tpu.memory_space<vmem>>) target(%dma_start3A_146 : memref<512xf32, #tpu.memory_space<hbm>>) target_semaphore(%run_scoped3A : memref<!tpu.dma_semaphore, #tpu.memory_space<semaphore_mem>>)
      %dma_wait3A = tpu.memref_slice %arg12[%mul3A_2] : memref<16384xf32, #tpu.memory_space<hbm>> -> memref<512xf32, #tpu.memory_space<hbm>>
      %dma_wait3A_147 = tpu.memref_slice %arg12[%mul3A_2] : memref<16384xf32, #tpu.memory_space<hbm>> -> memref<512xf32, #tpu.memory_space<hbm>>
      tpu.wait_dma2 semaphore(%run_scoped3A : memref<!tpu.dma_semaphore, #tpu.memory_space<semaphore_mem>>) src(%arg20 : memref<512xf32, #tpu.memory_space<vmem>>) dst(%dma_wait3A_147 : memref<512xf32, #tpu.memory_space<hbm>>)
      tpu.yield
    }) : () -> ()
    return
  }
}

</mosaic_0001>

<sc_bundles>
// kernel: kernel.3.cloned.1.call-start
scs
__scs_entry_jumppad:
0x0: {  	(pc) =	sbr.rel $0x88, $3  }
0x1: {  	(tag) =	ssettag $0x0;
	lr =	simm.s32 $0x1  }
0x2: {  	[smem:$0x3F8F] =	sst lr;
	_ =	strace $0xD0000000  }
0x3: {  	_ = 	snop  }
0x4: {  	_ = 	snop  }
0x5: {  	_ = 	snop  }
0x6: {  	_ = 	snop  }
0x7: {  	_ = 	snop  }
__scs_overlays_trampoline_lowered:
0x8: {  	[smem:$0x3F9E] =	sst s0  }
0x9: {  	[smem:$0x3F9F] =	sst s1  }
0xa: {  	[smem:$0x3FA0] =	sst s2  }
0xb: {  	[smem:$0x3FA1] =	sst s3  }
0xc: {  	[smem:$0x3FA2] =	sst s4  }
0xd: {  	[smem:$0x3FA3] =	sst s5  }
0xe: {  	[smem:$0x3FA4] =	sst s6  }
0xf: {  	[smem:$0x3FA5] =	sst s7  }
0x10: {  	[smem:$0x3FA6] =	sst s8  }
0x11: {  	[smem:$0x3FA7] =	sst s9;
	s0 =	simm.s32 @!p0 $0x0  }
0x12: {  	s1 =	sld [smem:$0x3F8D];
	s0 =	simm.s32 @p0 $0x1  }
0x13: {  	[smem:$0x3FA8] =	sst s0;
	s0 =	simm.s32 @!p1 $0x0  }
0x14: {  	s2 =	sld [smem:$0x3F8C];
	s0 =	simm.s32 @p1 $0x1  }
0x15: {  	[smem:$0x3FA9] =	sst s0;
	s0 =	simm.s32 @!p2 $0x0  }
0x16: {  	s3 =	sld [smem:$0x3FDB];
	s0 =	simm.s32 @p2 $0x1  }
0x17: {  	s4 =	simm.s32 $0x1BF5;
	[smem:$0x3FAB] =	sst s0  }
0x18: {  	s0 =	sld [smem:$0x3F8E];
	_ =	swait.ge [sflag:s4], $0x0  }
0x19: {  	s7 =	sld [smem:$0x3F8F]  }
0x1a: {  	s8 =	sadd.s32 $0xFFFFE003, lr  }
0x1b: {  	s9 =	sadd.s32 $0xFFFFFEF7, lr;
	s5 =	simm.s32 $0xFFFFFFFF;
	p2 =	slt.u32 s8, $0xFFFFF086  }
0x1c: {  	p1 =	slt.u32 s9, $0xF7A;
	s5 =	simm.s32 @!p2 $0x0  }
0x1d: {  	s5 =	simm.s32 @p1 $0x1;
	p0 =	seq.s32 s7, s2  }
0x1e: {  	s7 =	smul.u32 @!p0 $0xF7A, s2;
	p2 =	seq.s32 @!p0 s5, $0x0  }
0x1f: {  	s9 =	smul.u32 $0xF7A, s1;
	s8 =	simm.s32 @!p0 $0x1BF5;
	p2 =	por !p2, p0  }
0x20: {  	[sflag:s8] =	ssyncset.s32 @!p0 $0xFFFFF086;
	s6 =	sadd.s32 @!p0 s3, s7;
	s7 =	simm.s32 @!p0 $0x108  }
0x21: {  	s3 =	sadd.s32 s3, s9;
	s6 =	sadd.s32 @!p0 $0x88, s6;
	s7 =	simm.s32 @p2 $0x1082  }
0x22: {  	[simem:s7], [sflag:s8] =	dma.local @!p0 [hbm:s6], $0xF7A  }
0x23: {  	s9 =	sor.u32 $0xD0000000, s2;
	s6 =	simm.s32 $0x108;
	_ =	swait.ge @!p0 [sflag:s8], $0x0  }
0x24: {  	s3 =	sadd.s32 $0x88, s3;
	s6 =	simm.s32 @!p1 $0x1082;
	[sflag:s4] =	ssyncset.s32 $0xFFFFF086  }
0x25: {  	[simem:s6], [sflag:s4] =	dma.local [hbm:s3], $0xF7A  }
0x26: {  	[smem:$0x3F8F] =	sst s1;
	(tag) =	ssettag s2;
	_ =	strace s9  }
0x27: {  	s1 =	sld [smem:$0x3F9F]  }
0x28: {  	s2 =	sld [smem:$0x3FA0]  }
0x29: {  	s4 =	sld [smem:$0x3FA2]  }
0x2a: {  	p0 =	seq.s32 s5, $0x0;
	s5 =	sld [smem:$0x3FA3]  }
0x2b: {  	s6 =	sld [smem:$0x3FA4]  }
0x2c: {  	s7 =	sld [smem:$0x3FA5]  }
0x2d: {  	s3 =	simm.s32 $0x108;
	s8 =	sld [smem:$0x3FA6]  }
0x2e: {  	s3 =	simm.s32 @!p0 $0x1082;
	s9 =	sld [smem:$0x3FA7]  }
0x2f: {  	lr =	sadd.s32 s0, s3;
	s0 =	sld [smem:$0x3F9E]  }
0x30: {  	s3 =	sld [smem:$0x3FA1]  }
0x31: {  	[smem:$0x3FAA] =	sst s10  }
0x32: {  	s10 =	sld [smem:$0x3FA8];
	_ =	sdelay $0x3  }
0x33: {  	p0 =	seq.s32 s10, $0x1;
	s10 =	sld [smem:$0x3FAA];
	_ =	sdelay $0x3  }
0x34: {  	[smem:$0x3FAA] =	sst s10  }
0x35: {  	s10 =	sld [smem:$0x3FA9];
	_ =	sdelay $0x3  }
0x36: {  	p1 =	seq.s32 s10, $0x1;
	s10 =	sld [smem:$0x3FAA];
	_ =	sdelay $0x3  }
0x37: {  	[smem:$0x3FAA] =	sst s10  }
0x38: {  	s10 =	sld [smem:$0x3FAB]  }
0x39: {  	_ = 	snop;
	(pc) =	sbr.ind lr, $3  }
0x3a: {  	_ = 	snop  }
0x3b: {  	_ = 	snop  }
0x3c: {  	p2 =	seq.s32 s10, $0x1;
	s10 =	sld [smem:$0x3FAA]  }
0x3d: {  	_ =	shalt  }
0x3e: {  	_ =	shalt  }
0x3f: {  	_ =	shalt  }
0x40: {  	_ =	shalt  }
0x41: {  	_ =	shalt  }
0x42: {  	_ =	shalt  }
0x43: {  	_ =	shalt  }
0x44: {  	_ =	shalt  }
0x45: {  	_ =	shalt  }
0x46: {  	_ =	shalt  }
0x47: {  	_ =	shalt  }
0x48: {  	_ =	shalt  }
0x49: {  	_ =	shalt  }
0x4a: {  	_ =	shalt  }
0x4b: {  	_ =	shalt  }
0x4c: {  	_ =	shalt  }
0x4d: {  	_ =	shalt  }
0x4e: {  	_ =	shalt  }
0x4f: {  	_ =	shalt  }
0x50: {  	_ =	shalt  }
0x51: {  	_ =	shalt  }
0x52: {  	_ =	shalt  }
0x53: {  	_ =	shalt  }
0x54: {  	_ =	shalt  }
0x55: {  	_ =	shalt  }
0x56: {  	_ =	shalt  }
0x57: {  	_ =	shalt  }
0x58: {  	_ =	shalt  }
0x59: {  	_ =	shalt  }
0x5a: {  	_ =	shalt  }
0x5b: {  	_ =	shalt  }
0x5c: {  	_ =	shalt  }
0x5d: {  	_ =	shalt  }
0x5e: {  	_ =	shalt  }
0x5f: {  	_ =	shalt  }
0x60: {  	_ =	shalt  }
0x61: {  	_ =	shalt  }
0x62: {  	_ =	shalt  }
0x63: {  	_ =	shalt  }
0x64: {  	_ =	shalt  }
0x65: {  	_ =	shalt  }
0x66: {  	_ =	shalt  }
0x67: {  	_ =	shalt  }
0x68: {  	_ =	shalt  }
0x69: {  	_ =	shalt  }
0x6a: {  	_ =	shalt  }
0x6b: {  	_ =	shalt  }
0x6c: {  	_ =	shalt  }
0x6d: {  	_ =	shalt  }
0x6e: {  	_ =	shalt  }
0x6f: {  	_ =	shalt  }
0x70: {  	_ =	shalt  }
0x71: {  	_ =	shalt  }
0x72: {  	_ =	shalt  }
0x73: {  	_ =	shalt  }
0x74: {  	_ =	shalt  }
0x75: {  	_ =	shalt  }
0x76: {  	_ =	shalt  }
0x77: {  	_ =	shalt  }
0x78: {  	_ =	shalt  }
0x79: {  	_ =	shalt  }
0x7a: {  	_ =	shalt  }
0x7b: {  	_ =	shalt  }
0x7c: {  	_ =	shalt  }
0x7d: {  	_ =	shalt  }
0x7e: {  	_ =	shalt  }
0x7f: {  	_ =	shalt  }
0x80: {  	_ =	shalt  }
0x81: {  	_ =	shalt  }
0x82: {  	_ =	shalt  }
0x83: {  	_ =	shalt  }
0x84: {  	_ =	shalt  }
0x85: {  	_ =	shalt  }
0x86: {  	_ =	shalt  }
0x87: {  	_ =	shalt  }
.Lfunc_end0:
.L_simem_size_0:
called_computation_lowered:
.L_overlay_start_0:
0x88: {  	s2 =	sld [smem:$0x3FD9]  }
0x89: {  	s3 =	sld [smem:$0x3FFE];
	_ =	sdelay $0x1  }
0x8a: {  	s1 =	srdreg.scid  }
0x8b: {  	s0 =	sand.u32 $0x1, s1  }
0x8c: {  	s17 =	sshll.u32 s0, $0xA;
	s2 =	sadd.s32 s3, s2  }
0x8d: {  	s2 =	sadd.s32 s2, s17  }
0x8e: {  	[smem:$0x3FB6] =	sst s2  }
0x8f: {  	_ = 	snop  }
0x90: {  	s2 =	sld [smem:$0x3FC9]  }
0x91: {  	s18 =	sld [smem:$0x3FC8]  }
0x92: {  	s4 =	sld [smem:$0x3FC7]  }
0x93: {  	s5 =	sld [smem:$0x3FC6]  }
0x94: {  	s6 =	sld [smem:$0x3FBB]  }
0x95: {  	s7 =	sld [smem:$0x3FBA]  }
0x96: {  	s8 =	sld [smem:$0x3FB9]  }
0x97: {  	s9 =	sld [smem:$0x3FB8]  }
0x98: {  	s10 =	sld [smem:$0x3FD0];
	(tm) =	ssettm $0x1  }
0x99: {  	s11 =	sld [smem:$0x3FFB];
	_ =	sdelay $0x3  }
0x9a: {  	_ =	strace s11  }
0x9b: {  	s11 =	sld [smem:$0x3FFC];
	_ =	sdelay $0x3  }
0x9c: {  	_ =	strace s11  }
0x9d: {  	s11 =	sld [smem:$0x3FFD];
	_ =	sdelay $0x3  }
0x9e: {  	_ =	strace s11  }
0x9f: {  	_ =	strace $0x8FFFFFFF  }
0xa0: {  	s19 =	sld [smem:$0x3FDB];
	_ =	sdelay $0x1  }
0xa1: {  	s12 =	simm.s32 $_scs_section_size  }
0xa2: {  	s13 =	simm.s32 $_size__tile_overlayer_lowered;
	s14 =	simm.s32 $_tile_overlayer_lowered  }
0xa3: {  	s22 =	simm.s32 $0x1BFF;
	s21 =	sshll.u32 s14, $0x1;
	s11 =	sadd.s32 s12, s19  }
0xa4: {  	s15 =	simm.s32 $0x0;
	s20 =	sshll.u32 s13, $0x1;
	s13 =	sadd.s32 s21, s11  }
0xa5: {  	[timem:s15], [sflag:s22] =	dma.local [hbm:s13], s20  }
0xa6: {  	_ =	swait.ge [sflag:s22], s20  }
0xa7: {  	s12 =	ssub.s32 $0x0, s20;
	[sflag:s22] =	ssyncset.done $0x0  }
0xa8: {  	[sflag:s22] =	ssyncadd.s32 s12;
	_ =	sdelay $0x1  }
0xa9: {  	s23 =	simm.s32 $0x1B8B  }
0xaa: {  	_ =	swait.ge [sflag:s23], $0x1  }
0xab: {  	[sflag:s23] =	ssyncset.done $0x0  }
0xac: {  	s25 =	simm.s32 $0x1B8E;
	s24 =	sld [smem:$0x3FFE];
	[sflag:s23] =	ssyncadd.s32 $0xFFFFFFFF  }
0xad: {  	s26 =	simm.s32 $execute0_lowered;
	[smem:$0x3FD2] =	sst s25  }
0xae: {  	s13 =	sshll.u32 s26, $0x1;
	_ =	strace $0x80000046;
	[dreg:$0x1] =	wrdreg $0xFFFFFFFF  }
0xaf: {  	s28 =	simm.s32 $_size_execute0_lowered;
	s11 =	sadd.s32 s11, s13;
	[dreg:$0x0] =	wrdreg $0x0  }
0xb0: {  	s13 =	sshll.u32 s28, $0x1;
	[dreg:$0x2] =	wrdreg s11  }
0xb1: {  	[dreg:$0x3] =	wrdreg s13  }
0xb2: {  	[dreg:$0x4] =	wrdreg $0xC0  }
0xb3: {  	_ =	task [dreg:s15], $0x5FFFF  }
0xb4: {  	[dreg:$0x1] =	wrdreg $0xFFFFFFFF  }
0xb5: {  	[dreg:$0x0] =	wrdreg $0x60  }
0xb6: {  	[dreg:$0x2] =	wrdreg s2  }
0xb7: {  	[dreg:$0x3] =	wrdreg s18  }
0xb8: {  	[dreg:$0x4] =	wrdreg s4  }
0xb9: {  	[dreg:$0x5] =	wrdreg s5  }
0xba: {  	[dreg:$0x6] =	wrdreg s24  }
0xbb: {  	[dreg:$0x7] =	wrdreg s6  }
0xbc: {  	[dreg:$0x8] =	wrdreg s7  }
0xbd: {  	[dreg:$0x9] =	wrdreg s8  }
0xbe: {  	[dreg:$0xa] =	wrdreg s9  }
0xbf: {  	[dreg:$0xb] =	wrdreg s10  }
0xc0: {  	[dreg:$0xc] =	wrdreg $0x9  }
0xc1: {  	_ =	task.clear_ibuf [dreg:s15], $0xDFFFF;
	_ =	strace $0x90000046  }
0xc2: {  	s29 =	simm.s32 $0x9;
	_ =	strace $0x80000048  }
0xc3: {  	_ =	swait.ge [sflag:s29], $0x1  }
0xc4: {  	[sflag:s29] =	ssyncadd.s32 $0xFFFFFFFF  }
0xc5: {  	_ =	strace $0x90000048  }
0xc6: {  	_ =	sfence  }
0xc7: {  	s30 =	sld [smem:$0x0];
	_ =	sdelay $0x2  }
0xc8: {  	s31 =	sshll.u32 s1, $0xD;
	s1 =	sshrl.u32 s1, $0x2  }
0xc9: {  	s3 =	sand.u32 $0x4000, s31;
	s1 =	sadd.s32 s1, s30  }
0xca: {  	s0 =	sor.u32 s3, s0;
	s1 =	sshll.u32 s1, $0x11  }
0xcb: {  	s0 =	sor.u32 s1, s0  }
0xcc: {  	s0 =	sadd.s32 $0x8F2B, s0  }
0xcd: {  	[sflag:s0] =	ssyncadd.remote.s32 $0x1  }
0xce: {  	_ =	sfence.sel $0xFFFF  }
0xcf: {  	[dreg:$0x0] =	wrdreg $0xFFFFFFFF;
	(pc) =	sbr.abs _section_cstart, $3  }
0xd0: {  	[dreg:$0x1] =	wrdreg $0xFFFFFFFF  }
0xd1: {  	_ =	task.clear_ibuf [dreg:s15], $0x2FFFF;
	_ =	strace $0x9FFFFFFF  }
0xd2: {  	(tm) =	ssettm $0x7FFFFFFF  }
0xd3: {  	_ =	shalt  }
tec
execute0_lowered:
.L_overlay_start_1:
0x0: {  	(tag) =	ssettag $0x1  }
0x1: {  	v0 =	vlaneseq.u32;
	vm0 =	vcmask $0x300;
	v1 =	vimm.s32 $0xF80  }
0x2: {  	vm1 =	vcmask $0x704;
	v4 =	vimm.s32 $0x1380;
	v5 =	vimm.s32 $0x1780  }
0x3: {  	v6 =	vimm.s32 $0xB80;
	vm2 =	vcmask $0x3B38;
	v2 =	vshrl.u32 v0, $0x3  }
0x4: {  	v3 =	vsel vm0, $0x0, v1;
	v4 =	vsel vm0, $0x400, v4;
	v5 =	vsel vm0, $0x800, v5  }
0x5: {  	v6 =	vsel vm0, $0x0, v6;
	v1 =	vsel vm0, $0x400, v1;
	vm0 =	vcmask $0xB08  }
0x6: {  	v8 =	vor.u32 $0x8, v0;
	v9 =	vmul.u32 $0x80, v0;
	v3 =	vsel vm1, $0x80, v3  }
0x7: {  	v4 =	vsel vm1, $0x480, v4;
	v5 =	vsel vm1, $0x880, v5;
	v6 =	vsel vm1, $0x80, v6  }
0x8: {  	v1 =	vsel vm1, $0x480, v1;
	vm1 =	vcmask $0xF0C;
	v2 =	vmul.u32 $0x8, v2  }
0x9: {  	v3 =	vsel vm0, $0x100, v3;
	v4 =	vsel vm0, $0x500, v4;
	v5 =	vsel vm0, $0x900, v5  }
0xa: {  	v6 =	vsel vm0, $0x100, v6;
	v1 =	vsel vm0, $0x500, v1;
	vm0 =	vcmask $0x1310  }
0xb: {  	s13 =	rddreg [dreg:$0x2];
	v3 =	vsel vm1, $0x180, v3;
	v4 =	vsel vm1, $0x580, v4;
	v5 =	vsel vm1, $0x980, v5  }
0xc: {  	s20 =	rddreg [dreg:$0x4];
	v6 =	vsel vm1, $0x180, v6;
	v1 =	vsel vm1, $0x580, v1;
	vm1 =	vcmask $0x1714  }
0xd: {  	s0 =	rddreg [dreg:$0x5];
	v3 =	vsel vm0, $0x200, v3;
	v4 =	vsel vm0, $0x600, v4;
	v5 =	vsel vm0, $0xA00, v5  }
0xe: {  	s1 =	rddreg [dreg:$0x6];
	v6 =	vsel vm0, $0x200, v6;
	v1 =	vsel vm0, $0x600, v1;
	vm0 =	vcmask $0x1B18  }
0xf: {  	s2 =	rddreg [dreg:$0x7];
	v3 =	vsel vm1, $0x280, v3;
	v4 =	vsel vm1, $0x680, v4;
	v5 =	vsel vm1, $0xA80, v5  }
0x10: {  	s5 =	rddreg [dreg:$0x8];
	v6 =	vsel vm1, $0x280, v6;
	v1 =	vsel vm1, $0x680, v1;
	vm1 =	vcmask $0x1F1C  }
0x11: {  	s6 =	rddreg [dreg:$0x9];
	s3 =	simm.s32 $0x0;
	v3 =	vsel vm0, $0x300, v3;
	v4 =	vsel vm0, $0x700, v4;
	v5 =	vsel vm0, $0xB00, v5  }
0x12: {  	s7 =	srdreg.scid;
	s4 =	stileid.u32;
	s28 =	simm.s32 $0x3800;
	v6 =	vsel vm0, $0x300, v6;
	v1 =	vsel vm0, $0x700, v1;
	vm0 =	vcmask $0x2320  }
0x13: {  	s29 =	simm.s32 $0x4000;
	s30 =	simm.s32 $0x8800;
	s17 =	simm.s32 $0xB800;
	v3 =	vsel vm1, $0x380, v3;
	v4 =	vsel vm1, $0x780, v4;
	v5 =	vsel vm1, $0xB80, v5  }
0x14: {  	s31 =	simm.s32 $0x4800;
	s12 =	simm.s32 $0x8000;
	s14 =	simm.s32 $0xA000;
	v6 =	vsel vm1, $0x380, v6;
	v1 =	vsel vm1, $0x780, v1;
	vm1 =	vcmask $0x2724  }
0x15: {  	s16 =	simm.s32 $0xC800;
	s18 =	simm.s32 $0x1;
	[smem:$0x7FF] =	sst s3;
	v3 =	vsel vm0, $0xC00, v3;
	v4 =	vsel vm0, $0x1000, v4;
	v5 =	vsel vm0, $0x1400, v5  }
0x16: {  	s7 =	sand.u32 $0x1, s7;
	s10 =	sshll.u32 s4, $0x7;
	s19 =	sadd.s32 $0x2E00, s20;
	v6 =	vsel vm0, $0x800, v6;
	v1 =	vsel vm0, $0xC00, v1;
	vm0 =	vcmask $0x2B28  }
0x17: {  	s24 =	sadd.s32 $0x2F00, s20;
	_ =	strace $0x80000047;
	[dreg:$0xb] =	wrdreg s19;
	v3 =	vsel vm1, $0xC80, v3;
	v4 =	vsel vm1, $0x1080, v4;
	v5 =	vsel vm1, $0x1480, v5  }
0x18: {  	s9 =	ssub.s32 $0x2, s7;
	s7 =	sshll.u32 s7, $0x6;
	[dreg:$0x10] =	wrdreg s24;
	v6 =	vsel vm1, $0x880, v6;
	v1 =	vsel vm1, $0xC80, v1;
	vm1 =	vcmask $0x2F2C  }
0x19: {  	s24 =	simm.s32 $0x2000;
	s19 =	simm.s32 $0x6000;
	s11 =	sshrl.u32 s9, $0x1;
	v3 =	vsel vm0, $0xD00, v3;
	v4 =	vsel vm0, $0x1100, v4;
	v5 =	vsel vm0, $0x1500, v5  }
0x1a: {  	s7 =	sor.u32 s7, s10;
	s10 =	simm.s32 $0x7000;
	s9 =	ssub.s32 s9, s11;
	v6 =	vsel vm0, $0x900, v6;
	v1 =	vsel vm0, $0xD00, v1;
	vm0 =	vcmask $0x3330  }
0x1b: {  	s0 =	sadd.s32 s0, s7;
	s21 =	sadd.s32 s1, s7;
	s22 =	sadd.s32 s2, s7;
	v3 =	vsel vm1, $0xD80, v3;
	v4 =	vsel vm1, $0x1180, v4;
	v5 =	vsel vm1, $0x1580, v5  }
0x1c: {  	s23 =	sadd.s32 s5, s7;
	s25 =	sadd.s32 s6, s7;
	[dreg:$0xc] =	wrdreg s0;
	v6 =	vsel vm1, $0x980, v6;
	v7 =	vsel vm1, $0xD80, v1;
	vm1 =	vcmask $0x3734  }
0x1d: {  	s1 =	simm.s32 $0x3;
	s5 =	simm.s32 $0x5000;
	[dreg:$0xd] =	wrdreg s21;
	v1 =	vand.u32 $0x7, v0;
	v3 =	vsel vm0, $0xE00, v3;
	v4 =	vsel vm0, $0x1200, v4  }
0x1e: {  	s7 =	simm.s32 $0x5800;
	s11 =	simm.s32 $0x7800;
	[dreg:$0xe] =	wrdreg s22;
	v5 =	vsel vm0, $0x1600, v5;
	v6 =	vsel vm0, $0xA00, v6;
	v7 =	vsel vm0, $0xE00, v7  }
0x1f: {  	s6 =	simm.s32 $0x2;
	s2 =	simm.s32 $0x0;
	[dreg:$0xf] =	wrdreg s23;
	vm0 =	vmmov $0xffff;
	v3 =	vsel vm1, $0xE80, v3;
	v4 =	vsel vm1, $0x1280, v4  }
0x20: {  	[dreg:$0x11] =	wrdreg s25;
	s26 =	smax.u32 s9, $0x1;
	s21 =	simm.s32 $0x800;
	v5 =	vsel vm1, $0x1680, v5;
	v6 =	vsel vm1, $0xA80, v6;
	v7 =	vsel vm1, $0xE80, v7  }
0x21: {  	s22 =	simm.s32 $0x1000;
	s23 =	simm.s32 $0x1800;
	s25 =	simm.s32 $0x2800;
	vm1 =	vmmov $0xff;
	v3 =	vsel vm2, $0xF00, v3;
	v4 =	vsel vm2, $0x1300, v4  }
0x22: {  	s9 =	simm.s32 $0x6800;
	[dreg:$0x12] =	wrdreg s26;
	s26 =	simm.s32 $0x3000;
	v5 =	vsel vm2, $0x1700, v5;
	v6 =	vsel vm2, $0xB00, v6;
	v7 =	vsel vm2, $0xF00, v7  }
.LBB2_1:
0x23: {  	[dreg:$0x13] =	wrdreg s2  }
0x24: {  	s0 =	rddreg [dreg:$0xc]  }
0x25: {  	[tilespmem:s3], [sflag:$0x3] =	stream.linear.gather [hbm4b:s0+s3], $0x200, $0x38;
	[tilespmem:$0xDA00] =	vst v63  }
0x26: {  	_ =	swait.ge [sflag:s1], $0x200  }
0x27: {  	[sflag:s1] =	ssyncset.done $0x0  }
0x28: {  	s4 =	simm.s32 $0x200;
	s2 =	rddreg [dreg:$0xd];
	[sflag:s1] =	ssyncadd.s32 $0xFFFFFE00  }
0x29: {  	[tilespmem:s4], [sflag:$0x3] =	stream.linear.gather [hbm4b:s2+s3], $0x200, $0x38;
	[tilespmem:$0xDA00] =	vst v63  }
0x2a: {  	_ =	swait.ge [sflag:s1], $0x200  }
0x2b: {  	[sflag:s1] =	ssyncset.done $0x0  }
0x2c: {  	s2 =	simm.s32 $0x400;
	s8 =	rddreg [dreg:$0xe];
	[sflag:s1] =	ssyncadd.s32 $0xFFFFFE00  }
0x2d: {  	[tilespmem:s2], [sflag:$0x3] =	stream.linear.gather [hbm4b:s8+s3], $0x200, $0x38;
	[tilespmem:$0xDA00] =	vst v63  }
0x2e: {  	_ =	swait.ge [sflag:s1], $0x200  }
0x2f: {  	[sflag:s1] =	ssyncset.done $0x0  }
0x30: {  	s4 =	simm.s32 $0x600;
	s15 =	rddreg [dreg:$0xf];
	[sflag:s1] =	ssyncadd.s32 $0xFFFFFE00  }
0x31: {  	[tilespmem:s4], [sflag:$0x3] =	stream.linear.gather [hbm4b:s15+s3], $0x200, $0x38;
	[tilespmem:$0xDA00] =	vst v63  }
0x32: {  	_ =	swait.ge [sflag:s1], $0x200  }
0x33: {  	[sflag:s1] =	ssyncset.done $0x0  }
0x34: {  	[sflag:s1] =	ssyncadd.s32 $0xFFFFFE00  }
0x35: {  	s15 =	simm.s32 $0x10;
	s8 =	rddreg [dreg:$0x0]  }
0x36: {  	[tilespmem:s21], [sflag:$0x1] =	stream.indirect.gather [hbm4b:s8+s15], $0x80, s3, s15, $0xb8;
	[tilespmem:$0xDA00] =	vst v63  }
0x37: {  	s1 =	rddreg [dreg:$0x1]  }
0x38: {  	[tilespmem:s22], [sflag:$0x1] =	stream.indirect.gather [hbm4b:s1+s15], $0x80, s3, s15, $0xb8;
	[tilespmem:$0xDA00] =	vst v63  }
0x39: {  	_ = 	snop  }
0x3a: {  	[tilespmem:s23], [sflag:$0x1] =	stream.indirect.gather [hbm4b:s8+s15], $0x80, s2, s15, $0xb8;
	[tilespmem:$0xDA00] =	vst v63  }
0x3b: {  	_ = 	snop  }
0x3c: {  	[tilespmem:s24], [sflag:$0x1] =	stream.indirect.gather [hbm4b:s1+s15], $0x80, s2, s15, $0xb8;
	[tilespmem:$0xDA00] =	vst v63  }
0x3d: {  	_ = 	snop  }
0x3e: {  	[tilespmem:s25], [sflag:$0x1] =	stream.indirect.gather [hbm4b:s13+s15], $0x80, s3, s15, $0xb8;
	[tilespmem:$0xDA00] =	vst v63  }
0x3f: {  	s1 =	rddreg [dreg:$0x3]  }
0x40: {  	[tilespmem:s26], [sflag:$0x1] =	stream.indirect.gather [hbm4b:s1+s15], $0x80, s3, s15, $0xb8;
	[tilespmem:$0xDA00] =	vst v63  }
0x41: {  	_ = 	snop  }
0x42: {  	[tilespmem:s28], [sflag:$0x1] =	stream.indirect.gather [hbm4b:s13+s15], $0x80, s2, s15, $0xb8;
	[tilespmem:$0xDA00] =	vst v63  }
0x43: {  	_ = 	snop  }
0x44: {  	[tilespmem:s29], [sflag:$0x1] =	stream.indirect.gather [hbm4b:s1+s15], $0x80, s2, s15, $0xb8;
	[tilespmem:$0xDA00] =	vst v63  }
0x45: {  	v10 =	vld [tilespmem:$0x200];
	_ =	sdelay $0x4  }
0x46: {  	v11 =	vshrl.u32 v10, $0x3  }
0x47: {  	v11 =	vmul.u32 $0x18, v11  }
0x48: {  	v10 =	vand.u32 $0x7, v10  }
0x49: {  	v10 =	vor.u32 v10, v11  }
0x4a: {  	v11 =	vperm.xlane v10, v1;
	_ =	sdelay $0x1  }
0x4b: {  	v11 =	vadd.s32 v2, v11;
	_ =	sdelay $0x1  }
0x4c: {  	v10 =	vperm.xlane v10, v8;
	_ =	sdelay $0x1  }
0x4d: {  	s8 =	rddreg [dreg:$0xb];
	v10 =	vadd.s32 v2, v10  }
0x4e: {  	[tilespmem:s30], [sflag:$0x1] =	stream.indirect_vreg.gather [hbm4b:s8+s3], $0x80, v11, vm0, $0xb8;
	[tilespmem:$0xDA00] =	vst v63  }
0x4f: {  	s1 =	rddreg [dreg:$0x10];
	s15 =	simm.s32 $0x9000  }
0x50: {  	[tilespmem:s15], [sflag:$0x1] =	stream.indirect_vreg.gather [hbm4b:s1+s3], $0x80, v11, vm1, $0xb8;
	[tilespmem:$0xDA00] =	vst v63  }
0x51: {  	s4 =	simm.s32 $0x9400  }
0x52: {  	[tilespmem:s4], [sflag:$0x1] =	stream.indirect_vreg.gather [hbm4b:s8+s3], $0x80, v10, vm0, $0xb8;
	[tilespmem:$0xDA00] =	vst v63  }
0x53: {  	s8 =	simm.s32 $0x9C00  }
0x54: {  	[tilespmem:s8], [sflag:$0x1] =	stream.indirect_vreg.gather [hbm4b:s1+s3], $0x80, v10, vm1, $0xb8;
	[tilespmem:$0xDA00] =	vst v63  }
0x55: {  	v10 =	vld [tilespmem:$0x600];
	_ =	sdelay $0x4  }
0x56: {  	v11 =	vshll.u32 v10, $0x1  }
0x57: {  	v10 =	vand.u32 $0x7, v10;
	v11 =	vand.u32 $0xFFFFFFF0, v11  }
0x58: {  	v10 =	vor.u32 v10, v11  }
0x59: {  	v11 =	vperm.xlane v10, v1;
	_ =	sdelay $0x1  }
0x5a: {  	v10 =	vperm.xlane v10, v8;
	v11 =	vadd.s32 v2, v11;
	_ =	sdelay $0x1  }
0x5b: {  	v10 =	vadd.s32 v2, v10;
	_ =	sdelay $0x2  }
0x5c: {  	[tilespmem:s17], [sflag:$0x1] =	stream.indirect_vreg.gather [hbm4b:s20+s3], $0x80, v11, vm0, $0xb8;
	[tilespmem:$0xDA00] =	vst v63  }
0x5d: {  	s15 =	simm.s32 $0xC000  }
0x5e: {  	[tilespmem:s15], [sflag:$0x1] =	stream.indirect_vreg.gather [hbm4b:s20+s3], $0x80, v10, vm0, $0xb8;
	[tilespmem:$0xDA00] =	vst v63  }
0x5f: {  	s15 =	simm.s32 $0x0  }
.LBB2_2:
0x60: {  	s1 =	sshll.u32 s15, $0x5  }
0x61: {  	s3 =	rddreg [dreg:$0x0];
	s0 =	simm.s32 $0x10;
	s8 =	sor.u32 $0x10, s1  }
0x62: {  	[tilespmem:s31], [sflag:$0x2] =	stream.indirect.gather [hbm4b:s3+s0], $0x80, s8, s0, $0xb8;
	[tilespmem:$0xDA00] =	vst v63  }
0x63: {  	s4 =	rddreg [dreg:$0x1]  }
0x64: {  	[tilespmem:s5], [sflag:$0x2] =	stream.indirect.gather [hbm4b:s4+s0], $0x80, s8, s0, $0xb8;
	[tilespmem:$0xDA00] =	vst v63  }
0x65: {  	s2 =	sadd.s32 $0x410, s1  }
0x66: {  	[tilespmem:s7], [sflag:$0x2] =	stream.indirect.gather [hbm4b:s3+s0], $0x80, s2, s0, $0xb8;
	[tilespmem:$0xDA00] =	vst v63  }
0x67: {  	_ = 	snop  }
0x68: {  	[tilespmem:s19], [sflag:$0x2] =	stream.indirect.gather [hbm4b:s4+s0], $0x80, s2, s0, $0xb8;
	[tilespmem:$0xDA00] =	vst v63  }
0x69: {  	_ = 	snop  }
0x6a: {  	[tilespmem:s9], [sflag:$0x2] =	stream.indirect.gather [hbm4b:s13+s0], $0x80, s8, s0, $0xb8;
	[tilespmem:$0xDA00] =	vst v63  }
0x6b: {  	s4 =	rddreg [dreg:$0x3]  }
0x6c: {  	[tilespmem:s10], [sflag:$0x2] =	stream.indirect.gather [hbm4b:s4+s0], $0x80, s8, s0, $0xb8;
	[tilespmem:$0xDA00] =	vst v63  }
0x6d: {  	_ = 	snop  }
0x6e: {  	[tilespmem:s11], [sflag:$0x2] =	stream.indirect.gather [hbm4b:s13+s0], $0x80, s2, s0, $0xb8;
	[tilespmem:$0xDA00] =	vst v63  }
0x6f: {  	_ = 	snop  }
0x70: {  	[tilespmem:s12], [sflag:$0x2] =	stream.indirect.gather [hbm4b:s4+s0], $0x80, s2, s0, $0xb8;
	[tilespmem:$0xDA00] =	vst v63  }
0x71: {  	v10 =	vld [tilespmem:s1+$0x210];
	_ =	sdelay $0x4  }
0x72: {  	v11 =	vshrl.u32 v10, $0x3  }
0x73: {  	v11 =	vmul.u32 $0x18, v11  }
0x74: {  	v10 =	vand.u32 $0x7, v10  }
0x75: {  	v10 =	vor.u32 v10, v11  }
0x76: {  	v11 =	vperm.xlane v10, v1;
	_ =	sdelay $0x1  }
0x77: {  	v11 =	vadd.s32 v2, v11;
	_ =	sdelay $0x1  }
0x78: {  	v10 =	vperm.xlane v10, v8  }
0x79: {  	[dreg:$0x14] =	wrdreg s8  }
0x7a: {  	s3 =	rddreg [dreg:$0xb];
	s2 =	simm.s32 $0x0;
	v10 =	vadd.s32 v2, v10  }
0x7b: {  	[tilespmem:s14], [sflag:$0x2] =	stream.indirect_vreg.gather [hbm4b:s3+s2], $0x80, v11, vm0, $0xb8;
	[tilespmem:$0xDA00] =	vst v63  }
0x7c: {  	s8 =	simm.s32 $0xA800;
	s4 =	rddreg [dreg:$0x10]  }
0x7d: {  	[tilespmem:s8], [sflag:$0x2] =	stream.indirect_vreg.gather [hbm4b:s4+s2], $0x80, v11, vm1, $0xb8;
	[tilespmem:$0xDA00] =	vst v63  }
0x7e: {  	s13 =	simm.s32 $0xAC00  }
0x7f: {  	[tilespmem:s13], [sflag:$0x2] =	stream.indirect_vreg.gather [hbm4b:s3+s2], $0x80, v10, vm0, $0xb8;
	[tilespmem:$0xDA00] =	vst v63  }
0x80: {  	s8 =	simm.s32 $0xB400  }
0x81: {  	[tilespmem:s8], [sflag:$0x2] =	stream.indirect_vreg.gather [hbm4b:s4+s2], $0x80, v10, vm1, $0xb8;
	[tilespmem:$0xDA00] =	vst v63  }
0x82: {  	v10 =	vld [tilespmem:s1+$0x610];
	_ =	sdelay $0x4  }
0x83: {  	v11 =	vshll.u32 v10, $0x1  }
0x84: {  	v10 =	vand.u32 $0x7, v10;
	v11 =	vand.u32 $0xFFFFFFF0, v11  }
0x85: {  	v10 =	vor.u32 v10, v11  }
0x86: {  	v11 =	vperm.xlane v10, v1;
	_ =	sdelay $0x1  }
0x87: {  	v10 =	vperm.xlane v10, v8;
	v11 =	vadd.s32 v2, v11;
	_ =	sdelay $0x1  }
0x88: {  	v10 =	vadd.s32 v2, v10;
	_ =	sdelay $0x2  }
0x89: {  	[tilespmem:s16], [sflag:$0x2] =	stream.indirect_vreg.gather [hbm4b:s20+s2], $0x80, v11, vm0, $0xb8;
	[tilespmem:$0xDA00] =	vst v63  }
0x8a: {  	s13 =	simm.s32 $0xD000  }
0x8b: {  	[tilespmem:s13], [sflag:$0x2] =	stream.indirect_vreg.gather [hbm4b:s20+s2], $0x80, v10, vm0, $0xb8;
	[tilespmem:$0xDA00] =	vst v63  }
0x8c: {  	_ =	swait.ge [sflag:s18], $0x800  }
0x8d: {  	[sflag:s18] =	ssyncset.done $0x0  }
0x8e: {  	[sflag:s18] =	ssyncadd.s32 $0xFFFFF800  }
0x8f: {  	_ =	swait.ge [sflag:s18], $0x800  }
0x90: {  	[sflag:s18] =	ssyncset.done $0x0  }
0x91: {  	[sflag:s18] =	ssyncadd.s32 $0xFFFFF800  }
0x92: {  	_ =	swait.ge [sflag:s18], $0x800  }
0x93: {  	[sflag:s18] =	ssyncset.done $0x0  }
0x94: {  	[sflag:s18] =	ssyncadd.s32 $0xFFFFF800  }
0x95: {  	_ =	swait.ge [sflag:s18], $0x800  }
0x96: {  	[sflag:s18] =	ssyncset.done $0x0  }
0x97: {  	[sflag:s18] =	ssyncadd.s32 $0xFFFFF800  }
0x98: {  	_ =	swait.ge [sflag:s18], $0x800  }
0x99: {  	[sflag:s18] =	ssyncset.done $0x0  }
0x9a: {  	[sflag:s18] =	ssyncadd.s32 $0xFFFFF800  }
0x9b: {  	_ =	swait.ge [sflag:s18], $0x800  }
0x9c: {  	[sflag:s18] =	ssyncset.done $0x0  }
0x9d: {  	[sflag:s18] =	ssyncadd.s32 $0xFFFFF800  }
0x9e: {  	_ =	swait.ge [sflag:s18], $0x800  }
0x9f: {  	[sflag:s18] =	ssyncset.done $0x0  }
0xa0: {  	[sflag:s18] =	ssyncadd.s32 $0xFFFFF800  }
0xa1: {  	_ =	swait.ge [sflag:s18], $0x800  }
0xa2: {  	s20 =	simm.s32 $0x1;
	[sflag:s18] =	ssyncset.done $0x0  }
0xa3: {  	v10 =	vadd.s32 s20, v0;
	[sflag:s18] =	ssyncadd.s32 $0xFFFFF800  }
0xa4: {  	v14 =	vand.u32 $0x7F, v10;
	_ =	swait.ge [sflag:s18], $0x1800  }
0xa5: {  	v10 =	vor.u32 v4, v14;
	[sflag:s18] =	ssyncset.done $0x0  }
0xa6: {  	v11 =	vor.u32 v9, v14;
	[sflag:s18] =	ssyncadd.s32 $0xFFFFE800  }
0xa7: {  	_ =	swait.ge [sflag:s18], $0x1000  }
0xa8: {  	v12 =	vor.u32 v5, v14;
	[sflag:s18] =	ssyncset.done $0x0  }
0xa9: {  	[sflag:s18] =	ssyncadd.s32 $0xFFFFF000  }
0xaa: {  	v15 =	vor.u32 v3, v14;
	v18 =	vld.idx.msk [tilespmem:v10+s30+$0x0], $0xffff  }
0xab: {  	v13 =	vadd.s32 s2, v0;
	v10 =	vld.idx.msk [tilespmem:v11+s23+$0x0], $0xffff  }
0xac: {  	v23 =	vand.u32 $0x7F, v13;
	v16 =	vor.u32 v6, v14;
	v17 =	vld.idx.msk [tilespmem:v11+s24+$0x0], $0xffff  }
0xad: {  	v24 =	vor.u32 v3, v23;
	v22 =	vld.idx.msk [tilespmem:v12+s30+$0x0], $0xffff  }
0xae: {  	v30 =	vor.u32 v4, v23;
	v20 =	vld.idx.msk [tilespmem:v11+s21+$0x0], $0xffff  }
0xaf: {  	v31 =	vor.u32 v5, v23;
	v26 =	vld.idx.msk [tilespmem:v15+s30+$0x0], $0xffff  }
0xb0: {  	v15 =	vld.idx.msk [tilespmem:v11+s22+$0x0], $0xffff  }
0xb1: {  	v28 =	vld.idx.msk [tilespmem:v16+s17+$0x0], $0xffff  }
0xb2: {  	v35 =	vld.idx.msk [tilespmem:v24+s30+$0x0], $0xffff  }
0xb3: {  	v13 =	vor.u32 v9, v23;
	v30 =	vld.idx.msk [tilespmem:v30+s30+$0x0], $0xffff  }
0xb4: {  	v29 =	vor.u32 v6, v23;
	v23 =	vor.u32 v7, v23;
	v27 =	vor.u32 v7, v14;
	v47 =	vld.idx.msk [tilespmem:v31+s30+$0x0], $0xffff  }
0xb5: {  	v25 =	vld.idx.msk [tilespmem:v11+s26+$0x0], $0xffff;
	v12 =	vimm.f32 $0.0e+00;
	v16 =	vunpack.i.u.bf16.f32 v18;
	v18 =	vunpack.i.l.bf16.f32 v18  }
0xb6: {  	v21 =	vld.idx.msk [tilespmem:v11+s25+$0x0], $0xffff;
	v14 =	vunpack.i.l.bf16.f32 v22;
	v32 =	vunpack.i.u.bf16.f32 v22;
	v34 =	vunpack.i.u.bf16.f32 v26  }
0xb7: {  	v44 =	vunpack.i.u.bf16.f32 v28;
	v50 =	vunpack.i.l.bf16.f32 v35;
	v33 =	vmul.f32 v16, v20  }
0xb8: {  	v36 =	vld.idx.msk [tilespmem:v13+s21+$0x0], $0xffff;
	v51 =	vunpack.i.u.bf16.f32 v30;
	v38 =	vmul.f32 v14, v10;
	v39 =	vmul.f32 v32, v17  }
0xb9: {  	v42 =	vld.idx.msk [tilespmem:v27+s17+$0x0], $0xffff;
	v62 =	vunpack.i.u.bf16.f32 v47;
	v41 =	vmul.f32 v14, v17;
	v27 =	vmul.f32 v18, v15  }
0xba: {  	v43 =	vld.idx.msk [tilespmem:v29+s17+$0x0], $0xffff;
	v14 =	vunpack.i.l.bf16.f32 v28;
	v24 =	vmul.f32 v34, v15;
	v40 =	vmul.f32 v44, v25  }
0xbb: {  	v19 =	vld.idx.msk [tilespmem:v13+s26+$0x0], $0xffff;
	v48 =	vmul.f32 v34, v20;
	v34 =	vunpack.i.u.bf16.f32 v35;
	v35 =	vmul.f32 v44, v21  }
0xbc: {  	v31 =	vld.idx.msk [tilespmem:v13+s23+$0x0], $0xffff;
	v55 =	vunpack.i.l.bf16.f32 v30;
	v37 =	vmul.f32 v14, v21;
	v29 =	vmul.f32 v14, v25  }
0xbd: {  	v28 =	vunpack.i.l.bf16.f32 v26;
	v26 =	vld.idx.msk [tilespmem:v13+s22+$0x0], $0xffff;
	v25 =	vmul.f32 v18, v20;
	v18 =	vmul.f32 v32, v10  }
0xbe: {  	v22 =	vld.idx.msk [tilespmem:v13+s25+$0x0], $0xffff;
	v53 =	vunpack.i.u.bf16.f32 v42;
	v32 =	vmul.f32 v50, v36;
	v45 =	vmul.f32 v34, v36  }
0xbf: {  	v63 =	vmul.f32 v28, v15;
	v49 =	vadd.f32 v27, v33;
	v27 =	vunpack.i.u.bf16.f32 v43  }
0xc0: {  	v33 =	vld.idx.msk [tilespmem:v13+s24+$0x0], $0xffff;
	v30 =	vsub.f32 v38, v39;
	v39 =	vmul.f32 v51, v36;
	v37 =	vsub.f32 v37, v40  }
0xc1: {  	v40 =	vld.idx.msk [tilespmem:v23+s17+$0x0], $0xffff;
	v46 =	vadd.f32 v41, v18;
	v23 =	vunpack.i.l.bf16.f32 v43;
	v56 =	vmul.f32 v27, v19  }
0xc2: {  	v18 =	vunpack.i.l.bf16.f32 v42;
	v41 =	vmul.f32 v62, v31;
	v52 =	vmul.f32 v51, v26;
	v51 =	vld.idx.msk [tilespmem:v11+s28+$0x0], $0xffff  }
0xc3: {  	v43 =	vunpack.i.l.bf16.f32 v47;
	v54 =	vmul.f32 v23, v22;
	v21 =	vmul.f32 v44, v49  }
0xc4: {  	v48 =	vadd.f32 v63, v48;
	v49 =	vmul.f32 v55, v36;
	v30 =	vmul.f32 v18, v30  }
0xc5: {  	v18 =	vimm.f32 $0.0e+00;
	v50 =	vmul.f32 v50, v26;
	v42 =	vmul.f32 v55, v26  }
0xc6: {  	s2 =	simm.s32 $0x2;
	v36 =	vld.idx.msk [tilespmem:v13+s28+$0x0], $0xffff;
	v47 =	vsub.f32 v54, v56;
	v44 =	vmul.f32 v62, v33;
	v38 =	vunpack.i.l.bf16.f32 v40  }
.LBB2_3:
0xc7: {  	p0 =	slt.u32 s2, $0x7E;
	v45 =	vadd.f32 v50, v45;
	v46 =	vmul.f32 v53, v46;
	v37 =	vmul.f32 v37, v51;
	s3 =	smov.u32 s2;
	s2 =	sadd.s32 $0x2, s2  }
0xc8: {  	v40 =	vunpack.i.u.bf16.f32 v40;
	v20 =	vmul.f32 v28, v20;
	v49 =	vsub.f32 v49, v52  }
0xc9: {  	v29 =	vadd.f32 v29, v35;
	s4 =	sadd.s32 $0x1, s3;
	v28 =	vmul.f32 v45, v33;
	v45 =	vmul.f32 v43, v31  }
0xca: {  	v35 =	vadd.s32 s4, v0;
	v33 =	vmul.f32 v43, v33;
	v43 =	vmul.f32 v48, v17  }
0xcb: {  	v17 =	vmul.f32 v34, v26;
	v35 =	vand.u32 $0x7F, v35;
	v26 =	vsub.f32 v45, v44  }
0xcc: {  	v22 =	vmul.f32 v27, v22;
	v34 =	vor.u32 v3, v35;
	v44 =	vor.u32 v4, v35;
	v45 =	vld.idx.msk [tilespmem:v11+s29+$0x0], $0xffff  }
0xcd: {  	v36 =	vmul.f32 v47, v36;
	v48 =	vor.u32 v6, v35;
	v11 =	vor.u32 v9, v35;
	v13 =	vld.idx.msk [tilespmem:v13+s29+$0x0], $0xffff  }
0xce: {  	v47 =	vor.u32 v5, v35;
	v17 =	vsub.f32 v32, v17;
	v26 =	vmul.f32 v38, v26  }
0xcf: {  	v19 =	vmul.f32 v23, v19;
	v15 =	vmul.f32 v16, v15;
	v20 =	vsub.f32 v20, v24  }
0xd0: {  	v24 =	vadd.f32 v33, v41;
	v16 =	vmul.f32 v17, v31;
	v17 =	vadd.f32 v42, v39  }
0xd1: {  	v19 =	vadd.f32 v19, v22;
	v15 =	vsub.f32 v25, v15;
	v20 =	vmul.f32 v20, v10;
	v31 =	vld.idx.msk [tilespmem:v44+s30+$0x0], $0xffff  }
0xd2: {  	v22 =	vadd.f32 v28, v16;
	v25 =	vmul.f32 v27, v17;
	v16 =	vmul.f32 v29, v45;
	v10 =	vld.idx.msk [tilespmem:v11+s23+$0x0], $0xffff  }
0xd3: {  	v24 =	vmul.f32 v40, v24;
	v17 =	vadd.s32 s3, v0;
	v19 =	vmul.f32 v19, v13;
	v27 =	vld.idx.msk [tilespmem:v11+s25+$0x0], $0xffff  }
0xd4: {  	v30 =	vadd.f32 v30, v46;
	v28 =	vadd.f32 v43, v20;
	v29 =	vand.u32 $0x7F, v17;
	v17 =	vld.idx.msk [tilespmem:v11+s24+$0x0], $0xffff  }
0xd5: {  	v24 =	vadd.f32 v26, v24;
	v13 =	vor.u32 v9, v29;
	v32 =	vor.u32 v6, v29;
	v33 =	vld.idx.msk [tilespmem:v11+s26+$0x0], $0xffff  }
0xd6: {  	v38 =	vor.u32 v4, v29;
	v39 =	vor.u32 v5, v29;
	v37 =	vadd.f32 v16, v37;
	v26 =	vld.idx.msk [tilespmem:v47+s30+$0x0], $0xffff  }
0xd7: {  	v23 =	vmul.f32 v23, v49;
	v40 =	vor.u32 v3, v29;
	v16 =	vunpack.i.u.bf16.f32 v31;
	v20 =	vld.idx.msk [tilespmem:v11+s21+$0x0], $0xffff  }
0xd8: {  	v14 =	vmul.f32 v14, v15;
	v19 =	vadd.f32 v19, v36;
	v31 =	vunpack.i.l.bf16.f32 v31;
	v34 =	vld.idx.msk [tilespmem:v34+s30+$0x0], $0xffff  }
0xd9: {  	v35 =	vor.u32 v7, v35;
	v23 =	vadd.f32 v23, v25;
	v25 =	vmul.f32 $5.000000000e+00, v37;
	v15 =	vld.idx.msk [tilespmem:v11+s22+$0x0], $0xffff  }
0xda: {  	v14 =	vadd.f32 v14, v21;
	v37 =	vmul.f32 $5.000000000e+00, v19;
	v36 =	vld.idx.msk [tilespmem:v48+s17+$0x0], $0xffff  }
0xdb: {  	v21 =	vadd.f32 v23, v22;
	v23 =	vadd.f32 v25, v30;
	v41 =	vld.idx.msk [tilespmem:v13+s21+$0x0], $0xffff  }
0xdc: {  	v42 =	vadd.f32 v14, v28;
	v30 =	vunpack.i.u.bf16.f32 v26;
	v25 =	vunpack.i.l.bf16.f32 v26;
	v19 =	vld.idx.msk [tilespmem:v13+s26+$0x0], $0xffff  }
0xdd: {  	v14 =	vadd.f32 v37, v24;
	v43 =	vmul.f32 v16, v20;
	v47 =	vmul.f32 v25, v10;
	v26 =	vld.idx.msk [tilespmem:v13+s22+$0x0], $0xffff  }
0xde: {  	v48 =	vmul.f32 v30, v17;
	v44 =	vmul.f32 v25, v17;
	v37 =	vunpack.i.u.bf16.f32 v34;
	v22 =	vld.idx.msk [tilespmem:v13+s25+$0x0], $0xffff  }
0xdf: {  	v12 =	vadd.f32 v21, v12;
	v18 =	vadd.f32 v14, v18;
	v28 =	vunpack.i.l.bf16.f32 v34;
	v40 =	vld.idx.msk [tilespmem:v40+s30+$0x0], $0xffff  }
0xe0: {  	v21 =	vor.u32 v7, v29;
	v25 =	vmul.f32 v31, v15;
	v14 =	vunpack.i.l.bf16.f32 v36;
	v52 =	vld.idx.msk [tilespmem:v35+s17+$0x0], $0xffff  }
0xe1: {  	v24 =	vmul.f32 v37, v15;
	v50 =	vunpack.i.u.bf16.f32 v36;
	v49 =	vld.idx.msk [tilespmem:v32+s17+$0x0], $0xffff;
	v32 =	vmul.f32 v14, v27  }
0xe2: {  	v18 =	vadd.f32 v23, v18;
	v34 =	vmul.f32 v50, v33;
	v29 =	vmul.f32 v14, v33;
	v38 =	vld.idx.msk [tilespmem:v38+s30+$0x0], $0xffff  }
0xe3: {  	v12 =	vadd.f32 v42, v12;
	v53 =	vmul.f32 v37, v20;
	v43 =	vadd.f32 v25, v43;
	v39 =	vld.idx.msk [tilespmem:v39+s30+$0x0], $0xffff  }
0xe4: {  	v23 =	vmul.f32 v30, v10;
	v25 =	vmul.f32 v31, v20;
	v37 =	vsub.f32 v32, v34;
	v33 =	vld.idx.msk [tilespmem:v13+s24+$0x0], $0xffff  }
0xe5: {  	v35 =	vmul.f32 v50, v27;
	v34 =	vunpack.i.u.bf16.f32 v40;
	v30 =	vunpack.i.l.bf16.f32 v40;
	v40 =	vld.idx.msk [tilespmem:v21+s17+$0x0], $0xffff  }
0xe6: {  	v46 =	vadd.f32 v44, v23;
	v32 =	vmul.f32 v30, v41;
	v45 =	vmul.f32 v34, v41;
	v36 =	vld.idx.msk [tilespmem:v13+s28+$0x0], $0xffff  }
0xe7: {  	v42 =	vunpack.i.l.bf16.f32 v52;
	v27 =	vunpack.i.u.bf16.f32 v49;
	v23 =	vunpack.i.l.bf16.f32 v49;
	v31 =	vld.idx.msk [tilespmem:v13+s23+$0x0], $0xffff  }
0xe8: {  	v21 =	vmul.f32 v50, v43;
	v54 =	vunpack.i.u.bf16.f32 v38;
	v55 =	vmul.f32 v23, v22  }
0xe9: {  	v56 =	vunpack.i.u.bf16.f32 v39;
	v43 =	vunpack.i.l.bf16.f32 v39;
	v39 =	vmul.f32 v28, v15;
	v51 =	vld.idx.msk [tilespmem:v11+s28+$0x0], $0xffff  }
.Ltmp0:
0xea: {  	v47 =	vsub.f32 v47, v48;
	v57 =	vunpack.i.l.bf16.f32 v38;
	v44 =	vmul.f32 v56, v33;
	(pc) =	sbr.rel @p0 .LBB2_3-.Ltmp0, $4  }
0xeb: {  	v50 =	vmul.f32 v30, v26;
	v58 =	vmul.f32 v27, v19;
	v38 =	vunpack.i.l.bf16.f32 v40  }
0xec: {  	v30 =	vmul.f32 v42, v47;
	v49 =	vmul.f32 v57, v41;
	v48 =	vadd.f32 v39, v53  }
0xed: {  	v39 =	vmul.f32 v54, v41;
	v53 =	vunpack.i.u.bf16.f32 v52;
	v41 =	vmul.f32 v56, v31  }
0xee: {  	v42 =	vmul.f32 v57, v26;
	v47 =	vsub.f32 v55, v58;
	v52 =	vmul.f32 v54, v26  }
0xef: {  	v46 =	vmul.f32 v53, v46  }
0xf0: {  	v37 =	vmul.f32 v37, v51;
	v20 =	vmul.f32 v28, v20  }
0xf1: {  	v45 =	vadd.f32 v50, v45;
	v28 =	vmul.f32 v43, v31;
	v50 =	vmul.f32 v43, v33  }
0xf2: {  	v40 =	vunpack.i.u.bf16.f32 v40;
	v17 =	vmul.f32 v48, v17;
	v26 =	vmul.f32 v34, v26  }
0xf3: {  	v13 =	vld.idx.msk [tilespmem:v13+s29+$0x0], $0xffff;
	v29 =	vadd.f32 v29, v35;
	v22 =	vmul.f32 v27, v22;
	v19 =	vmul.f32 v23, v19  }
0xf4: {  	v11 =	vld.idx.msk [tilespmem:v11+s29+$0x0], $0xffff;
	v15 =	vmul.f32 v16, v15;
	v49 =	vsub.f32 v49, v52;
	v28 =	vsub.f32 v28, v44  }
0xf5: {  	v51 =	vmul.f32 v47, v36;
	v26 =	vsub.f32 v32, v26;
	v20 =	vsub.f32 v20, v24  }
0xf6: {  	v45 =	vmul.f32 v45, v33;
	v16 =	vadd.f32 v19, v22;
	v22 =	vadd.f32 v42, v39  }
0xf7: {  	v24 =	vadd.f32 v50, v41;
	v28 =	vmul.f32 v38, v28;
	v19 =	vmul.f32 v26, v31  }
0xf8: {  	v15 =	vsub.f32 v25, v15;
	v10 =	vmul.f32 v20, v10;
	v13 =	vmul.f32 v16, v13  }
0xf9: {  	v20 =	vmul.f32 v40, v24;
	v11 =	vmul.f32 v29, v11;
	v16 =	vadd.f32 v45, v19  }
0xfa: {  	v19 =	vmul.f32 v27, v22;
	v22 =	vmul.f32 v23, v49;
	v13 =	vadd.f32 v13, v51  }
0xfb: {  	v14 =	vmul.f32 v14, v15;
	v10 =	vadd.f32 v17, v10;
	v11 =	vadd.f32 v11, v37  }
0xfc: {  	v15 =	vadd.f32 v28, v20;
	v17 =	vadd.f32 v22, v19;
	v13 =	vmul.f32 $5.000000000e+00, v13  }
0xfd: {  	v14 =	vadd.f32 v14, v21;
	v19 =	vadd.f32 v30, v46;
	v11 =	vmul.f32 $5.000000000e+00, v11  }
0xfe: {  	v16 =	vadd.f32 v17, v16;
	v13 =	vadd.f32 v13, v15  }
0xff: {  	v10 =	vadd.f32 v14, v10;
	v11 =	vadd.f32 v11, v19  }
0x100: {  	v12 =	vadd.f32 v16, v12;
	v13 =	vadd.f32 v13, v18;
	_ =	sdelay $0x1  }
0x101: {  	v10 =	vadd.f32 v10, v12;
	v11 =	vadd.f32 v11, v13;
	_ =	sdelay $0x1  }
0x102: {  	v10 =	vadd.f32 v11, v10  }
0x103: {  	s2 =	sand.u32 $0x3FFFFFE0, s1;
	p0 =	seq.s32 s15, $0xF;
	s13 =	rddreg [dreg:$0x0]  }
0x104: {  	s3 =	simm.s32 @!p0 $0x10;
	s4 =	simm.s32 @!p0 $0x800;
	[tilespmem:s2+$0xD800] =	vst v10;
	s2 =	sadd.s32 @!p0 $0x20, s1  }
0x105: {  	[tilespmem:s4], [sflag:$0x1] =	stream.indirect.gather @!p0 [hbm4b:s13+s3], $0x80, s2, s3, $0xb8;
	[tilespmem:$0xDA00] =	vst v63  }
0x106: {  	s20 =	rddreg [dreg:$0x1];
	s4 =	simm.s32 @!p0 $0x1000  }
0x107: {  	[tilespmem:s4], [sflag:$0x1] =	stream.indirect.gather @!p0 [hbm4b:s20+s3], $0x80, s2, s3, $0xb8;
	[tilespmem:$0xDA00] =	vst v63  }
0x108: {  	s8 =	simm.s32 @!p0 $0x1800;
	s4 =	sadd.s32 @!p0 $0x420, s1  }
0x109: {  	[tilespmem:s8], [sflag:$0x1] =	stream.indirect.gather @!p0 [hbm4b:s13+s3], $0x80, s4, s3, $0xb8;
	[tilespmem:$0xDA00] =	vst v63  }
0x10a: {  	s8 =	simm.s32 @!p0 $0x2000  }
0x10b: {  	[tilespmem:s8], [sflag:$0x1] =	stream.indirect.gather @!p0 [hbm4b:s20+s3], $0x80, s4, s3, $0xb8;
	[tilespmem:$0xDA00] =	vst v63  }
0x10c: {  	s13 =	rddreg [dreg:$0x2];
	s8 =	simm.s32 @!p0 $0x2800  }
0x10d: {  	[tilespmem:s8], [sflag:$0x1] =	stream.indirect.gather @!p0 [hbm4b:s13+s3], $0x80, s2, s3, $0xb8;
	[tilespmem:$0xDA00] =	vst v63  }
0x10e: {  	s20 =	rddreg [dreg:$0x3];
	s8 =	simm.s32 @!p0 $0x3000  }
0x10f: {  	[tilespmem:s8], [sflag:$0x1] =	stream.indirect.gather @!p0 [hbm4b:s20+s3], $0x80, s2, s3, $0xb8;
	[tilespmem:$0xDA00] =	vst v63  }
0x110: {  	s2 =	simm.s32 @!p0 $0x3800  }
0x111: {  	[tilespmem:s2], [sflag:$0x1] =	stream.indirect.gather @!p0 [hbm4b:s13+s3], $0x80, s4, s3, $0xb8;
	[tilespmem:$0xDA00] =	vst v63  }
0x112: {  	s2 =	simm.s32 @!p0 $0x4000  }
0x113: {  	[tilespmem:s2], [sflag:$0x1] =	stream.indirect.gather @!p0 [hbm4b:s20+s3], $0x80, s4, s3, $0xb8;
	[tilespmem:$0xDA00] =	vst v63  }
0x114: {  	v10 =	vld @!p0 [tilespmem:s1+$0x220];
	_ =	sdelay $0x4  }
0x115: {  	v11 =	vshrl.u32 @!p0 v10, $0x3  }
0x116: {  	v11 =	vmul.u32 @!p0 $0x18, v11  }
0x117: {  	v12 =	vlaneseq.u32 @!p0;
	v10 =	vand.u32 @!p0 $0x7, v10  }
0x118: {  	v13 =	vshrl.u32 @!p0 v12, $0x3;
	v10 =	vor.u32 @!p0 v10, v11;
	v11 =	vand.u32 @!p0 $0x7, v12  }
0x119: {  	v13 =	vmul.u32 @!p0 $0x8, v13;
	v14 =	vperm.xlane @!p0 v10, v11;
	_ =	sdelay $0x1  }
0x11a: {  	v14 =	vadd.s32 @!p0 v13, v14  }
0x11b: {  	v12 =	vor.u32 @!p0 $0x8, v12  }
0x11c: {  	v10 =	vperm.xlane @!p0 v10, v12;
	_ =	sdelay $0x1  }
0x11d: {  	vm2 =	vmmov @!p0 $0xffff;
	s2 =	simm.s32 @!p0 $0x0;
	s3 =	simm.s32 @!p0 $0x8800;
	s4 =	rddreg [dreg:$0xb];
	v10 =	vadd.s32 @!p0 v13, v10  }
0x11e: {  	[tilespmem:s3], [sflag:$0x1] =	stream.indirect_vreg.gather @!p0 [hbm4b:s4+s2], $0x80, v14, vm2, $0xb8;
	[tilespmem:$0xDA00] =	vst v63  }
0x11f: {  	vm3 =	vmmov @!p0 $0xff;
	s20 =	rddreg [dreg:$0x10];
	s3 =	simm.s32 @!p0 $0x9000  }
0x120: {  	[tilespmem:s3], [sflag:$0x1] =	stream.indirect_vreg.gather @!p0 [hbm4b:s20+s2], $0x80, v14, vm3, $0xb8;
	[tilespmem:$0xDA00] =	vst v63  }
0x121: {  	s3 =	simm.s32 @!p0 $0x9400  }
0x122: {  	[tilespmem:s3], [sflag:$0x1] =	stream.indirect_vreg.gather @!p0 [hbm4b:s4+s2], $0x80, v10, vm2, $0xb8;
	[tilespmem:$0xDA00] =	vst v63  }
0x123: {  	s3 =	simm.s32 @!p0 $0x9C00  }
0x124: {  	[tilespmem:s3], [sflag:$0x1] =	stream.indirect_vreg.gather @!p0 [hbm4b:s20+s2], $0x80, v10, vm3, $0xb8;
	[tilespmem:$0xDA00] =	vst v63  }
0x125: {  	v10 =	vld @!p0 [tilespmem:s1+$0x620];
	_ =	sdelay $0x4  }
0x126: {  	v14 =	vshll.u32 @!p0 v10, $0x1  }
0x127: {  	v10 =	vand.u32 @!p0 $0x7, v10;
	v14 =	vand.u32 @!p0 $0xFFFFFFF0, v14  }
0x128: {  	v10 =	vor.u32 @!p0 v10, v14  }
0x129: {  	v11 =	vperm.xlane @!p0 v10, v11;
	_ =	sdelay $0x1  }
0x12a: {  	v10 =	vperm.xlane @!p0 v10, v12;
	v11 =	vadd.s32 @!p0 v13, v11;
	_ =	sdelay $0x1  }
0x12b: {  	v10 =	vadd.s32 @!p0 v13, v10;
	_ =	sdelay $0x1  }
0x12c: {  	s20 =	rddreg [dreg:$0x4];
	s1 =	simm.s32 @!p0 $0xB800  }
0x12d: {  	[tilespmem:s1], [sflag:$0x1] =	stream.indirect_vreg.gather @!p0 [hbm4b:s20+s2], $0x80, v11, vm2, $0xb8;
	[tilespmem:$0xDA00] =	vst v63  }
0x12e: {  	s1 =	simm.s32 @!p0 $0xC000  }
0x12f: {  	[tilespmem:s1], [sflag:$0x1] =	stream.indirect_vreg.gather @!p0 [hbm4b:s20+s2], $0x80, v10, vm2, $0xb8;
	[tilespmem:$0xDA00] =	vst v63  }
0x130: {  	_ =	swait.ge [sflag:s6], $0x800  }
0x131: {  	[sflag:s6] =	ssyncset.done $0x0  }
0x132: {  	[sflag:s6] =	ssyncadd.s32 $0xFFFFF800  }
0x133: {  	_ =	swait.ge [sflag:s6], $0x800  }
0x134: {  	[sflag:s6] =	ssyncset.done $0x0  }
0x135: {  	[sflag:s6] =	ssyncadd.s32 $0xFFFFF800  }
0x136: {  	_ =	swait.ge [sflag:s6], $0x800  }
0x137: {  	[sflag:s6] =	ssyncset.done $0x0  }
0x138: {  	[sflag:s6] =	ssyncadd.s32 $0xFFFFF800  }
0x139: {  	_ =	swait.ge [sflag:s6], $0x800  }
0x13a: {  	[sflag:s6] =	ssyncset.done $0x0  }
0x13b: {  	[sflag:s6] =	ssyncadd.s32 $0xFFFFF800  }
0x13c: {  	_ =	swait.ge [sflag:s6], $0x800  }
0x13d: {  	[sflag:s6] =	ssyncset.done $0x0  }
0x13e: {  	[sflag:s6] =	ssyncadd.s32 $0xFFFFF800  }
0x13f: {  	_ =	swait.ge [sflag:s6], $0x800  }
0x140: {  	[sflag:s6] =	ssyncset.done $0x0  }
0x141: {  	[sflag:s6] =	ssyncadd.s32 $0xFFFFF800  }
0x142: {  	_ =	swait.ge [sflag:s6], $0x800  }
0x143: {  	[sflag:s6] =	ssyncset.done $0x0  }
0x144: {  	[sflag:s6] =	ssyncadd.s32 $0xFFFFF800  }
0x145: {  	_ =	swait.ge [sflag:s6], $0x800  }
0x146: {  	s4 =	simm.s32 $0x1;
	[sflag:s6] =	ssyncset.done $0x0  }
0x147: {  	v10 =	vadd.s32 s4, v0;
	[sflag:s6] =	ssyncadd.s32 $0xFFFFF800  }
0x148: {  	v14 =	vand.u32 $0x7F, v10;
	_ =	swait.ge [sflag:s6], $0x1800  }
0x149: {  	v10 =	vor.u32 v4, v14;
	[sflag:s6] =	ssyncset.done $0x0  }
0x14a: {  	v11 =	vor.u32 v9, v14;
	[sflag:s6] =	ssyncadd.s32 $0xFFFFE800  }
0x14b: {  	_ =	swait.ge [sflag:s6], $0x1000  }
0x14c: {  	[sflag:s6] =	ssyncset.done $0x0  }
0x14d: {  	[sflag:s6] =	ssyncadd.s32 $0xFFFFF000  }
0x14e: {  	v12 =	vor.u32 v5, v14;
	v18 =	vld.idx.msk [tilespmem:v10+s14+$0x0], $0xffff  }
0x14f: {  	v10 =	vld.idx.msk [tilespmem:v11+s7+$0x0], $0xffff  }
0x150: {  	s8 =	simm.s32 $0x0;
	v15 =	vor.u32 v3, v14;
	v21 =	vld.idx.msk [tilespmem:v11+s9+$0x0], $0xffff  }
0x151: {  	v13 =	vadd.s32 s8, v0;
	v17 =	vld.idx.msk [tilespmem:v11+s19+$0x0], $0xffff  }
0x152: {  	v23 =	vand.u32 $0x7F, v13;
	v16 =	vor.u32 v6, v14;
	v25 =	vld.idx.msk [tilespmem:v11+s10+$0x0], $0xffff  }
0x153: {  	v24 =	vor.u32 v3, v23;
	v22 =	vld.idx.msk [tilespmem:v12+s14+$0x0], $0xffff  }
0x154: {  	v13 =	vor.u32 v9, v23;
	v20 =	vld.idx.msk [tilespmem:v11+s31+$0x0], $0xffff  }
0x155: {  	v29 =	vor.u32 v6, v23;
	v26 =	vld.idx.msk [tilespmem:v15+s14+$0x0], $0xffff  }
0x156: {  	v15 =	vld.idx.msk [tilespmem:v11+s5+$0x0], $0xffff  }
0x157: {  	v30 =	vor.u32 v4, v23;
	v28 =	vld.idx.msk [tilespmem:v16+s16+$0x0], $0xffff  }
0x158: {  	v27 =	vor.u32 v7, v14;
	v61 =	vld.idx.msk [tilespmem:v24+s14+$0x0], $0xffff  }
0x159: {  	v31 =	vor.u32 v5, v23;
	v23 =	vor.u32 v7, v23;
	v36 =	vld.idx.msk [tilespmem:v13+s31+$0x0], $0xffff  }
0x15a: {  	v12 =	vimm.f32 $0.0e+00;
	v62 =	vld.idx.msk [tilespmem:v29+s16+$0x0], $0xffff;
	v16 =	vunpack.i.u.bf16.f32 v18;
	v18 =	vunpack.i.l.bf16.f32 v18  }
0x15b: {  	v19 =	vld.idx.msk [tilespmem:v13+s10+$0x0], $0xffff;
	v14 =	vunpack.i.l.bf16.f32 v22;
	v52 =	vunpack.i.u.bf16.f32 v22;
	v54 =	vunpack.i.u.bf16.f32 v26  }
0x15c: {  	v30 =	vld.idx.msk [tilespmem:v30+s14+$0x0], $0xffff;
	v63 =	vunpack.i.u.bf16.f32 v28;
	v53 =	vmul.f32 v16, v20;
	v38 =	vmul.f32 v14, v10  }
0x15d: {  	v42 =	vld.idx.msk [tilespmem:v27+s16+$0x0], $0xffff;
	v60 =	vunpack.i.l.bf16.f32 v61;
	v39 =	vmul.f32 v52, v17;
	v55 =	vmul.f32 v14, v17  }
0x15e: {  	v58 =	vld.idx.msk [tilespmem:v31+s14+$0x0], $0xffff;
	v34 =	vunpack.i.u.bf16.f32 v61;
	v27 =	vmul.f32 v18, v15;
	v24 =	vmul.f32 v54, v15  }
0x15f: {  	v40 =	vld.idx.msk [tilespmem:v23+s16+$0x0], $0xffff;
	v23 =	vunpack.i.l.bf16.f32 v62;
	v57 =	vmul.f32 v63, v25;
	v48 =	vmul.f32 v54, v20  }
0x160: {  	v33 =	vld.idx.msk [tilespmem:v13+s19+$0x0], $0xffff;
	v14 =	vunpack.i.l.bf16.f32 v28;
	v35 =	vmul.f32 v63, v21;
	v32 =	vmul.f32 v60, v36  }
0x161: {  	v31 =	vld.idx.msk [tilespmem:v13+s7+$0x0], $0xffff;
	v61 =	vunpack.i.u.bf16.f32 v30;
	v56 =	vmul.f32 v14, v21;
	v29 =	vmul.f32 v14, v25  }
0x162: {  	v22 =	vld.idx.msk [tilespmem:v13+s9+$0x0], $0xffff;
	v28 =	vunpack.i.l.bf16.f32 v26;
	v25 =	vmul.f32 v18, v20;
	v18 =	vmul.f32 v52, v10  }
0x163: {  	v45 =	vmul.f32 v34, v36;
	v59 =	vadd.f32 v27, v53;
	v27 =	vunpack.i.u.bf16.f32 v62  }
0x164: {  	v26 =	vld.idx.msk [tilespmem:v13+s5+$0x0], $0xffff;
	v62 =	vunpack.i.u.bf16.f32 v58;
	v37 =	vsub.f32 v56, v57;
	v46 =	vadd.f32 v55, v18  }
0x165: {  	v55 =	vunpack.i.l.bf16.f32 v30;
	v44 =	vmul.f32 v62, v33;
	v56 =	vmul.f32 v27, v19  }
0x166: {  	v30 =	vsub.f32 v38, v39;
	v39 =	vmul.f32 v61, v36;
	v41 =	vmul.f32 v62, v31  }
0x167: {  	v51 =	vld.idx.msk [tilespmem:v11+s11+$0x0], $0xffff;
	v43 =	vunpack.i.l.bf16.f32 v58;
	v54 =	vmul.f32 v23, v22;
	v21 =	vmul.f32 v63, v59  }
0x168: {  	v18 =	vunpack.i.l.bf16.f32 v42;
	v63 =	vmul.f32 v28, v15;
	v49 =	vmul.f32 v55, v36  }
0x169: {  	v53 =	vunpack.i.u.bf16.f32 v42;
	v50 =	vmul.f32 v60, v26;
	v30 =	vmul.f32 v18, v30  }
0x16a: {  	v38 =	vunpack.i.l.bf16.f32 v40;
	v52 =	vmul.f32 v61, v26;
	v42 =	vmul.f32 v55, v26  }
0x16b: {  	s1 =	simm.s32 $0x2;
	v36 =	vld.idx.msk [tilespmem:v13+s11+$0x0], $0xffff;
	v18 =	vimm.f32 $0.0e+00;
	v48 =	vadd.f32 v63, v48;
	v47 =	vsub.f32 v54, v56  }
.LBB2_5:
0x16c: {  	p0 =	slt.u32 s1, $0x7E;
	v45 =	vadd.f32 v50, v45;
	v46 =	vmul.f32 v53, v46;
	v37 =	vmul.f32 v37, v51;
	s2 =	smov.u32 s1;
	s1 =	sadd.s32 $0x2, s1  }
0x16d: {  	v40 =	vunpack.i.u.bf16.f32 v40;
	v20 =	vmul.f32 v28, v20;
	v49 =	vsub.f32 v49, v52  }
0x16e: {  	v29 =	vadd.f32 v29, v35;
	s3 =	sadd.s32 $0x1, s2;
	v28 =	vmul.f32 v45, v33;
	v45 =	vmul.f32 v43, v31  }
0x16f: {  	v35 =	vadd.s32 s3, v0;
	v33 =	vmul.f32 v43, v33;
	v43 =	vmul.f32 v48, v17  }
0x170: {  	v17 =	vmul.f32 v34, v26;
	v35 =	vand.u32 $0x7F, v35;
	v26 =	vsub.f32 v45, v44  }
0x171: {  	v22 =	vmul.f32 v27, v22;
	v34 =	vor.u32 v3, v35;
	v44 =	vor.u32 v4, v35;
	v45 =	vld.idx.msk [tilespmem:v11+s12+$0x0], $0xffff  }
0x172: {  	v36 =	vmul.f32 v47, v36;
	v48 =	vor.u32 v6, v35;
	v11 =	vor.u32 v9, v35;
	v13 =	vld.idx.msk [tilespmem:v13+s12+$0x0], $0xffff  }
0x173: {  	v47 =	vor.u32 v5, v35;
	v17 =	vsub.f32 v32, v17;
	v26 =	vmul.f32 v38, v26  }
0x174: {  	v19 =	vmul.f32 v23, v19;
	v15 =	vmul.f32 v16, v15;
	v20 =	vsub.f32 v20, v24  }
0x175: {  	v24 =	vadd.f32 v33, v41;
	v16 =	vmul.f32 v17, v31;
	v17 =	vadd.f32 v42, v39  }
0x176: {  	v19 =	vadd.f32 v19, v22;
	v15 =	vsub.f32 v25, v15;
	v20 =	vmul.f32 v20, v10;
	v31 =	vld.idx.msk [tilespmem:v44+s14+$0x0], $0xffff  }
0x177: {  	v22 =	vadd.f32 v28, v16;
	v25 =	vmul.f32 v27, v17;
	v16 =	vmul.f32 v29, v45;
	v10 =	vld.idx.msk [tilespmem:v11+s7+$0x0], $0xffff  }
0x178: {  	v24 =	vmul.f32 v40, v24;
	v17 =	vadd.s32 s2, v0;
	v19 =	vmul.f32 v19, v13;
	v27 =	vld.idx.msk [tilespmem:v11+s9+$0x0], $0xffff  }
0x179: {  	v30 =	vadd.f32 v30, v46;
	v28 =	vadd.f32 v43, v20;
	v29 =	vand.u32 $0x7F, v17;
	v17 =	vld.idx.msk [tilespmem:v11+s19+$0x0], $0xffff  }
0x17a: {  	v24 =	vadd.f32 v26, v24;
	v13 =	vor.u32 v9, v29;
	v32 =	vor.u32 v6, v29;
	v33 =	vld.idx.msk [tilespmem:v11+s10+$0x0], $0xffff  }
0x17b: {  	v38 =	vor.u32 v4, v29;
	v39 =	vor.u32 v5, v29;
	v37 =	vadd.f32 v16, v37;
	v26 =	vld.idx.msk [tilespmem:v47+s14+$0x0], $0xffff  }
0x17c: {  	v23 =	vmul.f32 v23, v49;
	v40 =	vor.u32 v3, v29;
	v16 =	vunpack.i.u.bf16.f32 v31;
	v20 =	vld.idx.msk [tilespmem:v11+s31+$0x0], $0xffff  }
0x17d: {  	v14 =	vmul.f32 v14, v15;
	v19 =	vadd.f32 v19, v36;
	v31 =	vunpack.i.l.bf16.f32 v31;
	v34 =	vld.idx.msk [tilespmem:v34+s14+$0x0], $0xffff  }
0x17e: {  	v35 =	vor.u32 v7, v35;
	v23 =	vadd.f32 v23, v25;
	v25 =	vmul.f32 $5.000000000e+00, v37;
	v15 =	vld.idx.msk [tilespmem:v11+s5+$0x0], $0xffff  }
0x17f: {  	v14 =	vadd.f32 v14, v21;
	v37 =	vmul.f32 $5.000000000e+00, v19;
	v36 =	vld.idx.msk [tilespmem:v48+s16+$0x0], $0xffff  }
0x180: {  	v21 =	vadd.f32 v23, v22;
	v23 =	vadd.f32 v25, v30;
	v41 =	vld.idx.msk [tilespmem:v13+s31+$0x0], $0xffff  }
0x181: {  	v42 =	vadd.f32 v14, v28;
	v30 =	vunpack.i.u.bf16.f32 v26;
	v25 =	vunpack.i.l.bf16.f32 v26;
	v19 =	vld.idx.msk [tilespmem:v13+s10+$0x0], $0xffff  }
0x182: {  	v14 =	vadd.f32 v37, v24;
	v43 =	vmul.f32 v16, v20;
	v47 =	vmul.f32 v25, v10;
	v26 =	vld.idx.msk [tilespmem:v13+s5+$0x0], $0xffff  }
0x183: {  	v48 =	vmul.f32 v30, v17;
	v44 =	vmul.f32 v25, v17;
	v37 =	vunpack.i.u.bf16.f32 v34;
	v22 =	vld.idx.msk [tilespmem:v13+s9+$0x0], $0xffff  }
0x184: {  	v12 =	vadd.f32 v21, v12;
	v18 =	vadd.f32 v14, v18;
	v28 =	vunpack.i.l.bf16.f32 v34;
	v40 =	vld.idx.msk [tilespmem:v40+s14+$0x0], $0xffff  }
0x185: {  	v21 =	vor.u32 v7, v29;
	v25 =	vmul.f32 v31, v15;
	v14 =	vunpack.i.l.bf16.f32 v36;
	v52 =	vld.idx.msk [tilespmem:v35+s16+$0x0], $0xffff  }
0x186: {  	v24 =	vmul.f32 v37, v15;
	v50 =	vunpack.i.u.bf16.f32 v36;
	v49 =	vld.idx.msk [tilespmem:v32+s16+$0x0], $0xffff;
	v32 =	vmul.f32 v14, v27  }
0x187: {  	v18 =	vadd.f32 v23, v18;
	v34 =	vmul.f32 v50, v33;
	v29 =	vmul.f32 v14, v33;
	v38 =	vld.idx.msk [tilespmem:v38+s14+$0x0], $0xffff  }
0x188: {  	v12 =	vadd.f32 v42, v12;
	v53 =	vmul.f32 v37, v20;
	v43 =	vadd.f32 v25, v43;
	v39 =	vld.idx.msk [tilespmem:v39+s14+$0x0], $0xffff  }
0x189: {  	v23 =	vmul.f32 v30, v10;
	v25 =	vmul.f32 v31, v20;
	v37 =	vsub.f32 v32, v34;
	v33 =	vld.idx.msk [tilespmem:v13+s19+$0x0], $0xffff  }
0x18a: {  	v35 =	vmul.f32 v50, v27;
	v34 =	vunpack.i.u.bf16.f32 v40;
	v30 =	vunpack.i.l.bf16.f32 v40;
	v40 =	vld.idx.msk [tilespmem:v21+s16+$0x0], $0xffff  }
0x18b: {  	v46 =	vadd.f32 v44, v23;
	v32 =	vmul.f32 v30, v41;
	v45 =	vmul.f32 v34, v41;
	v36 =	vld.idx.msk [tilespmem:v13+s11+$0x0], $0xffff  }
0x18c: {  	v42 =	vunpack.i.l.bf16.f32 v52;
	v27 =	vunpack.i.u.bf16.f32 v49;
	v23 =	vunpack.i.l.bf16.f32 v49;
	v31 =	vld.idx.msk [tilespmem:v13+s7+$0x0], $0xffff  }
0x18d: {  	v21 =	vmul.f32 v50, v43;
	v54 =	vunpack.i.u.bf16.f32 v38;
	v55 =	vmul.f32 v23, v22  }
0x18e: {  	v56 =	vunpack.i.u.bf16.f32 v39;
	v43 =	vunpack.i.l.bf16.f32 v39;
	v39 =	vmul.f32 v28, v15;
	v51 =	vld.idx.msk [tilespmem:v11+s11+$0x0], $0xffff  }
.Ltmp1:
0x18f: {  	v47 =	vsub.f32 v47, v48;
	v57 =	vunpack.i.l.bf16.f32 v38;
	v44 =	vmul.f32 v56, v33;
	(pc) =	sbr.rel @p0 .LBB2_5-.Ltmp1, $4  }
0x190: {  	v50 =	vmul.f32 v30, v26;
	v58 =	vmul.f32 v27, v19;
	v38 =	vunpack.i.l.bf16.f32 v40  }
0x191: {  	v30 =	vmul.f32 v42, v47;
	v49 =	vmul.f32 v57, v41;
	v48 =	vadd.f32 v39, v53  }
0x192: {  	v39 =	vmul.f32 v54, v41;
	v53 =	vunpack.i.u.bf16.f32 v52;
	v41 =	vmul.f32 v56, v31  }
0x193: {  	v42 =	vmul.f32 v57, v26;
	v47 =	vsub.f32 v55, v58;
	v52 =	vmul.f32 v54, v26  }
0x194: {  	v46 =	vmul.f32 v53, v46;
	v37 =	vmul.f32 v37, v51  }
0x195: {  	v20 =	vmul.f32 v28, v20;
	v63 =	vmul.f32 v43, v31  }
0x196: {  	v51 =	vmul.f32 v43, v33;
	v17 =	vmul.f32 v48, v17  }
0x197: {  	v45 =	vadd.f32 v50, v45;
	v26 =	vmul.f32 v34, v26;
	v22 =	vmul.f32 v27, v22  }
0x198: {  	v40 =	vunpack.i.u.bf16.f32 v40;
	v13 =	vld.idx.msk [tilespmem:v13+s12+$0x0], $0xffff;
	v19 =	vmul.f32 v23, v19;
	v15 =	vmul.f32 v16, v15  }
0x199: {  	v49 =	vsub.f32 v49, v52;
	v52 =	vmul.f32 v47, v36;
	v55 =	vadd.f32 v42, v39  }
0x19a: {  	v11 =	vld.idx.msk [tilespmem:v11+s12+$0x0], $0xffff;
	v45 =	vmul.f32 v45, v33;
	v28 =	vsub.f32 v63, v44;
	v26 =	vsub.f32 v32, v26  }
0x19b: {  	v20 =	vsub.f32 v20, v24;
	v53 =	vadd.f32 v19, v22;
	v58 =	vmul.f32 v27, v55  }
0x19c: {  	v56 =	vadd.f32 v51, v41;
	v60 =	vmul.f32 v23, v49;
	v28 =	vmul.f32 v38, v28  }
0x19d: {  	v29 =	vadd.f32 v29, v35;
	v54 =	vmul.f32 v26, v31;
	v13 =	vmul.f32 v53, v13  }
0x19e: {  	v15 =	vsub.f32 v25, v15;
	v10 =	vmul.f32 v20, v10;
	v59 =	vmul.f32 v40, v56  }
0x19f: {  	v11 =	vmul.f32 v29, v11;
	v62 =	vadd.f32 v60, v58;
	v13 =	vadd.f32 v13, v52  }
0x1a0: {  	v14 =	vmul.f32 v14, v15;
	v57 =	vadd.f32 v45, v54;
	v10 =	vadd.f32 v17, v10  }
0x1a1: {  	v61 =	vadd.f32 v28, v59;
	v11 =	vadd.f32 v11, v37;
	v13 =	vmul.f32 $5.000000000e+00, v13  }
0x1a2: {  	v14 =	vadd.f32 v14, v21;
	v16 =	vadd.f32 v62, v57  }
0x1a3: {  	v63 =	vadd.f32 v30, v46;
	v11 =	vmul.f32 $5.000000000e+00, v11;
	v13 =	vadd.f32 v13, v61  }
0x1a4: {  	v10 =	vadd.f32 v14, v10;
	v12 =	vadd.f32 v16, v12  }
0x1a5: {  	s15 =	sadd.s32 $0x1, s15;
	v11 =	vadd.f32 v11, v63;
	v13 =	vadd.f32 v13, v18  }
0x1a6: {  	p0 =	sne.s32 s15, $0x10  }
.Ltmp2:
0x1a7: {  	v10 =	vadd.f32 v10, v12;
	v11 =	vadd.f32 v11, v13;
	(pc) =	sbr.rel @p0 .LBB2_2-.Ltmp2, $4  }
0x1a8: {  	_ = 	snop  }
0x1a9: {  	v10 =	vadd.f32 v11, v10  }
0x1aa: {  	s0 =	rddreg [dreg:$0x14]  }
0x1ab: {  	[tilespmem:s0+$0xD800] =	vst v10  }
0x1ac: {  	s3 =	simm.s32 $0x0;
	s0 =	rddreg [dreg:$0x11];
	s1 =	simm.s32 $0xD800  }
0x1ad: {  	[hbm4b:s0+s3] =	stream.linear.scatter [tilespmem:s1], [sflag:$0x3], $0x200, $0x38;
	[tilespmem:$0xDA00] =	vst v63  }
0x1ae: {  	s1 =	simm.s32 $0x3  }
0x1af: {  	_ =	swait.ge [sflag:s1], $0x200  }
0x1b0: {  	s2 =	rddreg [dreg:$0x13]  }
0x1b1: {  	s15 =	rddreg [dreg:$0x12];
	s2 =	sadd.s32 $0x1, s2  }
0x1b2: {  	p0 =	sne.s32 s2, s15  }
.Ltmp3:
0x1b3: {  	_ = 	snop;
	(pc) =	sbr.rel @p0 .LBB2_1-.Ltmp3, $3  }
0x1b4: {  	_ =	sdelay $0x1  }
0x1b5: {  	[sflag:s1] =	ssyncset.done $0x0  }
0x1b6: {  	[sflag:s1] =	ssyncadd.s32 $0xFFFFFE00  }
0x1b7: {  	_ =	sfence.sel $0x180000  }
0x1b8: {  	[bflag:$0x0] =	sbarrier.arrive $0xFFFF  }
0x1b9: {  	_ =	strace $0x90000047  }
0x1ba: {  	s0 =	stileid.u32;
	[bflag:$0x2] =	sbarrier.arrive $0xFFFF  }
0x1bb: {  	p0 =	sne.s32 s0, $0x0;
	s0 =	rddreg [dreg:$0xa]  }
0x1bc: {  	s0 =	sadd.s32 @!p0 $0x100000, s0  }
0x1bd: {  	[sflag:s0] =	ssyncadd.tile.s32 @!p0 $0x1;
	_ =	shalt  }
.Lfunc_end2:
_tile_overlayer_lowered:
.L_overlay_start_2:
0x1be: {  	(tag) =	ssettag $0x2  }
0x1bf: {  	s0 =	rddreg [dreg:$0x0];
	s2 =	stileid.u32  }
0x1c0: {  	s1 =	rddreg [dreg:$0x1];
	p0 =	sne.s32 s2, $0x0  }
0x1c1: {  	s3 =	rddreg [dreg:$0x2];
	[bflag:$0x3] =	sbarrier.arrive $0xFFFF;
	s2 =	simm.s32 @!p0 $0x1C03  }
0x1c2: {  	[timem:s3], [sflag:s2] =	dma.local @!p0 [hbm:s0], s1  }
0x1c3: {  	s0 =	simm.s32 @!p0 $0x3  }
0x1c4: {  	_ =	swait.ge @!p0 [sflag:s0], s1  }
0x1c5: {  	s1 =	ssub.s32 @!p0 $0x0, s1;
	[sflag:s0] =	ssyncset.done @!p0 $0x0  }
0x1c6: {  	[sflag:s0] =	ssyncadd.s32 @!p0 s1  }
0x1c7: {  	[bflag:$0x3] =	sbarrier.arrive $0xFFFF  }
0x1c8: {  	_ =	shalt  }

</sc_bundles>
